<compile_context>
chip_gen: v7x
topology: tpu7x:2x2x1
jax: 0.10.2.dev20260603
libtpu: 0.0.44.dev20260713+nightly
codegen_flags: <defaults>
</compile_context>

<pallas_src>
import functools

import jax
import jax.numpy as jnp
from jax import lax
from jax.experimental import pallas as pl
from jax.experimental.pallas import tpu as pltpu
from jax.experimental.pallas import tpu_sc as plsc

N = 10000
D = 128
E = 320000

NC = 2
NS = 16
NW = NC * NS

K = 128
NCT = 80
CHUNKS = NW * NCT
E_PAD = CHUNKS * K
_mesh = plsc.VectorSubcoreMesh(
    core_axis_name="c", subcore_axis_name="s", num_cores=NC, num_subcores=NS
)


HALF = N // 2
HPAD = 5120
RPA = HPAD // NS
NCT2 = CHUNKS // NS


@functools.partial(
    pl.kernel,
    out_type=jax.ShapeDtypeStruct((NC, HPAD, D), jnp.float32),
    mesh=_mesh,
    scratch_types=[
        pltpu.VMEM((NCT2, K), jnp.int32),
        pltpu.VMEM((NCT2, K), jnp.int32),
        pltpu.VMEM((K,), jnp.int32),
        pltpu.VMEM((K,), jnp.int32),
        pltpu.VMEM((K, D), jnp.float32),
        pltpu.VMEM((K, D), jnp.float32),
        pltpu.VMEM_SHARED((HPAD, D), jnp.float32),
        pltpu.SemaphoreType.DMA,
        pltpu.SemaphoreType.DMA,
    ],
)
def _agg(g_hbm, src_hbm, dst_hbm, out_hbm, sidx, didx, didx1, didx2,
         rows0, rows1, acc, sem0, sem1):
    c = lax.axis_index("c")
    s = lax.axis_index("s")

    def fz(i, _):
        def fzl(l, _):
            rows1[i, pl.ds(l * 16, 16)] = jnp.zeros((16,), jnp.float32)
            return 0

        lax.fori_loop(0, D // 16, fzl, 0)
        return 0

    lax.fori_loop(0, 64, fz, 0)

    def initb(r, _):
        pltpu.sync_copy(rows1.at[pl.ds(0, 64), :],
                        acc.at[pl.ds(s * RPA + r * 64, 64), :])
        return 0

    lax.fori_loop(0, RPA // 64, initb, 0)
    pltpu.sync_copy(src_hbm.at[pl.ds(s * NCT2, NCT2), :], sidx)
    pltpu.sync_copy(dst_hbm.at[c, pl.ds(s * NCT2, NCT2), :], didx)
    plsc.subcore_barrier()

    pltpu.async_copy(g_hbm.at[sidx.at[0]], rows0, sem0)

    def _mv(dst1, i):
        def mv(l, _):
            dst1[pl.ds(l * 16, 16)] = didx[i, pl.ds(l * 16, 16)]
            return 0

        lax.fori_loop(0, K // 16, mv, 0)

    def _drain(i, rows, sem, dst1):
        pltpu.make_async_copy(g_hbm.at[sidx.at[i]], rows, sem).wait()
        pltpu.sync_copy(rows, acc.at[dst1], add=True)

    def body(j, _):
        i = 2 * j
        pltpu.async_copy(g_hbm.at[sidx.at[i + 1]], rows1, sem1)
        _mv(didx1, i)
        _drain(i, rows0, sem0, didx1)
        pltpu.async_copy(g_hbm.at[sidx.at[i + 2]], rows0, sem0)
        _mv(didx2, i + 1)
        _drain(i + 1, rows1, sem1, didx2)
        return 0

    lax.fori_loop(0, NCT2 // 2 - 1, body, 0)
    it = NCT2 - 2
    pltpu.async_copy(g_hbm.at[sidx.at[it + 1]], rows1, sem1)
    _mv(didx1, it)
    _drain(it, rows0, sem0, didx1)
    _mv(didx2, it + 1)
    _drain(it + 1, rows1, sem1, didx2)
    plsc.subcore_barrier()

    def obody(r, _):
        blk = rows0.at[pl.ds(0, 64), :]
        pltpu.sync_copy(acc.at[pl.ds(s * RPA + r * 64, 64), :], blk)
        pltpu.sync_copy(blk, out_hbm.at[c, pl.ds(s * RPA + r * 64, 64), :])
        return 0

    lax.fori_loop(0, RPA // 64, obody, 0)


@functools.partial(
    pl.kernel,
    out_type=jax.ShapeDtypeStruct((NC, HPAD, D), jnp.float32),
    mesh=_mesh,
    scratch_types=[
        pltpu.VMEM((NCT2, K), jnp.int32),
        pltpu.VMEM((K,), jnp.int32),
        pltpu.VMEM((K, D), jnp.float32),
        pltpu.VMEM((64, D), jnp.float32),
        pltpu.VMEM_SHARED((HPAD, D), jnp.float32),
    ],
)
def _degk(dst_hbm, out_hbm, didx, didx1, ones, zb, acc):
    c = lax.axis_index("c")
    s = lax.axis_index("s")

    def fo(i, _):
        def fol(l, _):
            ones[i, pl.ds(l * 16, 16)] = jnp.full((16,), 1.0, jnp.float32)
            return 0

        lax.fori_loop(0, D // 16, fol, 0)
        return 0

    lax.fori_loop(0, K, fo, 0)

    def fz(i, _):
        def fzl(l, _):
            zb[i, pl.ds(l * 16, 16)] = jnp.zeros((16,), jnp.float32)
            return 0

        lax.fori_loop(0, D // 16, fzl, 0)
        return 0

    lax.fori_loop(0, 64, fz, 0)

    def initb(r, _):
        pltpu.sync_copy(zb, acc.at[pl.ds(s * RPA + r * 64, 64), :])
        return 0

    lax.fori_loop(0, RPA // 64, initb, 0)
    pltpu.sync_copy(dst_hbm.at[c, pl.ds(s * NCT2, NCT2), :], didx)
    plsc.subcore_barrier()

    def body(i, _):
        def mv(l, _):
            didx1[pl.ds(l * 16, 16)] = didx[i, pl.ds(l * 16, 16)]
            return 0

        lax.fori_loop(0, K // 16, mv, 0)
        pltpu.sync_copy(ones, acc.at[didx1], add=True)
        return 0

    lax.fori_loop(0, NCT2, body, 0)
    plsc.subcore_barrier()

    def obody(r, _):
        pltpu.sync_copy(acc.at[pl.ds(s * RPA + r * 64, 64), :], zb)
        pltpu.sync_copy(zb, out_hbm.at[c, pl.ds(s * RPA + r * 64, 64), :])
        return 0

    lax.fori_loop(0, RPA // 64, obody, 0)


def _dinv_of(degp_ref):
    return lax.rsqrt(_unsplit(degp_ref) + 1.0)


def _unsplit(p_ref):
    return jnp.concatenate([p_ref[0, :HALF, :], p_ref[1, :HALF, :]], axis=0)


def _tc1_body(z_ref, w1_ref, degp_ref, g1_ref):
    dinv = _dinv_of(degp_ref)
    h = jnp.dot(z_ref[...], w1_ref[...], preferred_element_type=jnp.float32)
    g1_ref[...] = h * dinv


def _tc2_body(p_ref, g1_ref, degp_ref, gamma_ref, beta_ref, b1_ref, w2_ref,
              g2_ref):
    dinv = _dinv_of(degp_ref)
    agg = _unsplit(p_ref) + g1_ref[...]
    h = agg * dinv + b1_ref[...]
    mean = jnp.mean(h, axis=0, keepdims=True)
    var = jnp.mean((h - mean) ** 2, axis=0, keepdims=True)
    hn = (h - mean) * lax.rsqrt(var + 1e-5) * gamma_ref[...] + beta_ref[...]
    hn = jnp.maximum(hn, 0.0)
    h2 = jnp.dot(hn, w2_ref[...], preferred_element_type=jnp.float32)
    g2_ref[...] = h2 * dinv


def _tc3_body(p_ref, g2_ref, degp_ref, b2_ref, out_ref):
    dinv = _dinv_of(degp_ref)
    agg = _unsplit(p_ref) + g2_ref[...]
    out_ref[...] = agg * dinv + b2_ref[...]


_g_shape = jax.ShapeDtypeStruct((N, D), jnp.float32)
_tc1 = pl.pallas_call(_tc1_body, out_shape=_g_shape)
_tc2 = pl.pallas_call(_tc2_body, out_shape=_g_shape)
_tc3 = pl.pallas_call(_tc3_body, out_shape=_g_shape)


def kernel(t, z_nodes, edge_index, W1, b1, gamma1, beta1, W2, b2):
    del t
    npad = E_PAD - E
    lane = lax.rem(jnp.arange(npad, dtype=jnp.int32), jnp.int32(16))
    src_p = jnp.concatenate([edge_index[0], lane]).reshape(CHUNKS, K)
    dstf = jnp.concatenate([edge_index[1], jnp.int32(N) + lane])
    sac = jnp.int32(HALF) + lax.rem(
        jnp.arange(E_PAD, dtype=jnp.int32), jnp.int32(16))
    d0 = jnp.where(dstf < HALF, dstf, sac)
    d1 = jnp.where((dstf >= HALF) & (dstf < N), dstf - HALF, sac)
    dst_loc = jnp.stack([d0, d1]).reshape(NC, CHUNKS, K)
    b1r = b1[None, :]
    b2r = b2[None, :]
    gammar = gamma1[None, :]
    betar = beta1[None, :]

    degp = _degk(dst_loc)
    g1 = _tc1(z_nodes, W1, degp)
    p1 = _agg(g1, src_p, dst_loc)
    g2 = _tc2(p1, g1, degp, gammar, betar, b1r, W2)
    p2 = _agg(g2, src_p, dst_loc)
    return _tc3(p2, g2, degp, b2r)

# --- scband reference (transcript-rebuilt; emitter-appended) ---
"""Pipeline reference for scband-cnfdynamics-gnn-50036368998564 (READ-ONLY COPY).

The authoritative reference and input builder live on the scoring server;
editing this copy changes nothing except your own understanding.
"""

import jax, jax.numpy as jnp
import numpy as np

N = 10000
E = 320000
D = 128


def setup_inputs(seed: int = 0) -> dict:
    key = jax.random.key(seed)
    ks = jax.random.split(key, 8)
    z_nodes = jax.random.normal(ks[0], (N, D), dtype=jnp.float32)
    edge_index = jax.random.randint(ks[1], (2, E), 0, N, dtype=jnp.int32)
    s = 1.0 / np.sqrt(D)
    W1 = jax.random.normal(ks[2], (D, D), dtype=jnp.float32) * s
    b1 = jnp.zeros((D,), dtype=jnp.float32)
    gamma1 = jnp.ones((D,), dtype=jnp.float32)
    beta1 = jnp.zeros((D,), dtype=jnp.float32)
    W2 = jax.random.normal(ks[3], (D, D), dtype=jnp.float32) * s
    b2 = jnp.zeros((D,), dtype=jnp.float32)
    return {"t": 0, "z_nodes": z_nodes, "edge_index": edge_index, "W1": W1, "b1": b1, "gamma1": gamma1, "beta1": beta1, "W2": W2, "b2": b2}


def _gcn_conv(x, edge_index, W, b):
    # GCNConv: symmetric-normalized aggregation with self-loops
    n = x.shape[0]
    loop = jnp.arange(n, dtype=edge_index.dtype)
    src = jnp.concatenate([edge_index[0], loop])
    dst = jnp.concatenate([edge_index[1], loop])
    deg = jnp.zeros((n,), dtype=x.dtype).at[dst].add(1.0)
    dinv = jnp.where(deg > 0, deg ** -0.5, 0.0)
    norm = dinv[src] * dinv[dst]
    h = x @ W
    msg = h[src] * norm[:, None]
    out = jnp.zeros_like(h).at[dst].add(msg)
    return out + b


def reference(t, z_nodes, edge_index, W1, b1, gamma1, beta1, W2, b2):
    # time_dependent=False, so t is unused (no time concat)
    h = _gcn_conv(z_nodes, edge_index, W1, b1)
    # BatchNorm1d in training mode (batch statistics)
    mean = jnp.mean(h, axis=0)
    var = jnp.var(h, axis=0)
    h = (h - mean) / jnp.sqrt(var + 1e-5) * gamma1 + beta1
    h = jax.nn.relu(h)
    # dropout in eval mode -> identity
    dz_dt = _gcn_conv(h, edge_index, W2, b2)
    return dz_dt

if __name__ == "__main__":
    import jax
    _d = setup_inputs()
    print(jax.jit(kernel)(*tuple(_d.values())))

</pallas_src>

<mosaic_0001>
#map = affine_map<(d0, d1) -> (0, 0, 0)>
module attributes {stable_mosaic.version = 14 : i64} {
  func.func @_degk(%arg0: i32, %arg1: i32, %arg2: memref<2x2560x128xi32, #tpu.memory_space<hbm>>, %arg3: memref<2x5120x128xf32, #tpu.memory_space<hbm>>, %arg4: memref<160x128xi32, #tpu.memory_space<vmem>>, %arg5: memref<128xi32, #tpu.memory_space<vmem>>, %arg6: memref<128x128xf32, #tpu.memory_space<vmem>>, %arg7: memref<64x128xf32, #tpu.memory_space<vmem>>, %arg8: memref<5120x128xf32, #tpu.memory_space<vmem_shared>>) attributes {dimension_semantics = [#tpu.dimension_semantics<core_parallel>, #tpu.dimension_semantics<subcore_parallel>], iteration_bounds = array<i64: 2, 16>, scalar_prefetch = 0 : i64, scratch_operands = 5 : i64, tpu.core_type = #tpu.core_type<sc_vector_subcore>, window_params = [{transform_indices = #map}, {transform_indices = #map}]} {
    %scan3A = arith.constant 0 : i32
    %scan3A_0 = arith.constant 0 : i32
    %scan3A_1 = arith.constant 128 : i32
    %scan3A_2 = arith.addi %scan3A_0, %scan3A_1 : i32
    %scan3A_3 = arith.constant 1 : i32
    %scan3A_4 = scf.for %scan3A_36 = %scan3A_0 to %scan3A_2 step %scan3A_3 iter_args(%scan3A_37 = %scan3A) -> (i32)  : i32 {
      %scan3A_38 = arith.constant 0 : i32
      %scan3A_39 = arith.constant 0 : i32
      %scan3A_40 = arith.constant 8 : i32
      %scan3A_41 = arith.addi %scan3A_39, %scan3A_40 : i32
      %scan3A_42 = arith.constant 1 : i32
      %scan3A_43 = scf.for %scan3A_46 = %scan3A_39 to %scan3A_41 step %scan3A_42 iter_args(%scan3A_47 = %scan3A_38) -> (i32)  : i32 {
        %broadcast_in_dim3A = arith.constant 1.000000e+00 : f32
        %broadcast_in_dim3A_48 = vector.broadcast %broadcast_in_dim3A : f32 to vector<16xf32>
        %mul3A_49 = arith.constant 16 : i32
        %mul3A_50 = arith.muli %scan3A_46, %mul3A_49 : i32
        %swap3A = arith.index_cast %scan3A_36 : i32 to index
        %swap3A_51 = arith.index_cast %mul3A_50 : i32 to index
        %swap3A_52 = tpu.vector_load %arg6[%swap3A, %swap3A_51] {strides = array<i32>} : memref<128x128xf32, #tpu.memory_space<vmem>>, vector<1x16xf32>,
        %swap3A_53 = vector.shape_cast %swap3A_52 : vector<1x16xf32> to vector<16xf32>
        %swap3A_54 = vector.shape_cast %broadcast_in_dim3A_48 : vector<16xf32> to vector<1x16xf32>
        tpu.vector_store %arg6[%swap3A, %swap3A_51], %swap3A_54 {strides = array<i32>} : memref<128x128xf32, #tpu.memory_space<vmem>>, vector<1x16xf32>,
        %scan3A_55 = arith.constant 0 : i32
        scf.yield %scan3A_55 : i32
      }
      %scan3A_44 = arith.constant 8 : i32
      %scan3A_45 = arith.constant 0 : i32
      scf.yield %scan3A_45 : i32
    }
    %scan3A_5 = arith.constant 128 : i32
    %scan3A_6 = arith.constant 0 : i32
    %scan3A_7 = arith.constant 0 : i32
    %scan3A_8 = arith.constant 64 : i32
    %scan3A_9 = arith.addi %scan3A_7, %scan3A_8 : i32
    %scan3A_10 = arith.constant 1 : i32
    %scan3A_11 = scf.for %scan3A_36 = %scan3A_7 to %scan3A_9 step %scan3A_10 iter_args(%scan3A_37 = %scan3A_6) -> (i32)  : i32 {
      %scan3A_38 = arith.constant 0 : i32
      %scan3A_39 = arith.constant 0 : i32
      %scan3A_40 = arith.constant 8 : i32
      %scan3A_41 = arith.addi %scan3A_39, %scan3A_40 : i32
      %scan3A_42 = arith.constant 1 : i32
      %scan3A_43 = scf.for %scan3A_46 = %scan3A_39 to %scan3A_41 step %scan3A_42 iter_args(%scan3A_47 = %scan3A_38) -> (i32)  : i32 {
        %broadcast_in_dim3A = arith.constant 0.000000e+00 : f32
        %broadcast_in_dim3A_48 = vector.broadcast %broadcast_in_dim3A : f32 to vector<16xf32>
        %mul3A_49 = arith.constant 16 : i32
        %mul3A_50 = arith.muli %scan3A_46, %mul3A_49 : i32
        %swap3A = arith.index_cast %scan3A_36 : i32 to index
        %swap3A_51 = arith.index_cast %mul3A_50 : i32 to index
        %swap3A_52 = tpu.vector_load %arg7[%swap3A, %swap3A_51] {strides = array<i32>} : memref<64x128xf32, #tpu.memory_space<vmem>>, vector<1x16xf32>,
        %swap3A_53 = vector.shape_cast %swap3A_52 : vector<1x16xf32> to vector<16xf32>
        %swap3A_54 = vector.shape_cast %broadcast_in_dim3A_48 : vector<16xf32> to vector<1x16xf32>
        tpu.vector_store %arg7[%swap3A, %swap3A_51], %swap3A_54 {strides = array<i32>} : memref<64x128xf32, #tpu.memory_space<vmem>>, vector<1x16xf32>,
        %scan3A_55 = arith.constant 0 : i32
        scf.yield %scan3A_55 : i32
      }
      %scan3A_44 = arith.constant 8 : i32
      %scan3A_45 = arith.constant 0 : i32
      scf.yield %scan3A_45 : i32
    }
    %scan3A_12 = arith.constant 64 : i32
    %scan3A_13 = arith.constant 0 : i32
    %scan3A_14 = arith.constant 0 : i32
    %scan3A_15 = arith.constant 5 : i32
    %scan3A_16 = arith.addi %scan3A_14, %scan3A_15 : i32
    %scan3A_17 = arith.constant 1 : i32
    %scan3A_18 = scf.for %scan3A_36 = %scan3A_14 to %scan3A_16 step %scan3A_17 iter_args(%scan3A_37 = %scan3A_13) -> (i32)  : i32 {
      %mul3A_38 = arith.constant 320 : i32
      %mul3A_39 = arith.muli %arg1, %mul3A_38 : i32
      %mul3A_40 = arith.constant 64 : i32
      %mul3A_41 = arith.muli %scan3A_36, %mul3A_40 : i32
      %add3A = arith.addi %mul3A_39, %mul3A_41 : i32
      "tpu.region"() ({
        %run_scoped3A = tpu.sem_alloc : memref<!tpu.dma_semaphore, #tpu.memory_space<semaphore_mem>>
        %dma_start3A = arith.constant 0 : i32
        %dma_start3A_43 = tpu.memref_slice %arg8[%add3A, %dma_start3A] : memref<5120x128xf32, #tpu.memory_space<vmem_shared>> -> memref<64x128xf32, #tpu.memory_space<vmem_shared>>
        %dma_start3A_44 = arith.constant 0 : i32
        %dma_start3A_45 = tpu.memref_slice %arg8[%add3A, %dma_start3A_44] : memref<5120x128xf32, #tpu.memory_space<vmem_shared>> -> memref<64x128xf32, #tpu.memory_space<vmem_shared>>
        tpu.enqueue_dma source(%arg7 : memref<64x128xf32, #tpu.memory_space<vmem>>) target(%dma_start3A_45 : memref<64x128xf32, #tpu.memory_space<vmem_shared>>) target_semaphore(%run_scoped3A : memref<!tpu.dma_semaphore, #tpu.memory_space<semaphore_mem>>)
        %dma_wait3A = arith.constant 0 : i32
        %dma_wait3A_46 = tpu.memref_slice %arg8[%add3A, %dma_wait3A] : memref<5120x128xf32, #tpu.memory_space<vmem_shared>> -> memref<64x128xf32, #tpu.memory_space<vmem_shared>>
        %dma_wait3A_47 = arith.constant 0 : i32
        %dma_wait3A_48 = tpu.memref_slice %arg8[%add3A, %dma_wait3A_47] : memref<5120x128xf32, #tpu.memory_space<vmem_shared>> -> memref<64x128xf32, #tpu.memory_space<vmem_shared>>
        tpu.wait_dma2 semaphore(%run_scoped3A : memref<!tpu.dma_semaphore, #tpu.memory_space<semaphore_mem>>) src(%arg7 : memref<64x128xf32, #tpu.memory_space<vmem>>) dst(%dma_wait3A_48 : memref<64x128xf32, #tpu.memory_space<vmem_shared>>)
        tpu.yield
      }) : () -> ()
      %scan3A_42 = arith.constant 0 : i32
      scf.yield %scan3A_42 : i32
    }
    %scan3A_19 = arith.constant 5 : i32
    %mul3A = arith.constant 160 : i32
    %mul3A_20 = arith.muli %arg1, %mul3A : i32
    "tpu.region"() ({
      %run_scoped3A = tpu.sem_alloc : memref<!tpu.dma_semaphore, #tpu.memory_space<semaphore_mem>>
      %dma_start3A = arith.constant 0 : i32
      %dma_start3A_36 = tpu.memref_slice %arg2[%arg0, %mul3A_20, %dma_start3A] : memref<2x2560x128xi32, #tpu.memory_space<hbm>> -> memref<1x160x128xi32, #tpu.memory_space<hbm>>
      %dma_start3A_37 = tpu.memref_squeeze %dma_start3A_36 : memref<1x160x128xi32, #tpu.memory_space<hbm>> -> memref<160x128xi32, #tpu.memory_space<hbm>>
      %dma_start3A_38 = arith.constant 0 : i32
      %dma_start3A_39 = tpu.memref_slice %arg2[%arg0, %mul3A_20, %dma_start3A_38] : memref<2x2560x128xi32, #tpu.memory_space<hbm>> -> memref<1x160x128xi32, #tpu.memory_space<hbm>>
      %dma_start3A_40 = tpu.memref_squeeze %dma_start3A_39 : memref<1x160x128xi32, #tpu.memory_space<hbm>> -> memref<160x128xi32, #tpu.memory_space<hbm>>
      tpu.enqueue_dma source(%dma_start3A_40 : memref<160x128xi32, #tpu.memory_space<hbm>>) target(%arg4 : memref<160x128xi32, #tpu.memory_space<vmem>>) target_semaphore(%run_scoped3A : memref<!tpu.dma_semaphore, #tpu.memory_space<semaphore_mem>>)
      %dma_wait3A = arith.constant 0 : i32
      %dma_wait3A_41 = tpu.memref_slice %arg2[%arg0, %mul3A_20, %dma_wait3A] : memref<2x2560x128xi32, #tpu.memory_space<hbm>> -> memref<1x160x128xi32, #tpu.memory_space<hbm>>
      %dma_wait3A_42 = tpu.memref_squeeze %dma_wait3A_41 : memref<1x160x128xi32, #tpu.memory_space<hbm>> -> memref<160x128xi32, #tpu.memory_space<hbm>>
      %dma_wait3A_43 = arith.constant 0 : i32
      %dma_wait3A_44 = tpu.memref_slice %arg2[%arg0, %mul3A_20, %dma_wait3A_43] : memref<2x2560x128xi32, #tpu.memory_space<hbm>> -> memref<1x160x128xi32, #tpu.memory_space<hbm>>
      %dma_wait3A_45 = tpu.memref_squeeze %dma_wait3A_44 : memref<1x160x128xi32, #tpu.memory_space<hbm>> -> memref<160x128xi32, #tpu.memory_space<hbm>>
      tpu.wait_dma2 semaphore(%run_scoped3A : memref<!tpu.dma_semaphore, #tpu.memory_space<semaphore_mem>>) src(%dma_wait3A_45 : memref<160x128xi32, #tpu.memory_space<hbm>>) dst(%arg4 : memref<160x128xi32, #tpu.memory_space<vmem>>)
      tpu.yield
    }) : () -> ()
    %barrier3A = arith.constant 0 : index
    tpu.barrier barrier_id(%barrier3A)
    %scan3A_21 = arith.constant 0 : i32
    %scan3A_22 = arith.constant 0 : i32
    %scan3A_23 = arith.constant 160 : i32
    %scan3A_24 = arith.addi %scan3A_22, %scan3A_23 : i32
    %scan3A_25 = arith.constant 1 : i32
    %scan3A_26 = scf.for %scan3A_36 = %scan3A_22 to %scan3A_24 step %scan3A_25 iter_args(%scan3A_37 = %scan3A_21) -> (i32)  : i32 {
      %scan3A_38 = arith.constant 0 : i32
      %scan3A_39 = arith.constant 0 : i32
      %scan3A_40 = arith.constant 8 : i32
      %scan3A_41 = arith.addi %scan3A_39, %scan3A_40 : i32
      %scan3A_42 = arith.constant 1 : i32
      %scan3A_43 = scf.for %scan3A_46 = %scan3A_39 to %scan3A_41 step %scan3A_42 iter_args(%scan3A_47 = %scan3A_38) -> (i32)  : i32 {
        %mul3A_48 = arith.constant 16 : i32
        %mul3A_49 = arith.muli %scan3A_46, %mul3A_48 : i32
        %get3A = arith.index_cast %scan3A_36 : i32 to index
        %get3A_50 = arith.index_cast %mul3A_49 : i32 to index
        %get3A_51 = tpu.vector_load %arg4[%get3A, %get3A_50] {strides = array<i32>} : memref<160x128xi32, #tpu.memory_space<vmem>>, vector<1x16xi32>,
        %get3A_52 = vector.shape_cast %get3A_51 : vector<1x16xi32> to vector<16xi32>
        %mul3A_53 = arith.constant 16 : i32
        %mul3A_54 = arith.muli %scan3A_46, %mul3A_53 : i32
        %swap3A = arith.index_cast %mul3A_54 : i32 to index
        %swap3A_55 = tpu.vector_load %arg5[%swap3A] {strides = array<i32>} : memref<128xi32, #tpu.memory_space<vmem>>, vector<16xi32>,
        %swap3A_56 = vector.shape_cast %swap3A_55 : vector<16xi32> to vector<16xi32>
        %swap3A_57 = vector.shape_cast %get3A_52 : vector<16xi32> to vector<16xi32>
        tpu.vector_store %arg5[%swap3A], %swap3A_57 {strides = array<i32>} : memref<128xi32, #tpu.memory_space<vmem>>, vector<16xi32>,
        %scan3A_58 = arith.constant 0 : i32
        scf.yield %scan3A_58 : i32
      }
      %scan3A_44 = arith.constant 8 : i32
      "tpu.region"() ({
        %run_scoped3A = tpu.sem_alloc : memref<!tpu.dma_semaphore, #tpu.memory_space<semaphore_mem>>
        %dma_start3A = arith.constant 0 : i32
        %dma_start3A_46 = arith.constant 0 : i32
        %dma_start3A_47 = tpu.memref_slice %arg8[%dma_start3A, %dma_start3A_46] : memref<5120x128xf32, #tpu.memory_space<vmem_shared>> -> memref<5120x128xf32, #tpu.memory_space<vmem_shared>>
        tpu.enqueue_indirect_dma source(%arg6 : memref<128x128xf32, #tpu.memory_space<vmem>>) target(%dma_start3A_47 : memref<5120x128xf32, #tpu.memory_space<vmem_shared>>) offsets(%arg5 : memref<128xi32, #tpu.memory_space<vmem>>) semaphore(%run_scoped3A : memref<!tpu.dma_semaphore, #tpu.memory_space<semaphore_mem>>) {add = true}
        %dma_wait3A = arith.constant 0 : i32
        %dma_wait3A_48 = arith.constant 0 : i32
        %dma_wait3A_49 = tpu.memref_slice %arg8[%dma_wait3A, %dma_wait3A_48] : memref<5120x128xf32, #tpu.memory_space<vmem_shared>> -> memref<5120x128xf32, #tpu.memory_space<vmem_shared>>
        tpu.wait_indirect_dma semaphore(%run_scoped3A : memref<!tpu.dma_semaphore, #tpu.memory_space<semaphore_mem>>) src(%arg6 : memref<128x128xf32, #tpu.memory_space<vmem>>) dst(%dma_wait3A_49 : memref<5120x128xf32, #tpu.memory_space<vmem_shared>>)
        tpu.yield
      }) : () -> ()
      %scan3A_45 = arith.constant 0 : i32
      scf.yield %scan3A_45 : i32
    }
    %scan3A_27 = arith.constant 160 : i32
    %barrier3A_28 = arith.constant 0 : index
    tpu.barrier barrier_id(%barrier3A_28)
    %scan3A_29 = arith.constant 0 : i32
    %scan3A_30 = arith.constant 0 : i32
    %scan3A_31 = arith.constant 5 : i32
    %scan3A_32 = arith.addi %scan3A_30, %scan3A_31 : i32
    %scan3A_33 = arith.constant 1 : i32
    %scan3A_34 = scf.for %scan3A_36 = %scan3A_30 to %scan3A_32 step %scan3A_33 iter_args(%scan3A_37 = %scan3A_29) -> (i32)  : i32 {
      %mul3A_38 = arith.constant 320 : i32
      %mul3A_39 = arith.muli %arg1, %mul3A_38 : i32
      %mul3A_40 = arith.constant 64 : i32
      %mul3A_41 = arith.muli %scan3A_36, %mul3A_40 : i32
      %add3A = arith.addi %mul3A_39, %mul3A_41 : i32
      "tpu.region"() ({
        %run_scoped3A = tpu.sem_alloc : memref<!tpu.dma_semaphore, #tpu.memory_space<semaphore_mem>>
        %dma_start3A = arith.constant 0 : i32
        %dma_start3A_48 = tpu.memref_slice %arg8[%add3A, %dma_start3A] : memref<5120x128xf32, #tpu.memory_space<vmem_shared>> -> memref<64x128xf32, #tpu.memory_space<vmem_shared>>
        %dma_start3A_49 = arith.constant 0 : i32
        %dma_start3A_50 = tpu.memref_slice %arg8[%add3A, %dma_start3A_49] : memref<5120x128xf32, #tpu.memory_space<vmem_shared>> -> memref<64x128xf32, #tpu.memory_space<vmem_shared>>
        tpu.enqueue_dma source(%dma_start3A_50 : memref<64x128xf32, #tpu.memory_space<vmem_shared>>) target(%arg7 : memref<64x128xf32, #tpu.memory_space<vmem>>) target_semaphore(%run_scoped3A : memref<!tpu.dma_semaphore, #tpu.memory_space<semaphore_mem>>)
        %dma_wait3A = arith.constant 0 : i32
        %dma_wait3A_51 = tpu.memref_slice %arg8[%add3A, %dma_wait3A] : memref<5120x128xf32, #tpu.memory_space<vmem_shared>> -> memref<64x128xf32, #tpu.memory_space<vmem_shared>>
        %dma_wait3A_52 = arith.constant 0 : i32
        %dma_wait3A_53 = tpu.memref_slice %arg8[%add3A, %dma_wait3A_52] : memref<5120x128xf32, #tpu.memory_space<vmem_shared>> -> memref<64x128xf32, #tpu.memory_space<vmem_shared>>
        tpu.wait_dma2 semaphore(%run_scoped3A : memref<!tpu.dma_semaphore, #tpu.memory_space<semaphore_mem>>) src(%dma_wait3A_53 : memref<64x128xf32, #tpu.memory_space<vmem_shared>>) dst(%arg7 : memref<64x128xf32, #tpu.memory_space<vmem>>)
        tpu.yield
      }) : () -> ()
      %mul3A_42 = arith.constant 320 : i32
      %mul3A_43 = arith.muli %arg1, %mul3A_42 : i32
      %mul3A_44 = arith.constant 64 : i32
      %mul3A_45 = arith.muli %scan3A_36, %mul3A_44 : i32
      %add3A_46 = arith.addi %mul3A_43, %mul3A_45 : i32
      "tpu.region"() ({
        %run_scoped3A = tpu.sem_alloc : memref<!tpu.dma_semaphore, #tpu.memory_space<semaphore_mem>>
        %dma_start3A = arith.constant 0 : i32
        %dma_start3A_48 = tpu.memref_slice %arg3[%arg0, %add3A_46, %dma_start3A] : memref<2x5120x128xf32, #tpu.memory_space<hbm>> -> memref<1x64x128xf32, #tpu.memory_space<hbm>>
        %dma_start3A_49 = tpu.memref_squeeze %dma_start3A_48 : memref<1x64x128xf32, #tpu.memory_space<hbm>> -> memref<64x128xf32, #tpu.memory_space<hbm>>
        %dma_start3A_50 = arith.constant 0 : i32
        %dma_start3A_51 = tpu.memref_slice %arg3[%arg0, %add3A_46, %dma_start3A_50] : memref<2x5120x128xf32, #tpu.memory_space<hbm>> -> memref<1x64x128xf32, #tpu.memory_space<hbm>>
        %dma_start3A_52 = tpu.memref_squeeze %dma_start3A_51 : memref<1x64x128xf32, #tpu.memory_space<hbm>> -> memref<64x128xf32, #tpu.memory_space<hbm>>
        tpu.enqueue_dma source(%arg7 : memref<64x128xf32, #tpu.memory_space<vmem>>) target(%dma_start3A_52 : memref<64x128xf32, #tpu.memory_space<hbm>>) target_semaphore(%run_scoped3A : memref<!tpu.dma_semaphore, #tpu.memory_space<semaphore_mem>>)
        %dma_wait3A = arith.constant 0 : i32
        %dma_wait3A_53 = tpu.memref_slice %arg3[%arg0, %add3A_46, %dma_wait3A] : memref<2x5120x128xf32, #tpu.memory_space<hbm>> -> memref<1x64x128xf32, #tpu.memory_space<hbm>>
        %dma_wait3A_54 = tpu.memref_squeeze %dma_wait3A_53 : memref<1x64x128xf32, #tpu.memory_space<hbm>> -> memref<64x128xf32, #tpu.memory_space<hbm>>
        %dma_wait3A_55 = arith.constant 0 : i32
        %dma_wait3A_56 = tpu.memref_slice %arg3[%arg0, %add3A_46, %dma_wait3A_55] : memref<2x5120x128xf32, #tpu.memory_space<hbm>> -> memref<1x64x128xf32, #tpu.memory_space<hbm>>
        %dma_wait3A_57 = tpu.memref_squeeze %dma_wait3A_56 : memref<1x64x128xf32, #tpu.memory_space<hbm>> -> memref<64x128xf32, #tpu.memory_space<hbm>>
        tpu.wait_dma2 semaphore(%run_scoped3A : memref<!tpu.dma_semaphore, #tpu.memory_space<semaphore_mem>>) src(%arg7 : memref<64x128xf32, #tpu.memory_space<vmem>>) dst(%dma_wait3A_57 : memref<64x128xf32, #tpu.memory_space<hbm>>)
        tpu.yield
      }) : () -> ()
      %scan3A_47 = arith.constant 0 : i32
      scf.yield %scan3A_47 : i32
    }
    %scan3A_35 = arith.constant 5 : i32
    return
  }
}

#map = affine_map<(d0, d1) -> (0, 0)>
#map1 = affine_map<(d0, d1) -> (0, 0, 0)>
module attributes {stable_mosaic.version = 14 : i64} {
  func.func @_agg(%arg0: i32, %arg1: i32, %arg2: memref<10000x128xf32, #tpu.memory_space<hbm>>, %arg3: memref<2560x128xi32, #tpu.memory_space<hbm>>, %arg4: memref<2x2560x128xi32, #tpu.memory_space<hbm>>, %arg5: memref<2x5120x128xf32, #tpu.memory_space<hbm>>, %arg6: memref<160x128xi32, #tpu.memory_space<vmem>>, %arg7: memref<160x128xi32, #tpu.memory_space<vmem>>, %arg8: memref<128xi32, #tpu.memory_space<vmem>>, %arg9: memref<128xi32, #tpu.memory_space<vmem>>, %arg10: memref<128x128xf32, #tpu.memory_space<vmem>>, %arg11: memref<128x128xf32, #tpu.memory_space<vmem>>, %arg12: memref<5120x128xf32, #tpu.memory_space<vmem_shared>>, %arg13: memref<!tpu.dma_semaphore, #tpu.memory_space<semaphore_mem>>, %arg14: memref<!tpu.dma_semaphore, #tpu.memory_space<semaphore_mem>>) attributes {dimension_semantics = [#tpu.dimension_semantics<core_parallel>, #tpu.dimension_semantics<subcore_parallel>], iteration_bounds = array<i64: 2, 16>, scalar_prefetch = 0 : i64, scratch_operands = 9 : i64, tpu.core_type = #tpu.core_type<sc_vector_subcore>, window_params = [{transform_indices = #map}, {transform_indices = #map}, {transform_indices = #map1}, {transform_indices = #map1}]} {
    %scan3A = arith.constant 0 : i32
    %scan3A_0 = arith.constant 0 : i32
    %scan3A_1 = arith.constant 64 : i32
    %scan3A_2 = arith.addi %scan3A_0, %scan3A_1 : i32
    %scan3A_3 = arith.constant 1 : i32
    %scan3A_4 = scf.for %scan3A_71 = %scan3A_0 to %scan3A_2 step %scan3A_3 iter_args(%scan3A_72 = %scan3A) -> (i32)  : i32 {
      %scan3A_73 = arith.constant 0 : i32
      %scan3A_74 = arith.constant 0 : i32
      %scan3A_75 = arith.constant 8 : i32
      %scan3A_76 = arith.addi %scan3A_74, %scan3A_75 : i32
      %scan3A_77 = arith.constant 1 : i32
      %scan3A_78 = scf.for %scan3A_81 = %scan3A_74 to %scan3A_76 step %scan3A_77 iter_args(%scan3A_82 = %scan3A_73) -> (i32)  : i32 {
        %broadcast_in_dim3A = arith.constant 0.000000e+00 : f32
        %broadcast_in_dim3A_83 = vector.broadcast %broadcast_in_dim3A : f32 to vector<16xf32>
        %mul3A_84 = arith.constant 16 : i32
        %mul3A_85 = arith.muli %scan3A_81, %mul3A_84 : i32
        %swap3A = arith.index_cast %scan3A_71 : i32 to index
        %swap3A_86 = arith.index_cast %mul3A_85 : i32 to index
        %swap3A_87 = tpu.vector_load %arg11[%swap3A, %swap3A_86] {strides = array<i32>} : memref<128x128xf32, #tpu.memory_space<vmem>>, vector<1x16xf32>,
        %swap3A_88 = vector.shape_cast %swap3A_87 : vector<1x16xf32> to vector<16xf32>
        %swap3A_89 = vector.shape_cast %broadcast_in_dim3A_83 : vector<16xf32> to vector<1x16xf32>
        tpu.vector_store %arg11[%swap3A, %swap3A_86], %swap3A_89 {strides = array<i32>} : memref<128x128xf32, #tpu.memory_space<vmem>>, vector<1x16xf32>,
        %scan3A_90 = arith.constant 0 : i32
        scf.yield %scan3A_90 : i32
      }
      %scan3A_79 = arith.constant 8 : i32
      %scan3A_80 = arith.constant 0 : i32
      scf.yield %scan3A_80 : i32
    }
    %scan3A_5 = arith.constant 64 : i32
    %scan3A_6 = arith.constant 0 : i32
    %scan3A_7 = arith.constant 0 : i32
    %scan3A_8 = arith.constant 5 : i32
    %scan3A_9 = arith.addi %scan3A_7, %scan3A_8 : i32
    %scan3A_10 = arith.constant 1 : i32
    %scan3A_11 = scf.for %scan3A_71 = %scan3A_7 to %scan3A_9 step %scan3A_10 iter_args(%scan3A_72 = %scan3A_6) -> (i32)  : i32 {
      %mul3A_73 = arith.constant 320 : i32
      %mul3A_74 = arith.muli %arg1, %mul3A_73 : i32
      %mul3A_75 = arith.constant 64 : i32
      %mul3A_76 = arith.muli %scan3A_71, %mul3A_75 : i32
      %add3A = arith.addi %mul3A_74, %mul3A_76 : i32
      "tpu.region"() ({
        %run_scoped3A = tpu.sem_alloc : memref<!tpu.dma_semaphore, #tpu.memory_space<semaphore_mem>>
        %dma_start3A_78 = arith.constant 0 : i32
        %dma_start3A_79 = arith.constant 0 : i32
        %dma_start3A_80 = tpu.memref_slice %arg11[%dma_start3A_78, %dma_start3A_79] : memref<128x128xf32, #tpu.memory_space<vmem>> -> memref<64x128xf32, #tpu.memory_space<vmem>>
        %dma_start3A_81 = arith.constant 0 : i32
        %dma_start3A_82 = tpu.memref_slice %arg12[%add3A, %dma_start3A_81] : memref<5120x128xf32, #tpu.memory_space<vmem_shared>> -> memref<64x128xf32, #tpu.memory_space<vmem_shared>>
        %dma_start3A_83 = arith.constant 0 : i32
        %dma_start3A_84 = tpu.memref_slice %arg12[%add3A, %dma_start3A_83] : memref<5120x128xf32, #tpu.memory_space<vmem_shared>> -> memref<64x128xf32, #tpu.memory_space<vmem_shared>>
        %dma_start3A_85 = arith.constant 0 : i32
        %dma_start3A_86 = arith.constant 0 : i32
        %dma_start3A_87 = tpu.memref_slice %arg11[%dma_start3A_85, %dma_start3A_86] : memref<128x128xf32, #tpu.memory_space<vmem>> -> memref<64x128xf32, #tpu.memory_space<vmem>>
        tpu.enqueue_dma source(%dma_start3A_87 : memref<64x128xf32, #tpu.memory_space<vmem>>) target(%dma_start3A_84 : memref<64x128xf32, #tpu.memory_space<vmem_shared>>) target_semaphore(%run_scoped3A : memref<!tpu.dma_semaphore, #tpu.memory_space<semaphore_mem>>)
        %dma_wait3A_88 = arith.constant 0 : i32
        %dma_wait3A_89 = arith.constant 0 : i32
        %dma_wait3A_90 = tpu.memref_slice %arg11[%dma_wait3A_88, %dma_wait3A_89] : memref<128x128xf32, #tpu.memory_space<vmem>> -> memref<64x128xf32, #tpu.memory_space<vmem>>
        %dma_wait3A_91 = arith.constant 0 : i32
        %dma_wait3A_92 = tpu.memref_slice %arg12[%add3A, %dma_wait3A_91] : memref<5120x128xf32, #tpu.memory_space<vmem_shared>> -> memref<64x128xf32, #tpu.memory_space<vmem_shared>>
        %dma_wait3A_93 = arith.constant 0 : i32
        %dma_wait3A_94 = tpu.memref_slice %arg12[%add3A, %dma_wait3A_93] : memref<5120x128xf32, #tpu.memory_space<vmem_shared>> -> memref<64x128xf32, #tpu.memory_space<vmem_shared>>
        %dma_wait3A_95 = arith.constant 0 : i32
        %dma_wait3A_96 = arith.constant 0 : i32
        %dma_wait3A_97 = tpu.memref_slice %arg11[%dma_wait3A_95, %dma_wait3A_96] : memref<128x128xf32, #tpu.memory_space<vmem>> -> memref<64x128xf32, #tpu.memory_space<vmem>>
        tpu.wait_dma2 semaphore(%run_scoped3A : memref<!tpu.dma_semaphore, #tpu.memory_space<semaphore_mem>>) src(%dma_wait3A_97 : memref<64x128xf32, #tpu.memory_space<vmem>>) dst(%dma_wait3A_94 : memref<64x128xf32, #tpu.memory_space<vmem_shared>>)
        tpu.yield
      }) : () -> ()
      %scan3A_77 = arith.constant 0 : i32
      scf.yield %scan3A_77 : i32
    }
    %scan3A_12 = arith.constant 5 : i32
    %mul3A = arith.constant 160 : i32
    %mul3A_13 = arith.muli %arg1, %mul3A : i32
    "tpu.region"() ({
      %run_scoped3A = tpu.sem_alloc : memref<!tpu.dma_semaphore, #tpu.memory_space<semaphore_mem>>
      %dma_start3A_71 = arith.constant 0 : i32
      %dma_start3A_72 = tpu.memref_slice %arg3[%mul3A_13, %dma_start3A_71] : memref<2560x128xi32, #tpu.memory_space<hbm>> -> memref<160x128xi32, #tpu.memory_space<hbm>>
      %dma_start3A_73 = arith.constant 0 : i32
      %dma_start3A_74 = tpu.memref_slice %arg3[%mul3A_13, %dma_start3A_73] : memref<2560x128xi32, #tpu.memory_space<hbm>> -> memref<160x128xi32, #tpu.memory_space<hbm>>
      tpu.enqueue_dma source(%dma_start3A_74 : memref<160x128xi32, #tpu.memory_space<hbm>>) target(%arg6 : memref<160x128xi32, #tpu.memory_space<vmem>>) target_semaphore(%run_scoped3A : memref<!tpu.dma_semaphore, #tpu.memory_space<semaphore_mem>>)
      %dma_wait3A_75 = arith.constant 0 : i32
      %dma_wait3A_76 = tpu.memref_slice %arg3[%mul3A_13, %dma_wait3A_75] : memref<2560x128xi32, #tpu.memory_space<hbm>> -> memref<160x128xi32, #tpu.memory_space<hbm>>
      %dma_wait3A_77 = arith.constant 0 : i32
      %dma_wait3A_78 = tpu.memref_slice %arg3[%mul3A_13, %dma_wait3A_77] : memref<2560x128xi32, #tpu.memory_space<hbm>> -> memref<160x128xi32, #tpu.memory_space<hbm>>
      tpu.wait_dma2 semaphore(%run_scoped3A : memref<!tpu.dma_semaphore, #tpu.memory_space<semaphore_mem>>) src(%dma_wait3A_78 : memref<160x128xi32, #tpu.memory_space<hbm>>) dst(%arg6 : memref<160x128xi32, #tpu.memory_space<vmem>>)
      tpu.yield
    }) : () -> ()
    %mul3A_14 = arith.constant 160 : i32
    %mul3A_15 = arith.muli %arg1, %mul3A_14 : i32
    "tpu.region"() ({
      %run_scoped3A = tpu.sem_alloc : memref<!tpu.dma_semaphore, #tpu.memory_space<semaphore_mem>>
      %dma_start3A_71 = arith.constant 0 : i32
      %dma_start3A_72 = tpu.memref_slice %arg4[%arg0, %mul3A_15, %dma_start3A_71] : memref<2x2560x128xi32, #tpu.memory_space<hbm>> -> memref<1x160x128xi32, #tpu.memory_space<hbm>>
      %dma_start3A_73 = tpu.memref_squeeze %dma_start3A_72 : memref<1x160x128xi32, #tpu.memory_space<hbm>> -> memref<160x128xi32, #tpu.memory_space<hbm>>
      %dma_start3A_74 = arith.constant 0 : i32
      %dma_start3A_75 = tpu.memref_slice %arg4[%arg0, %mul3A_15, %dma_start3A_74] : memref<2x2560x128xi32, #tpu.memory_space<hbm>> -> memref<1x160x128xi32, #tpu.memory_space<hbm>>
      %dma_start3A_76 = tpu.memref_squeeze %dma_start3A_75 : memref<1x160x128xi32, #tpu.memory_space<hbm>> -> memref<160x128xi32, #tpu.memory_space<hbm>>
      tpu.enqueue_dma source(%dma_start3A_76 : memref<160x128xi32, #tpu.memory_space<hbm>>) target(%arg7 : memref<160x128xi32, #tpu.memory_space<vmem>>) target_semaphore(%run_scoped3A : memref<!tpu.dma_semaphore, #tpu.memory_space<semaphore_mem>>)
      %dma_wait3A_77 = arith.constant 0 : i32
      %dma_wait3A_78 = tpu.memref_slice %arg4[%arg0, %mul3A_15, %dma_wait3A_77] : memref<2x2560x128xi32, #tpu.memory_space<hbm>> -> memref<1x160x128xi32, #tpu.memory_space<hbm>>
      %dma_wait3A_79 = tpu.memref_squeeze %dma_wait3A_78 : memref<1x160x128xi32, #tpu.memory_space<hbm>> -> memref<160x128xi32, #tpu.memory_space<hbm>>
      %dma_wait3A_80 = arith.constant 0 : i32
      %dma_wait3A_81 = tpu.memref_slice %arg4[%arg0, %mul3A_15, %dma_wait3A_80] : memref<2x2560x128xi32, #tpu.memory_space<hbm>> -> memref<1x160x128xi32, #tpu.memory_space<hbm>>
      %dma_wait3A_82 = tpu.memref_squeeze %dma_wait3A_81 : memref<1x160x128xi32, #tpu.memory_space<hbm>> -> memref<160x128xi32, #tpu.memory_space<hbm>>
      tpu.wait_dma2 semaphore(%run_scoped3A : memref<!tpu.dma_semaphore, #tpu.memory_space<semaphore_mem>>) src(%dma_wait3A_82 : memref<160x128xi32, #tpu.memory_space<hbm>>) dst(%arg7 : memref<160x128xi32, #tpu.memory_space<vmem>>)
      tpu.yield
    }) : () -> ()
    %barrier3A = arith.constant 0 : index
    tpu.barrier barrier_id(%barrier3A)
    %dma_start3A = arith.constant 0 : i32
    %dma_start3A_16 = arith.constant 0 : i32
    %dma_start3A_17 = tpu.memref_slice %arg6[%dma_start3A, %dma_start3A_16] : memref<160x128xi32, #tpu.memory_space<vmem>> -> memref<1x128xi32, #tpu.memory_space<vmem>>
    %dma_start3A_18 = tpu.memref_squeeze %dma_start3A_17 : memref<1x128xi32, #tpu.memory_space<vmem>> -> memref<128xi32, #tpu.memory_space<vmem>>
    %dma_start3A_19 = arith.constant 0 : i32
    %dma_start3A_20 = arith.constant 0 : i32
    %dma_start3A_21 = tpu.memref_slice %arg2[%dma_start3A_19, %dma_start3A_20] : memref<10000x128xf32, #tpu.memory_space<hbm>> -> memref<10000x128xf32, #tpu.memory_space<hbm>>
    tpu.enqueue_indirect_dma source(%dma_start3A_21 : memref<10000x128xf32, #tpu.memory_space<hbm>>) target(%arg10 : memref<128x128xf32, #tpu.memory_space<vmem>>) offsets(%dma_start3A_18 : memref<128xi32, #tpu.memory_space<vmem>>) semaphore(%arg13 : memref<!tpu.dma_semaphore, #tpu.memory_space<semaphore_mem>>)
    %scan3A_22 = arith.constant 0 : i32
    %scan3A_23 = arith.constant 0 : i32
    %scan3A_24 = arith.constant 79 : i32
    %scan3A_25 = arith.addi %scan3A_23, %scan3A_24 : i32
    %scan3A_26 = arith.constant 1 : i32
    %scan3A_27 = scf.for %scan3A_71 = %scan3A_23 to %scan3A_25 step %scan3A_26 iter_args(%scan3A_72 = %scan3A_22) -> (i32)  : i32 {
      %mul3A_73 = arith.constant 2 : i32
      %mul3A_74 = arith.muli %mul3A_73, %scan3A_71 : i32
      %add3A = arith.constant 1 : i32
      %add3A_75 = arith.addi %mul3A_74, %add3A : i32
      %dma_start3A_76 = arith.constant 0 : i32
      %dma_start3A_77 = tpu.memref_slice %arg6[%add3A_75, %dma_start3A_76] : memref<160x128xi32, #tpu.memory_space<vmem>> -> memref<1x128xi32, #tpu.memory_space<vmem>>
      %dma_start3A_78 = tpu.memref_squeeze %dma_start3A_77 : memref<1x128xi32, #tpu.memory_space<vmem>> -> memref<128xi32, #tpu.memory_space<vmem>>
      %dma_start3A_79 = arith.constant 0 : i32
      %dma_start3A_80 = arith.constant 0 : i32
      %dma_start3A_81 = tpu.memref_slice %arg2[%dma_start3A_79, %dma_start3A_80] : memref<10000x128xf32, #tpu.memory_space<hbm>> -> memref<10000x128xf32, #tpu.memory_space<hbm>>
      tpu.enqueue_indirect_dma source(%dma_start3A_81 : memref<10000x128xf32, #tpu.memory_space<hbm>>) target(%arg11 : memref<128x128xf32, #tpu.memory_space<vmem>>) offsets(%dma_start3A_78 : memref<128xi32, #tpu.memory_space<vmem>>) semaphore(%arg14 : memref<!tpu.dma_semaphore, #tpu.memory_space<semaphore_mem>>)
      %scan3A_82 = arith.constant 0 : i32
      %scan3A_83 = arith.constant 0 : i32
      %scan3A_84 = arith.constant 8 : i32
      %scan3A_85 = arith.addi %scan3A_83, %scan3A_84 : i32
      %scan3A_86 = arith.constant 1 : i32
      %scan3A_87 = scf.for %scan3A_121 = %scan3A_83 to %scan3A_85 step %scan3A_86 iter_args(%scan3A_122 = %scan3A_82) -> (i32)  : i32 {
        %mul3A_123 = arith.constant 16 : i32
        %mul3A_124 = arith.muli %scan3A_121, %mul3A_123 : i32
        %get3A = arith.index_cast %mul3A_74 : i32 to index
        %get3A_125 = arith.index_cast %mul3A_124 : i32 to index
        %get3A_126 = tpu.vector_load %arg7[%get3A, %get3A_125] {strides = array<i32>} : memref<160x128xi32, #tpu.memory_space<vmem>>, vector<1x16xi32>,
        %get3A_127 = vector.shape_cast %get3A_126 : vector<1x16xi32> to vector<16xi32>
        %mul3A_128 = arith.constant 16 : i32
        %mul3A_129 = arith.muli %scan3A_121, %mul3A_128 : i32
        %swap3A = arith.index_cast %mul3A_129 : i32 to index
        %swap3A_130 = tpu.vector_load %arg8[%swap3A] {strides = array<i32>} : memref<128xi32, #tpu.memory_space<vmem>>, vector<16xi32>,
        %swap3A_131 = vector.shape_cast %swap3A_130 : vector<16xi32> to vector<16xi32>
        %swap3A_132 = vector.shape_cast %get3A_127 : vector<16xi32> to vector<16xi32>
        tpu.vector_store %arg8[%swap3A], %swap3A_132 {strides = array<i32>} : memref<128xi32, #tpu.memory_space<vmem>>, vector<16xi32>,
        %scan3A_133 = arith.constant 0 : i32
        scf.yield %scan3A_133 : i32
      }
      %scan3A_88 = arith.constant 8 : i32
      %dma_wait3A_89 = arith.constant 0 : i32
      %dma_wait3A_90 = tpu.memref_slice %arg6[%mul3A_74, %dma_wait3A_89] : memref<160x128xi32, #tpu.memory_space<vmem>> -> memref<1x128xi32, #tpu.memory_space<vmem>>
      %dma_wait3A_91 = tpu.memref_squeeze %dma_wait3A_90 : memref<1x128xi32, #tpu.memory_space<vmem>> -> memref<128xi32, #tpu.memory_space<vmem>>
      %dma_wait3A_92 = arith.constant 0 : i32
      %dma_wait3A_93 = arith.constant 0 : i32
      %dma_wait3A_94 = tpu.memref_slice %arg2[%dma_wait3A_92, %dma_wait3A_93] : memref<10000x128xf32, #tpu.memory_space<hbm>> -> memref<10000x128xf32, #tpu.memory_space<hbm>>
      tpu.wait_indirect_dma semaphore(%arg13 : memref<!tpu.dma_semaphore, #tpu.memory_space<semaphore_mem>>) src(%dma_wait3A_94 : memref<10000x128xf32, #tpu.memory_space<hbm>>) dst(%arg10 : memref<128x128xf32, #tpu.memory_space<vmem>>)
      "tpu.region"() ({
        %run_scoped3A = tpu.sem_alloc : memref<!tpu.dma_semaphore, #tpu.memory_space<semaphore_mem>>
        %dma_start3A_121 = arith.constant 0 : i32
        %dma_start3A_122 = arith.constant 0 : i32
        %dma_start3A_123 = tpu.memref_slice %arg12[%dma_start3A_121, %dma_start3A_122] : memref<5120x128xf32, #tpu.memory_space<vmem_shared>> -> memref<5120x128xf32, #tpu.memory_space<vmem_shared>>
        tpu.enqueue_indirect_dma source(%arg10 : memref<128x128xf32, #tpu.memory_space<vmem>>) target(%dma_start3A_123 : memref<5120x128xf32, #tpu.memory_space<vmem_shared>>) offsets(%arg8 : memref<128xi32, #tpu.memory_space<vmem>>) semaphore(%run_scoped3A : memref<!tpu.dma_semaphore, #tpu.memory_space<semaphore_mem>>) {add = true}
        %dma_wait3A_124 = arith.constant 0 : i32
        %dma_wait3A_125 = arith.constant 0 : i32
        %dma_wait3A_126 = tpu.memref_slice %arg12[%dma_wait3A_124, %dma_wait3A_125] : memref<5120x128xf32, #tpu.memory_space<vmem_shared>> -> memref<5120x128xf32, #tpu.memory_space<vmem_shared>>
        tpu.wait_indirect_dma semaphore(%run_scoped3A : memref<!tpu.dma_semaphore, #tpu.memory_space<semaphore_mem>>) src(%arg10 : memref<128x128xf32, #tpu.memory_space<vmem>>) dst(%dma_wait3A_126 : memref<5120x128xf32, #tpu.memory_space<vmem_shared>>)
        tpu.yield
      }) : () -> ()
      %add3A_95 = arith.constant 2 : i32
      %add3A_96 = arith.addi %mul3A_74, %add3A_95 : i32
      %dma_start3A_97 = arith.constant 0 : i32
      %dma_start3A_98 = tpu.memref_slice %arg6[%add3A_96, %dma_start3A_97] : memref<160x128xi32, #tpu.memory_space<vmem>> -> memref<1x128xi32, #tpu.memory_space<vmem>>
      %dma_start3A_99 = tpu.memref_squeeze %dma_start3A_98 : memref<1x128xi32, #tpu.memory_space<vmem>> -> memref<128xi32, #tpu.memory_space<vmem>>
      %dma_start3A_100 = arith.constant 0 : i32
      %dma_start3A_101 = arith.constant 0 : i32
      %dma_start3A_102 = tpu.memref_slice %arg2[%dma_start3A_100, %dma_start3A_101] : memref<10000x128xf32, #tpu.memory_space<hbm>> -> memref<10000x128xf32, #tpu.memory_space<hbm>>
      tpu.enqueue_indirect_dma source(%dma_start3A_102 : memref<10000x128xf32, #tpu.memory_space<hbm>>) target(%arg10 : memref<128x128xf32, #tpu.memory_space<vmem>>) offsets(%dma_start3A_99 : memref<128xi32, #tpu.memory_space<vmem>>) semaphore(%arg13 : memref<!tpu.dma_semaphore, #tpu.memory_space<semaphore_mem>>)
      %add3A_103 = arith.constant 1 : i32
      %add3A_104 = arith.addi %mul3A_74, %add3A_103 : i32
      %scan3A_105 = arith.constant 0 : i32
      %scan3A_106 = arith.constant 0 : i32
      %scan3A_107 = arith.constant 8 : i32
      %scan3A_108 = arith.addi %scan3A_106, %scan3A_107 : i32
      %scan3A_109 = arith.constant 1 : i32
      %scan3A_110 = scf.for %scan3A_121 = %scan3A_106 to %scan3A_108 step %scan3A_109 iter_args(%scan3A_122 = %scan3A_105) -> (i32)  : i32 {
        %mul3A_123 = arith.constant 16 : i32
        %mul3A_124 = arith.muli %scan3A_121, %mul3A_123 : i32
        %get3A = arith.index_cast %add3A_104 : i32 to index
        %get3A_125 = arith.index_cast %mul3A_124 : i32 to index
        %get3A_126 = tpu.vector_load %arg7[%get3A, %get3A_125] {strides = array<i32>} : memref<160x128xi32, #tpu.memory_space<vmem>>, vector<1x16xi32>,
        %get3A_127 = vector.shape_cast %get3A_126 : vector<1x16xi32> to vector<16xi32>
        %mul3A_128 = arith.constant 16 : i32
        %mul3A_129 = arith.muli %scan3A_121, %mul3A_128 : i32
        %swap3A = arith.index_cast %mul3A_129 : i32 to index
        %swap3A_130 = tpu.vector_load %arg9[%swap3A] {strides = array<i32>} : memref<128xi32, #tpu.memory_space<vmem>>, vector<16xi32>,
        %swap3A_131 = vector.shape_cast %swap3A_130 : vector<16xi32> to vector<16xi32>
        %swap3A_132 = vector.shape_cast %get3A_127 : vector<16xi32> to vector<16xi32>
        tpu.vector_store %arg9[%swap3A], %swap3A_132 {strides = array<i32>} : memref<128xi32, #tpu.memory_space<vmem>>, vector<16xi32>,
        %scan3A_133 = arith.constant 0 : i32
        scf.yield %scan3A_133 : i32
      }
      %scan3A_111 = arith.constant 8 : i32
      %add3A_112 = arith.constant 1 : i32
      %add3A_113 = arith.addi %mul3A_74, %add3A_112 : i32
      %dma_wait3A_114 = arith.constant 0 : i32
      %dma_wait3A_115 = tpu.memref_slice %arg6[%add3A_113, %dma_wait3A_114] : memref<160x128xi32, #tpu.memory_space<vmem>> -> memref<1x128xi32, #tpu.memory_space<vmem>>
      %dma_wait3A_116 = tpu.memref_squeeze %dma_wait3A_115 : memref<1x128xi32, #tpu.memory_space<vmem>> -> memref<128xi32, #tpu.memory_space<vmem>>
      %dma_wait3A_117 = arith.constant 0 : i32
      %dma_wait3A_118 = arith.constant 0 : i32
      %dma_wait3A_119 = tpu.memref_slice %arg2[%dma_wait3A_117, %dma_wait3A_118] : memref<10000x128xf32, #tpu.memory_space<hbm>> -> memref<10000x128xf32, #tpu.memory_space<hbm>>
      tpu.wait_indirect_dma semaphore(%arg14 : memref<!tpu.dma_semaphore, #tpu.memory_space<semaphore_mem>>) src(%dma_wait3A_119 : memref<10000x128xf32, #tpu.memory_space<hbm>>) dst(%arg11 : memref<128x128xf32, #tpu.memory_space<vmem>>)
      "tpu.region"() ({
        %run_scoped3A = tpu.sem_alloc : memref<!tpu.dma_semaphore, #tpu.memory_space<semaphore_mem>>
        %dma_start3A_121 = arith.constant 0 : i32
        %dma_start3A_122 = arith.constant 0 : i32
        %dma_start3A_123 = tpu.memref_slice %arg12[%dma_start3A_121, %dma_start3A_122] : memref<5120x128xf32, #tpu.memory_space<vmem_shared>> -> memref<5120x128xf32, #tpu.memory_space<vmem_shared>>
        tpu.enqueue_indirect_dma source(%arg11 : memref<128x128xf32, #tpu.memory_space<vmem>>) target(%dma_start3A_123 : memref<5120x128xf32, #tpu.memory_space<vmem_shared>>) offsets(%arg9 : memref<128xi32, #tpu.memory_space<vmem>>) semaphore(%run_scoped3A : memref<!tpu.dma_semaphore, #tpu.memory_space<semaphore_mem>>) {add = true}
        %dma_wait3A_124 = arith.constant 0 : i32
        %dma_wait3A_125 = arith.constant 0 : i32
        %dma_wait3A_126 = tpu.memref_slice %arg12[%dma_wait3A_124, %dma_wait3A_125] : memref<5120x128xf32, #tpu.memory_space<vmem_shared>> -> memref<5120x128xf32, #tpu.memory_space<vmem_shared>>
        tpu.wait_indirect_dma semaphore(%run_scoped3A : memref<!tpu.dma_semaphore, #tpu.memory_space<semaphore_mem>>) src(%arg11 : memref<128x128xf32, #tpu.memory_space<vmem>>) dst(%dma_wait3A_126 : memref<5120x128xf32, #tpu.memory_space<vmem_shared>>)
        tpu.yield
      }) : () -> ()
      %scan3A_120 = arith.constant 0 : i32
      scf.yield %scan3A_120 : i32
    }
    %scan3A_28 = arith.constant 79 : i32
    %dma_start3A_29 = arith.constant 159 : i32
    %dma_start3A_30 = arith.constant 0 : i32
    %dma_start3A_31 = tpu.memref_slice %arg6[%dma_start3A_29, %dma_start3A_30] : memref<160x128xi32, #tpu.memory_space<vmem>> -> memref<1x128xi32, #tpu.memory_space<vmem>>
    %dma_start3A_32 = tpu.memref_squeeze %dma_start3A_31 : memref<1x128xi32, #tpu.memory_space<vmem>> -> memref<128xi32, #tpu.memory_space<vmem>>
    %dma_start3A_33 = arith.constant 0 : i32
    %dma_start3A_34 = arith.constant 0 : i32
    %dma_start3A_35 = tpu.memref_slice %arg2[%dma_start3A_33, %dma_start3A_34] : memref<10000x128xf32, #tpu.memory_space<hbm>> -> memref<10000x128xf32, #tpu.memory_space<hbm>>
    tpu.enqueue_indirect_dma source(%dma_start3A_35 : memref<10000x128xf32, #tpu.memory_space<hbm>>) target(%arg11 : memref<128x128xf32, #tpu.memory_space<vmem>>) offsets(%dma_start3A_32 : memref<128xi32, #tpu.memory_space<vmem>>) semaphore(%arg14 : memref<!tpu.dma_semaphore, #tpu.memory_space<semaphore_mem>>)
    %scan3A_36 = arith.constant 0 : i32
    %scan3A_37 = arith.constant 0 : i32
    %scan3A_38 = arith.constant 8 : i32
    %scan3A_39 = arith.addi %scan3A_37, %scan3A_38 : i32
    %scan3A_40 = arith.constant 1 : i32
    %scan3A_41 = scf.for %scan3A_71 = %scan3A_37 to %scan3A_39 step %scan3A_40 iter_args(%scan3A_72 = %scan3A_36) -> (i32)  : i32 {
      %mul3A_73 = arith.constant 16 : i32
      %mul3A_74 = arith.muli %scan3A_71, %mul3A_73 : i32
      %get3A = arith.constant 158 : i32
      %get3A_75 = arith.index_cast %get3A : i32 to index
      %get3A_76 = arith.index_cast %mul3A_74 : i32 to index
      %get3A_77 = tpu.vector_load %arg7[%get3A_75, %get3A_76] {strides = array<i32>} : memref<160x128xi32, #tpu.memory_space<vmem>>, vector<1x16xi32>,
      %get3A_78 = vector.shape_cast %get3A_77 : vector<1x16xi32> to vector<16xi32>
      %mul3A_79 = arith.constant 16 : i32
      %mul3A_80 = arith.muli %scan3A_71, %mul3A_79 : i32
      %swap3A = arith.index_cast %mul3A_80 : i32 to index
      %swap3A_81 = tpu.vector_load %arg8[%swap3A] {strides = array<i32>} : memref<128xi32, #tpu.memory_space<vmem>>, vector<16xi32>,
      %swap3A_82 = vector.shape_cast %swap3A_81 : vector<16xi32> to vector<16xi32>
      %swap3A_83 = vector.shape_cast %get3A_78 : vector<16xi32> to vector<16xi32>
      tpu.vector_store %arg8[%swap3A], %swap3A_83 {strides = array<i32>} : memref<128xi32, #tpu.memory_space<vmem>>, vector<16xi32>,
      %scan3A_84 = arith.constant 0 : i32
      scf.yield %scan3A_84 : i32
    }
    %scan3A_42 = arith.constant 8 : i32
    %dma_wait3A = arith.constant 158 : i32
    %dma_wait3A_43 = arith.constant 0 : i32
    %dma_wait3A_44 = tpu.memref_slice %arg6[%dma_wait3A, %dma_wait3A_43] : memref<160x128xi32, #tpu.memory_space<vmem>> -> memref<1x128xi32, #tpu.memory_space<vmem>>
    %dma_wait3A_45 = tpu.memref_squeeze %dma_wait3A_44 : memref<1x128xi32, #tpu.memory_space<vmem>> -> memref<128xi32, #tpu.memory_space<vmem>>
    %dma_wait3A_46 = arith.constant 0 : i32
    %dma_wait3A_47 = arith.constant 0 : i32
    %dma_wait3A_48 = tpu.memref_slice %arg2[%dma_wait3A_46, %dma_wait3A_47] : memref<10000x128xf32, #tpu.memory_space<hbm>> -> memref<10000x128xf32, #tpu.memory_space<hbm>>
    tpu.wait_indirect_dma semaphore(%arg13 : memref<!tpu.dma_semaphore, #tpu.memory_space<semaphore_mem>>) src(%dma_wait3A_48 : memref<10000x128xf32, #tpu.memory_space<hbm>>) dst(%arg10 : memref<128x128xf32, #tpu.memory_space<vmem>>)
    "tpu.region"() ({
      %run_scoped3A = tpu.sem_alloc : memref<!tpu.dma_semaphore, #tpu.memory_space<semaphore_mem>>
      %dma_start3A_71 = arith.constant 0 : i32
      %dma_start3A_72 = arith.constant 0 : i32
      %dma_start3A_73 = tpu.memref_slice %arg12[%dma_start3A_71, %dma_start3A_72] : memref<5120x128xf32, #tpu.memory_space<vmem_shared>> -> memref<5120x128xf32, #tpu.memory_space<vmem_shared>>
      tpu.enqueue_indirect_dma source(%arg10 : memref<128x128xf32, #tpu.memory_space<vmem>>) target(%dma_start3A_73 : memref<5120x128xf32, #tpu.memory_space<vmem_shared>>) offsets(%arg8 : memref<128xi32, #tpu.memory_space<vmem>>) semaphore(%run_scoped3A : memref<!tpu.dma_semaphore, #tpu.memory_space<semaphore_mem>>) {add = true}
      %dma_wait3A_74 = arith.constant 0 : i32
      %dma_wait3A_75 = arith.constant 0 : i32
      %dma_wait3A_76 = tpu.memref_slice %arg12[%dma_wait3A_74, %dma_wait3A_75] : memref<5120x128xf32, #tpu.memory_space<vmem_shared>> -> memref<5120x128xf32, #tpu.memory_space<vmem_shared>>
      tpu.wait_indirect_dma semaphore(%run_scoped3A : memref<!tpu.dma_semaphore, #tpu.memory_space<semaphore_mem>>) src(%arg10 : memref<128x128xf32, #tpu.memory_space<vmem>>) dst(%dma_wait3A_76 : memref<5120x128xf32, #tpu.memory_space<vmem_shared>>)
      tpu.yield
    }) : () -> ()
    %scan3A_49 = arith.constant 0 : i32
    %scan3A_50 = arith.constant 0 : i32
    %scan3A_51 = arith.constant 8 : i32
    %scan3A_52 = arith.addi %scan3A_50, %scan3A_51 : i32
    %scan3A_53 = arith.constant 1 : i32
    %scan3A_54 = scf.for %scan3A_71 = %scan3A_50 to %scan3A_52 step %scan3A_53 iter_args(%scan3A_72 = %scan3A_49) -> (i32)  : i32 {
      %mul3A_73 = arith.constant 16 : i32
      %mul3A_74 = arith.muli %scan3A_71, %mul3A_73 : i32
      %get3A = arith.constant 159 : i32
      %get3A_75 = arith.index_cast %get3A : i32 to index
      %get3A_76 = arith.index_cast %mul3A_74 : i32 to index
      %get3A_77 = tpu.vector_load %arg7[%get3A_75, %get3A_76] {strides = array<i32>} : memref<160x128xi32, #tpu.memory_space<vmem>>, vector<1x16xi32>,
      %get3A_78 = vector.shape_cast %get3A_77 : vector<1x16xi32> to vector<16xi32>
      %mul3A_79 = arith.constant 16 : i32
      %mul3A_80 = arith.muli %scan3A_71, %mul3A_79 : i32
      %swap3A = arith.index_cast %mul3A_80 : i32 to index
      %swap3A_81 = tpu.vector_load %arg9[%swap3A] {strides = array<i32>} : memref<128xi32, #tpu.memory_space<vmem>>, vector<16xi32>,
      %swap3A_82 = vector.shape_cast %swap3A_81 : vector<16xi32> to vector<16xi32>
      %swap3A_83 = vector.shape_cast %get3A_78 : vector<16xi32> to vector<16xi32>
      tpu.vector_store %arg9[%swap3A], %swap3A_83 {strides = array<i32>} : memref<128xi32, #tpu.memory_space<vmem>>, vector<16xi32>,
      %scan3A_84 = arith.constant 0 : i32
      scf.yield %scan3A_84 : i32
    }
    %scan3A_55 = arith.constant 8 : i32
    %dma_wait3A_56 = arith.constant 159 : i32
    %dma_wait3A_57 = arith.constant 0 : i32
    %dma_wait3A_58 = tpu.memref_slice %arg6[%dma_wait3A_56, %dma_wait3A_57] : memref<160x128xi32, #tpu.memory_space<vmem>> -> memref<1x128xi32, #tpu.memory_space<vmem>>
    %dma_wait3A_59 = tpu.memref_squeeze %dma_wait3A_58 : memref<1x128xi32, #tpu.memory_space<vmem>> -> memref<128xi32, #tpu.memory_space<vmem>>
    %dma_wait3A_60 = arith.constant 0 : i32
    %dma_wait3A_61 = arith.constant 0 : i32
    %dma_wait3A_62 = tpu.memref_slice %arg2[%dma_wait3A_60, %dma_wait3A_61] : memref<10000x128xf32, #tpu.memory_space<hbm>> -> memref<10000x128xf32, #tpu.memory_space<hbm>>
    tpu.wait_indirect_dma semaphore(%arg14 : memref<!tpu.dma_semaphore, #tpu.memory_space<semaphore_mem>>) src(%dma_wait3A_62 : memref<10000x128xf32, #tpu.memory_space<hbm>>) dst(%arg11 : memref<128x128xf32, #tpu.memory_space<vmem>>)
    "tpu.region"() ({
      %run_scoped3A = tpu.sem_alloc : memref<!tpu.dma_semaphore, #tpu.memory_space<semaphore_mem>>
      %dma_start3A_71 = arith.constant 0 : i32
      %dma_start3A_72 = arith.constant 0 : i32
      %dma_start3A_73 = tpu.memref_slice %arg12[%dma_start3A_71, %dma_start3A_72] : memref<5120x128xf32, #tpu.memory_space<vmem_shared>> -> memref<5120x128xf32, #tpu.memory_space<vmem_shared>>
      tpu.enqueue_indirect_dma source(%arg11 : memref<128x128xf32, #tpu.memory_space<vmem>>) target(%dma_start3A_73 : memref<5120x128xf32, #tpu.memory_space<vmem_shared>>) offsets(%arg9 : memref<128xi32, #tpu.memory_space<vmem>>) semaphore(%run_scoped3A : memref<!tpu.dma_semaphore, #tpu.memory_space<semaphore_mem>>) {add = true}
      %dma_wait3A_74 = arith.constant 0 : i32
      %dma_wait3A_75 = arith.constant 0 : i32
      %dma_wait3A_76 = tpu.memref_slice %arg12[%dma_wait3A_74, %dma_wait3A_75] : memref<5120x128xf32, #tpu.memory_space<vmem_shared>> -> memref<5120x128xf32, #tpu.memory_space<vmem_shared>>
      tpu.wait_indirect_dma semaphore(%run_scoped3A : memref<!tpu.dma_semaphore, #tpu.memory_space<semaphore_mem>>) src(%arg11 : memref<128x128xf32, #tpu.memory_space<vmem>>) dst(%dma_wait3A_76 : memref<5120x128xf32, #tpu.memory_space<vmem_shared>>)
      tpu.yield
    }) : () -> ()
    %barrier3A_63 = arith.constant 0 : index
    tpu.barrier barrier_id(%barrier3A_63)
    %scan3A_64 = arith.constant 0 : i32
    %scan3A_65 = arith.constant 0 : i32
    %scan3A_66 = arith.constant 5 : i32
    %scan3A_67 = arith.addi %scan3A_65, %scan3A_66 : i32
    %scan3A_68 = arith.constant 1 : i32
    %scan3A_69 = scf.for %scan3A_71 = %scan3A_65 to %scan3A_67 step %scan3A_68 iter_args(%scan3A_72 = %scan3A_64) -> (i32)  : i32 {
      %mul3A_73 = arith.constant 320 : i32
      %mul3A_74 = arith.muli %arg1, %mul3A_73 : i32
      %mul3A_75 = arith.constant 64 : i32
      %mul3A_76 = arith.muli %scan3A_71, %mul3A_75 : i32
      %add3A = arith.addi %mul3A_74, %mul3A_76 : i32
      "tpu.region"() ({
        %run_scoped3A = tpu.sem_alloc : memref<!tpu.dma_semaphore, #tpu.memory_space<semaphore_mem>>
        %dma_start3A_83 = arith.constant 0 : i32
        %dma_start3A_84 = arith.constant 0 : i32
        %dma_start3A_85 = tpu.memref_slice %arg10[%dma_start3A_83, %dma_start3A_84] : memref<128x128xf32, #tpu.memory_space<vmem>> -> memref<64x128xf32, #tpu.memory_space<vmem>>
        %dma_start3A_86 = arith.constant 0 : i32
        %dma_start3A_87 = tpu.memref_slice %arg12[%add3A, %dma_start3A_86] : memref<5120x128xf32, #tpu.memory_space<vmem_shared>> -> memref<64x128xf32, #tpu.memory_space<vmem_shared>>
        %dma_start3A_88 = arith.constant 0 : i32
        %dma_start3A_89 = arith.constant 0 : i32
        %dma_start3A_90 = tpu.memref_slice %arg10[%dma_start3A_88, %dma_start3A_89] : memref<128x128xf32, #tpu.memory_space<vmem>> -> memref<64x128xf32, #tpu.memory_space<vmem>>
        %dma_start3A_91 = arith.constant 0 : i32
        %dma_start3A_92 = tpu.memref_slice %arg12[%add3A, %dma_start3A_91] : memref<5120x128xf32, #tpu.memory_space<vmem_shared>> -> memref<64x128xf32, #tpu.memory_space<vmem_shared>>
        tpu.enqueue_dma source(%dma_start3A_92 : memref<64x128xf32, #tpu.memory_space<vmem_shared>>) target(%dma_start3A_90 : memref<64x128xf32, #tpu.memory_space<vmem>>) target_semaphore(%run_scoped3A : memref<!tpu.dma_semaphore, #tpu.memory_space<semaphore_mem>>)
        %dma_wait3A_93 = arith.constant 0 : i32
        %dma_wait3A_94 = arith.constant 0 : i32
        %dma_wait3A_95 = tpu.memref_slice %arg10[%dma_wait3A_93, %dma_wait3A_94] : memref<128x128xf32, #tpu.memory_space<vmem>> -> memref<64x128xf32, #tpu.memory_space<vmem>>
        %dma_wait3A_96 = arith.constant 0 : i32
        %dma_wait3A_97 = tpu.memref_slice %arg12[%add3A, %dma_wait3A_96] : memref<5120x128xf32, #tpu.memory_space<vmem_shared>> -> memref<64x128xf32, #tpu.memory_space<vmem_shared>>
        %dma_wait3A_98 = arith.constant 0 : i32
        %dma_wait3A_99 = arith.constant 0 : i32
        %dma_wait3A_100 = tpu.memref_slice %arg10[%dma_wait3A_98, %dma_wait3A_99] : memref<128x128xf32, #tpu.memory_space<vmem>> -> memref<64x128xf32, #tpu.memory_space<vmem>>
        %dma_wait3A_101 = arith.constant 0 : i32
        %dma_wait3A_102 = tpu.memref_slice %arg12[%add3A, %dma_wait3A_101] : memref<5120x128xf32, #tpu.memory_space<vmem_shared>> -> memref<64x128xf32, #tpu.memory_space<vmem_shared>>
        tpu.wait_dma2 semaphore(%run_scoped3A : memref<!tpu.dma_semaphore, #tpu.memory_space<semaphore_mem>>) src(%dma_wait3A_102 : memref<64x128xf32, #tpu.memory_space<vmem_shared>>) dst(%dma_wait3A_100 : memref<64x128xf32, #tpu.memory_space<vmem>>)
        tpu.yield
      }) : () -> ()
      %mul3A_77 = arith.constant 320 : i32
      %mul3A_78 = arith.muli %arg1, %mul3A_77 : i32
      %mul3A_79 = arith.constant 64 : i32
      %mul3A_80 = arith.muli %scan3A_71, %mul3A_79 : i32
      %add3A_81 = arith.addi %mul3A_78, %mul3A_80 : i32
      "tpu.region"() ({
        %run_scoped3A = tpu.sem_alloc : memref<!tpu.dma_semaphore, #tpu.memory_space<semaphore_mem>>
        %dma_start3A_83 = arith.constant 0 : i32
        %dma_start3A_84 = arith.constant 0 : i32
        %dma_start3A_85 = tpu.memref_slice %arg10[%dma_start3A_83, %dma_start3A_84] : memref<128x128xf32, #tpu.memory_space<vmem>> -> memref<64x128xf32, #tpu.memory_space<vmem>>
        %dma_start3A_86 = arith.constant 0 : i32
        %dma_start3A_87 = tpu.memref_slice %arg5[%arg0, %add3A_81, %dma_start3A_86] : memref<2x5120x128xf32, #tpu.memory_space<hbm>> -> memref<1x64x128xf32, #tpu.memory_space<hbm>>
        %dma_start3A_88 = tpu.memref_squeeze %dma_start3A_87 : memref<1x64x128xf32, #tpu.memory_space<hbm>> -> memref<64x128xf32, #tpu.memory_space<hbm>>
        %dma_start3A_89 = arith.constant 0 : i32
        %dma_start3A_90 = tpu.memref_slice %arg5[%arg0, %add3A_81, %dma_start3A_89] : memref<2x5120x128xf32, #tpu.memory_space<hbm>> -> memref<1x64x128xf32, #tpu.memory_space<hbm>>
        %dma_start3A_91 = tpu.memref_squeeze %dma_start3A_90 : memref<1x64x128xf32, #tpu.memory_space<hbm>> -> memref<64x128xf32, #tpu.memory_space<hbm>>
        %dma_start3A_92 = arith.constant 0 : i32
        %dma_start3A_93 = arith.constant 0 : i32
        %dma_start3A_94 = tpu.memref_slice %arg10[%dma_start3A_92, %dma_start3A_93] : memref<128x128xf32, #tpu.memory_space<vmem>> -> memref<64x128xf32, #tpu.memory_space<vmem>>
        tpu.enqueue_dma source(%dma_start3A_94 : memref<64x128xf32, #tpu.memory_space<vmem>>) target(%dma_start3A_91 : memref<64x128xf32, #tpu.memory_space<hbm>>) target_semaphore(%run_scoped3A : memref<!tpu.dma_semaphore, #tpu.memory_space<semaphore_mem>>)
        %dma_wait3A_95 = arith.constant 0 : i32
        %dma_wait3A_96 = arith.constant 0 : i32
        %dma_wait3A_97 = tpu.memref_slice %arg10[%dma_wait3A_95, %dma_wait3A_96] : memref<128x128xf32, #tpu.memory_space<vmem>> -> memref<64x128xf32, #tpu.memory_space<vmem>>
        %dma_wait3A_98 = arith.constant 0 : i32
        %dma_wait3A_99 = tpu.memref_slice %arg5[%arg0, %add3A_81, %dma_wait3A_98] : memref<2x5120x128xf32, #tpu.memory_space<hbm>> -> memref<1x64x128xf32, #tpu.memory_space<hbm>>
        %dma_wait3A_100 = tpu.memref_squeeze %dma_wait3A_99 : memref<1x64x128xf32, #tpu.memory_space<hbm>> -> memref<64x128xf32, #tpu.memory_space<hbm>>
        %dma_wait3A_101 = arith.constant 0 : i32
        %dma_wait3A_102 = tpu.memref_slice %arg5[%arg0, %add3A_81, %dma_wait3A_101] : memref<2x5120x128xf32, #tpu.memory_space<hbm>> -> memref<1x64x128xf32, #tpu.memory_space<hbm>>
        %dma_wait3A_103 = tpu.memref_squeeze %dma_wait3A_102 : memref<1x64x128xf32, #tpu.memory_space<hbm>> -> memref<64x128xf32, #tpu.memory_space<hbm>>
        %dma_wait3A_104 = arith.constant 0 : i32
        %dma_wait3A_105 = arith.constant 0 : i32
        %dma_wait3A_106 = tpu.memref_slice %arg10[%dma_wait3A_104, %dma_wait3A_105] : memref<128x128xf32, #tpu.memory_space<vmem>> -> memref<64x128xf32, #tpu.memory_space<vmem>>
        tpu.wait_dma2 semaphore(%run_scoped3A : memref<!tpu.dma_semaphore, #tpu.memory_space<semaphore_mem>>) src(%dma_wait3A_106 : memref<64x128xf32, #tpu.memory_space<vmem>>) dst(%dma_wait3A_103 : memref<64x128xf32, #tpu.memory_space<hbm>>)
        tpu.yield
      }) : () -> ()
      %scan3A_82 = arith.constant 0 : i32
      scf.yield %scan3A_82 : i32
    }
    %scan3A_70 = arith.constant 5 : i32
    return
  }
}

#map = affine_map<(d0, d1) -> (0, 0)>
#map1 = affine_map<(d0, d1) -> (0, 0, 0)>
module attributes {stable_mosaic.version = 14 : i64} {
  func.func @_agg(%arg0: i32, %arg1: i32, %arg2: memref<10000x128xf32, #tpu.memory_space<hbm>>, %arg3: memref<2560x128xi32, #tpu.memory_space<hbm>>, %arg4: memref<2x2560x128xi32, #tpu.memory_space<hbm>>, %arg5: memref<2x5120x128xf32, #tpu.memory_space<hbm>>, %arg6: memref<160x128xi32, #tpu.memory_space<vmem>>, %arg7: memref<160x128xi32, #tpu.memory_space<vmem>>, %arg8: memref<128xi32, #tpu.memory_space<vmem>>, %arg9: memref<128xi32, #tpu.memory_space<vmem>>, %arg10: memref<128x128xf32, #tpu.memory_space<vmem>>, %arg11: memref<128x128xf32, #tpu.memory_space<vmem>>, %arg12: memref<5120x128xf32, #tpu.memory_space<vmem_shared>>, %arg13: memref<!tpu.dma_semaphore, #tpu.memory_space<semaphore_mem>>, %arg14: memref<!tpu.dma_semaphore, #tpu.memory_space<semaphore_mem>>) attributes {dimension_semantics = [#tpu.dimension_semantics<core_parallel>, #tpu.dimension_semantics<subcore_parallel>], iteration_bounds = array<i64: 2, 16>, scalar_prefetch = 0 : i64, scratch_operands = 9 : i64, tpu.core_type = #tpu.core_type<sc_vector_subcore>, window_params = [{transform_indices = #map}, {transform_indices = #map}, {transform_indices = #map1}, {transform_indices = #map1}]} {
    %scan3A = arith.constant 0 : i32
    %scan3A_0 = arith.constant 0 : i32
    %scan3A_1 = arith.constant 64 : i32
    %scan3A_2 = arith.addi %scan3A_0, %scan3A_1 : i32
    %scan3A_3 = arith.constant 1 : i32
    %scan3A_4 = scf.for %scan3A_71 = %scan3A_0 to %scan3A_2 step %scan3A_3 iter_args(%scan3A_72 = %scan3A) -> (i32)  : i32 {
      %scan3A_73 = arith.constant 0 : i32
      %scan3A_74 = arith.constant 0 : i32
      %scan3A_75 = arith.constant 8 : i32
      %scan3A_76 = arith.addi %scan3A_74, %scan3A_75 : i32
      %scan3A_77 = arith.constant 1 : i32
      %scan3A_78 = scf.for %scan3A_81 = %scan3A_74 to %scan3A_76 step %scan3A_77 iter_args(%scan3A_82 = %scan3A_73) -> (i32)  : i32 {
        %broadcast_in_dim3A = arith.constant 0.000000e+00 : f32
        %broadcast_in_dim3A_83 = vector.broadcast %broadcast_in_dim3A : f32 to vector<16xf32>
        %mul3A_84 = arith.constant 16 : i32
        %mul3A_85 = arith.muli %scan3A_81, %mul3A_84 : i32
        %swap3A = arith.index_cast %scan3A_71 : i32 to index
        %swap3A_86 = arith.index_cast %mul3A_85 : i32 to index
        %swap3A_87 = tpu.vector_load %arg11[%swap3A, %swap3A_86] {strides = array<i32>} : memref<128x128xf32, #tpu.memory_space<vmem>>, vector<1x16xf32>,
        %swap3A_88 = vector.shape_cast %swap3A_87 : vector<1x16xf32> to vector<16xf32>
        %swap3A_89 = vector.shape_cast %broadcast_in_dim3A_83 : vector<16xf32> to vector<1x16xf32>
        tpu.vector_store %arg11[%swap3A, %swap3A_86], %swap3A_89 {strides = array<i32>} : memref<128x128xf32, #tpu.memory_space<vmem>>, vector<1x16xf32>,
        %scan3A_90 = arith.constant 0 : i32
        scf.yield %scan3A_90 : i32
      }
      %scan3A_79 = arith.constant 8 : i32
      %scan3A_80 = arith.constant 0 : i32
      scf.yield %scan3A_80 : i32
    }
    %scan3A_5 = arith.constant 64 : i32
    %scan3A_6 = arith.constant 0 : i32
    %scan3A_7 = arith.constant 0 : i32
    %scan3A_8 = arith.constant 5 : i32
    %scan3A_9 = arith.addi %scan3A_7, %scan3A_8 : i32
    %scan3A_10 = arith.constant 1 : i32
    %scan3A_11 = scf.for %scan3A_71 = %scan3A_7 to %scan3A_9 step %scan3A_10 iter_args(%scan3A_72 = %scan3A_6) -> (i32)  : i32 {
      %mul3A_73 = arith.constant 320 : i32
      %mul3A_74 = arith.muli %arg1, %mul3A_73 : i32
      %mul3A_75 = arith.constant 64 : i32
      %mul3A_76 = arith.muli %scan3A_71, %mul3A_75 : i32
      %add3A = arith.addi %mul3A_74, %mul3A_76 : i32
      "tpu.region"() ({
        %run_scoped3A = tpu.sem_alloc : memref<!tpu.dma_semaphore, #tpu.memory_space<semaphore_mem>>
        %dma_start3A_78 = arith.constant 0 : i32
        %dma_start3A_79 = arith.constant 0 : i32
        %dma_start3A_80 = tpu.memref_slice %arg11[%dma_start3A_78, %dma_start3A_79] : memref<128x128xf32, #tpu.memory_space<vmem>> -> memref<64x128xf32, #tpu.memory_space<vmem>>
        %dma_start3A_81 = arith.constant 0 : i32
        %dma_start3A_82 = tpu.memref_slice %arg12[%add3A, %dma_start3A_81] : memref<5120x128xf32, #tpu.memory_space<vmem_shared>> -> memref<64x128xf32, #tpu.memory_space<vmem_shared>>
        %dma_start3A_83 = arith.constant 0 : i32
        %dma_start3A_84 = tpu.memref_slice %arg12[%add3A, %dma_start3A_83] : memref<5120x128xf32, #tpu.memory_space<vmem_shared>> -> memref<64x128xf32, #tpu.memory_space<vmem_shared>>
        %dma_start3A_85 = arith.constant 0 : i32
        %dma_start3A_86 = arith.constant 0 : i32
        %dma_start3A_87 = tpu.memref_slice %arg11[%dma_start3A_85, %dma_start3A_86] : memref<128x128xf32, #tpu.memory_space<vmem>> -> memref<64x128xf32, #tpu.memory_space<vmem>>
        tpu.enqueue_dma source(%dma_start3A_87 : memref<64x128xf32, #tpu.memory_space<vmem>>) target(%dma_start3A_84 : memref<64x128xf32, #tpu.memory_space<vmem_shared>>) target_semaphore(%run_scoped3A : memref<!tpu.dma_semaphore, #tpu.memory_space<semaphore_mem>>)
        %dma_wait3A_88 = arith.constant 0 : i32
        %dma_wait3A_89 = arith.constant 0 : i32
        %dma_wait3A_90 = tpu.memref_slice %arg11[%dma_wait3A_88, %dma_wait3A_89] : memref<128x128xf32, #tpu.memory_space<vmem>> -> memref<64x128xf32, #tpu.memory_space<vmem>>
        %dma_wait3A_91 = arith.constant 0 : i32
        %dma_wait3A_92 = tpu.memref_slice %arg12[%add3A, %dma_wait3A_91] : memref<5120x128xf32, #tpu.memory_space<vmem_shared>> -> memref<64x128xf32, #tpu.memory_space<vmem_shared>>
        %dma_wait3A_93 = arith.constant 0 : i32
        %dma_wait3A_94 = tpu.memref_slice %arg12[%add3A, %dma_wait3A_93] : memref<5120x128xf32, #tpu.memory_space<vmem_shared>> -> memref<64x128xf32, #tpu.memory_space<vmem_shared>>
        %dma_wait3A_95 = arith.constant 0 : i32
        %dma_wait3A_96 = arith.constant 0 : i32
        %dma_wait3A_97 = tpu.memref_slice %arg11[%dma_wait3A_95, %dma_wait3A_96] : memref<128x128xf32, #tpu.memory_space<vmem>> -> memref<64x128xf32, #tpu.memory_space<vmem>>
        tpu.wait_dma2 semaphore(%run_scoped3A : memref<!tpu.dma_semaphore, #tpu.memory_space<semaphore_mem>>) src(%dma_wait3A_97 : memref<64x128xf32, #tpu.memory_space<vmem>>) dst(%dma_wait3A_94 : memref<64x128xf32, #tpu.memory_space<vmem_shared>>)
        tpu.yield
      }) : () -> ()
      %scan3A_77 = arith.constant 0 : i32
      scf.yield %scan3A_77 : i32
    }
    %scan3A_12 = arith.constant 5 : i32
    %mul3A = arith.constant 160 : i32
    %mul3A_13 = arith.muli %arg1, %mul3A : i32
    "tpu.region"() ({
      %run_scoped3A = tpu.sem_alloc : memref<!tpu.dma_semaphore, #tpu.memory_space<semaphore_mem>>
      %dma_start3A_71 = arith.constant 0 : i32
      %dma_start3A_72 = tpu.memref_slice %arg3[%mul3A_13, %dma_start3A_71] : memref<2560x128xi32, #tpu.memory_space<hbm>> -> memref<160x128xi32, #tpu.memory_space<hbm>>
      %dma_start3A_73 = arith.constant 0 : i32
      %dma_start3A_74 = tpu.memref_slice %arg3[%mul3A_13, %dma_start3A_73] : memref<2560x128xi32, #tpu.memory_space<hbm>> -> memref<160x128xi32, #tpu.memory_space<hbm>>
      tpu.enqueue_dma source(%dma_start3A_74 : memref<160x128xi32, #tpu.memory_space<hbm>>) target(%arg6 : memref<160x128xi32, #tpu.memory_space<vmem>>) target_semaphore(%run_scoped3A : memref<!tpu.dma_semaphore, #tpu.memory_space<semaphore_mem>>)
      %dma_wait3A_75 = arith.constant 0 : i32
      %dma_wait3A_76 = tpu.memref_slice %arg3[%mul3A_13, %dma_wait3A_75] : memref<2560x128xi32, #tpu.memory_space<hbm>> -> memref<160x128xi32, #tpu.memory_space<hbm>>
      %dma_wait3A_77 = arith.constant 0 : i32
      %dma_wait3A_78 = tpu.memref_slice %arg3[%mul3A_13, %dma_wait3A_77] : memref<2560x128xi32, #tpu.memory_space<hbm>> -> memref<160x128xi32, #tpu.memory_space<hbm>>
      tpu.wait_dma2 semaphore(%run_scoped3A : memref<!tpu.dma_semaphore, #tpu.memory_space<semaphore_mem>>) src(%dma_wait3A_78 : memref<160x128xi32, #tpu.memory_space<hbm>>) dst(%arg6 : memref<160x128xi32, #tpu.memory_space<vmem>>)
      tpu.yield
    }) : () -> ()
    %mul3A_14 = arith.constant 160 : i32
    %mul3A_15 = arith.muli %arg1, %mul3A_14 : i32
    "tpu.region"() ({
      %run_scoped3A = tpu.sem_alloc : memref<!tpu.dma_semaphore, #tpu.memory_space<semaphore_mem>>
      %dma_start3A_71 = arith.constant 0 : i32
      %dma_start3A_72 = tpu.memref_slice %arg4[%arg0, %mul3A_15, %dma_start3A_71] : memref<2x2560x128xi32, #tpu.memory_space<hbm>> -> memref<1x160x128xi32, #tpu.memory_space<hbm>>
      %dma_start3A_73 = tpu.memref_squeeze %dma_start3A_72 : memref<1x160x128xi32, #tpu.memory_space<hbm>> -> memref<160x128xi32, #tpu.memory_space<hbm>>
      %dma_start3A_74 = arith.constant 0 : i32
      %dma_start3A_75 = tpu.memref_slice %arg4[%arg0, %mul3A_15, %dma_start3A_74] : memref<2x2560x128xi32, #tpu.memory_space<hbm>> -> memref<1x160x128xi32, #tpu.memory_space<hbm>>
      %dma_start3A_76 = tpu.memref_squeeze %dma_start3A_75 : memref<1x160x128xi32, #tpu.memory_space<hbm>> -> memref<160x128xi32, #tpu.memory_space<hbm>>
      tpu.enqueue_dma source(%dma_start3A_76 : memref<160x128xi32, #tpu.memory_space<hbm>>) target(%arg7 : memref<160x128xi32, #tpu.memory_space<vmem>>) target_semaphore(%run_scoped3A : memref<!tpu.dma_semaphore, #tpu.memory_space<semaphore_mem>>)
      %dma_wait3A_77 = arith.constant 0 : i32
      %dma_wait3A_78 = tpu.memref_slice %arg4[%arg0, %mul3A_15, %dma_wait3A_77] : memref<2x2560x128xi32, #tpu.memory_space<hbm>> -> memref<1x160x128xi32, #tpu.memory_space<hbm>>
      %dma_wait3A_79 = tpu.memref_squeeze %dma_wait3A_78 : memref<1x160x128xi32, #tpu.memory_space<hbm>> -> memref<160x128xi32, #tpu.memory_space<hbm>>
      %dma_wait3A_80 = arith.constant 0 : i32
      %dma_wait3A_81 = tpu.memref_slice %arg4[%arg0, %mul3A_15, %dma_wait3A_80] : memref<2x2560x128xi32, #tpu.memory_space<hbm>> -> memref<1x160x128xi32, #tpu.memory_space<hbm>>
      %dma_wait3A_82 = tpu.memref_squeeze %dma_wait3A_81 : memref<1x160x128xi32, #tpu.memory_space<hbm>> -> memref<160x128xi32, #tpu.memory_space<hbm>>
      tpu.wait_dma2 semaphore(%run_scoped3A : memref<!tpu.dma_semaphore, #tpu.memory_space<semaphore_mem>>) src(%dma_wait3A_82 : memref<160x128xi32, #tpu.memory_space<hbm>>) dst(%arg7 : memref<160x128xi32, #tpu.memory_space<vmem>>)
      tpu.yield
    }) : () -> ()
    %barrier3A = arith.constant 0 : index
    tpu.barrier barrier_id(%barrier3A)
    %dma_start3A = arith.constant 0 : i32
    %dma_start3A_16 = arith.constant 0 : i32
    %dma_start3A_17 = tpu.memref_slice %arg6[%dma_start3A, %dma_start3A_16] : memref<160x128xi32, #tpu.memory_space<vmem>> -> memref<1x128xi32, #tpu.memory_space<vmem>>
    %dma_start3A_18 = tpu.memref_squeeze %dma_start3A_17 : memref<1x128xi32, #tpu.memory_space<vmem>> -> memref<128xi32, #tpu.memory_space<vmem>>
    %dma_start3A_19 = arith.constant 0 : i32
    %dma_start3A_20 = arith.constant 0 : i32
    %dma_start3A_21 = tpu.memref_slice %arg2[%dma_start3A_19, %dma_start3A_20] : memref<10000x128xf32, #tpu.memory_space<hbm>> -> memref<10000x128xf32, #tpu.memory_space<hbm>>
    tpu.enqueue_indirect_dma source(%dma_start3A_21 : memref<10000x128xf32, #tpu.memory_space<hbm>>) target(%arg10 : memref<128x128xf32, #tpu.memory_space<vmem>>) offsets(%dma_start3A_18 : memref<128xi32, #tpu.memory_space<vmem>>) semaphore(%arg13 : memref<!tpu.dma_semaphore, #tpu.memory_space<semaphore_mem>>)
    %scan3A_22 = arith.constant 0 : i32
    %scan3A_23 = arith.constant 0 : i32
    %scan3A_24 = arith.constant 79 : i32
    %scan3A_25 = arith.addi %scan3A_23, %scan3A_24 : i32
    %scan3A_26 = arith.constant 1 : i32
    %scan3A_27 = scf.for %scan3A_71 = %scan3A_23 to %scan3A_25 step %scan3A_26 iter_args(%scan3A_72 = %scan3A_22) -> (i32)  : i32 {
      %mul3A_73 = arith.constant 2 : i32
      %mul3A_74 = arith.muli %mul3A_73, %scan3A_71 : i32
      %add3A = arith.constant 1 : i32
      %add3A_75 = arith.addi %mul3A_74, %add3A : i32
      %dma_start3A_76 = arith.constant 0 : i32
      %dma_start3A_77 = tpu.memref_slice %arg6[%add3A_75, %dma_start3A_76] : memref<160x128xi32, #tpu.memory_space<vmem>> -> memref<1x128xi32, #tpu.memory_space<vmem>>
      %dma_start3A_78 = tpu.memref_squeeze %dma_start3A_77 : memref<1x128xi32, #tpu.memory_space<vmem>> -> memref<128xi32, #tpu.memory_space<vmem>>
      %dma_start3A_79 = arith.constant 0 : i32
      %dma_start3A_80 = arith.constant 0 : i32
      %dma_start3A_81 = tpu.memref_slice %arg2[%dma_start3A_79, %dma_start3A_80] : memref<10000x128xf32, #tpu.memory_space<hbm>> -> memref<10000x128xf32, #tpu.memory_space<hbm>>
      tpu.enqueue_indirect_dma source(%dma_start3A_81 : memref<10000x128xf32, #tpu.memory_space<hbm>>) target(%arg11 : memref<128x128xf32, #tpu.memory_space<vmem>>) offsets(%dma_start3A_78 : memref<128xi32, #tpu.memory_space<vmem>>) semaphore(%arg14 : memref<!tpu.dma_semaphore, #tpu.memory_space<semaphore_mem>>)
      %scan3A_82 = arith.constant 0 : i32
      %scan3A_83 = arith.constant 0 : i32
      %scan3A_84 = arith.constant 8 : i32
      %scan3A_85 = arith.addi %scan3A_83, %scan3A_84 : i32
      %scan3A_86 = arith.constant 1 : i32
      %scan3A_87 = scf.for %scan3A_121 = %scan3A_83 to %scan3A_85 step %scan3A_86 iter_args(%scan3A_122 = %scan3A_82) -> (i32)  : i32 {
        %mul3A_123 = arith.constant 16 : i32
        %mul3A_124 = arith.muli %scan3A_121, %mul3A_123 : i32
        %get3A = arith.index_cast %mul3A_74 : i32 to index
        %get3A_125 = arith.index_cast %mul3A_124 : i32 to index
        %get3A_126 = tpu.vector_load %arg7[%get3A, %get3A_125] {strides = array<i32>} : memref<160x128xi32, #tpu.memory_space<vmem>>, vector<1x16xi32>,
        %get3A_127 = vector.shape_cast %get3A_126 : vector<1x16xi32> to vector<16xi32>
        %mul3A_128 = arith.constant 16 : i32
        %mul3A_129 = arith.muli %scan3A_121, %mul3A_128 : i32
        %swap3A = arith.index_cast %mul3A_129 : i32 to index
        %swap3A_130 = tpu.vector_load %arg8[%swap3A] {strides = array<i32>} : memref<128xi32, #tpu.memory_space<vmem>>, vector<16xi32>,
        %swap3A_131 = vector.shape_cast %swap3A_130 : vector<16xi32> to vector<16xi32>
        %swap3A_132 = vector.shape_cast %get3A_127 : vector<16xi32> to vector<16xi32>
        tpu.vector_store %arg8[%swap3A], %swap3A_132 {strides = array<i32>} : memref<128xi32, #tpu.memory_space<vmem>>, vector<16xi32>,
        %scan3A_133 = arith.constant 0 : i32
        scf.yield %scan3A_133 : i32
      }
      %scan3A_88 = arith.constant 8 : i32
      %dma_wait3A_89 = arith.constant 0 : i32
      %dma_wait3A_90 = tpu.memref_slice %arg6[%mul3A_74, %dma_wait3A_89] : memref<160x128xi32, #tpu.memory_space<vmem>> -> memref<1x128xi32, #tpu.memory_space<vmem>>
      %dma_wait3A_91 = tpu.memref_squeeze %dma_wait3A_90 : memref<1x128xi32, #tpu.memory_space<vmem>> -> memref<128xi32, #tpu.memory_space<vmem>>
      %dma_wait3A_92 = arith.constant 0 : i32
      %dma_wait3A_93 = arith.constant 0 : i32
      %dma_wait3A_94 = tpu.memref_slice %arg2[%dma_wait3A_92, %dma_wait3A_93] : memref<10000x128xf32, #tpu.memory_space<hbm>> -> memref<10000x128xf32, #tpu.memory_space<hbm>>
      tpu.wait_indirect_dma semaphore(%arg13 : memref<!tpu.dma_semaphore, #tpu.memory_space<semaphore_mem>>) src(%dma_wait3A_94 : memref<10000x128xf32, #tpu.memory_space<hbm>>) dst(%arg10 : memref<128x128xf32, #tpu.memory_space<vmem>>)
      "tpu.region"() ({
        %run_scoped3A = tpu.sem_alloc : memref<!tpu.dma_semaphore, #tpu.memory_space<semaphore_mem>>
        %dma_start3A_121 = arith.constant 0 : i32
        %dma_start3A_122 = arith.constant 0 : i32
        %dma_start3A_123 = tpu.memref_slice %arg12[%dma_start3A_121, %dma_start3A_122] : memref<5120x128xf32, #tpu.memory_space<vmem_shared>> -> memref<5120x128xf32, #tpu.memory_space<vmem_shared>>
        tpu.enqueue_indirect_dma source(%arg10 : memref<128x128xf32, #tpu.memory_space<vmem>>) target(%dma_start3A_123 : memref<5120x128xf32, #tpu.memory_space<vmem_shared>>) offsets(%arg8 : memref<128xi32, #tpu.memory_space<vmem>>) semaphore(%run_scoped3A : memref<!tpu.dma_semaphore, #tpu.memory_space<semaphore_mem>>) {add = true}
        %dma_wait3A_124 = arith.constant 0 : i32
        %dma_wait3A_125 = arith.constant 0 : i32
        %dma_wait3A_126 = tpu.memref_slice %arg12[%dma_wait3A_124, %dma_wait3A_125] : memref<5120x128xf32, #tpu.memory_space<vmem_shared>> -> memref<5120x128xf32, #tpu.memory_space<vmem_shared>>
        tpu.wait_indirect_dma semaphore(%run_scoped3A : memref<!tpu.dma_semaphore, #tpu.memory_space<semaphore_mem>>) src(%arg10 : memref<128x128xf32, #tpu.memory_space<vmem>>) dst(%dma_wait3A_126 : memref<5120x128xf32, #tpu.memory_space<vmem_shared>>)
        tpu.yield
      }) : () -> ()
      %add3A_95 = arith.constant 2 : i32
      %add3A_96 = arith.addi %mul3A_74, %add3A_95 : i32
      %dma_start3A_97 = arith.constant 0 : i32
      %dma_start3A_98 = tpu.memref_slice %arg6[%add3A_96, %dma_start3A_97] : memref<160x128xi32, #tpu.memory_space<vmem>> -> memref<1x128xi32, #tpu.memory_space<vmem>>
      %dma_start3A_99 = tpu.memref_squeeze %dma_start3A_98 : memref<1x128xi32, #tpu.memory_space<vmem>> -> memref<128xi32, #tpu.memory_space<vmem>>
      %dma_start3A_100 = arith.constant 0 : i32
      %dma_start3A_101 = arith.constant 0 : i32
      %dma_start3A_102 = tpu.memref_slice %arg2[%dma_start3A_100, %dma_start3A_101] : memref<10000x128xf32, #tpu.memory_space<hbm>> -> memref<10000x128xf32, #tpu.memory_space<hbm>>
      tpu.enqueue_indirect_dma source(%dma_start3A_102 : memref<10000x128xf32, #tpu.memory_space<hbm>>) target(%arg10 : memref<128x128xf32, #tpu.memory_space<vmem>>) offsets(%dma_start3A_99 : memref<128xi32, #tpu.memory_space<vmem>>) semaphore(%arg13 : memref<!tpu.dma_semaphore, #tpu.memory_space<semaphore_mem>>)
      %add3A_103 = arith.constant 1 : i32
      %add3A_104 = arith.addi %mul3A_74, %add3A_103 : i32
      %scan3A_105 = arith.constant 0 : i32
      %scan3A_106 = arith.constant 0 : i32
      %scan3A_107 = arith.constant 8 : i32
      %scan3A_108 = arith.addi %scan3A_106, %scan3A_107 : i32
      %scan3A_109 = arith.constant 1 : i32
      %scan3A_110 = scf.for %scan3A_121 = %scan3A_106 to %scan3A_108 step %scan3A_109 iter_args(%scan3A_122 = %scan3A_105) -> (i32)  : i32 {
        %mul3A_123 = arith.constant 16 : i32
        %mul3A_124 = arith.muli %scan3A_121, %mul3A_123 : i32
        %get3A = arith.index_cast %add3A_104 : i32 to index
        %get3A_125 = arith.index_cast %mul3A_124 : i32 to index
        %get3A_126 = tpu.vector_load %arg7[%get3A, %get3A_125] {strides = array<i32>} : memref<160x128xi32, #tpu.memory_space<vmem>>, vector<1x16xi32>,
        %get3A_127 = vector.shape_cast %get3A_126 : vector<1x16xi32> to vector<16xi32>
        %mul3A_128 = arith.constant 16 : i32
        %mul3A_129 = arith.muli %scan3A_121, %mul3A_128 : i32
        %swap3A = arith.index_cast %mul3A_129 : i32 to index
        %swap3A_130 = tpu.vector_load %arg9[%swap3A] {strides = array<i32>} : memref<128xi32, #tpu.memory_space<vmem>>, vector<16xi32>,
        %swap3A_131 = vector.shape_cast %swap3A_130 : vector<16xi32> to vector<16xi32>
        %swap3A_132 = vector.shape_cast %get3A_127 : vector<16xi32> to vector<16xi32>
        tpu.vector_store %arg9[%swap3A], %swap3A_132 {strides = array<i32>} : memref<128xi32, #tpu.memory_space<vmem>>, vector<16xi32>,
        %scan3A_133 = arith.constant 0 : i32
        scf.yield %scan3A_133 : i32
      }
      %scan3A_111 = arith.constant 8 : i32
      %add3A_112 = arith.constant 1 : i32
      %add3A_113 = arith.addi %mul3A_74, %add3A_112 : i32
      %dma_wait3A_114 = arith.constant 0 : i32
      %dma_wait3A_115 = tpu.memref_slice %arg6[%add3A_113, %dma_wait3A_114] : memref<160x128xi32, #tpu.memory_space<vmem>> -> memref<1x128xi32, #tpu.memory_space<vmem>>
      %dma_wait3A_116 = tpu.memref_squeeze %dma_wait3A_115 : memref<1x128xi32, #tpu.memory_space<vmem>> -> memref<128xi32, #tpu.memory_space<vmem>>
      %dma_wait3A_117 = arith.constant 0 : i32
      %dma_wait3A_118 = arith.constant 0 : i32
      %dma_wait3A_119 = tpu.memref_slice %arg2[%dma_wait3A_117, %dma_wait3A_118] : memref<10000x128xf32, #tpu.memory_space<hbm>> -> memref<10000x128xf32, #tpu.memory_space<hbm>>
      tpu.wait_indirect_dma semaphore(%arg14 : memref<!tpu.dma_semaphore, #tpu.memory_space<semaphore_mem>>) src(%dma_wait3A_119 : memref<10000x128xf32, #tpu.memory_space<hbm>>) dst(%arg11 : memref<128x128xf32, #tpu.memory_space<vmem>>)
      "tpu.region"() ({
        %run_scoped3A = tpu.sem_alloc : memref<!tpu.dma_semaphore, #tpu.memory_space<semaphore_mem>>
        %dma_start3A_121 = arith.constant 0 : i32
        %dma_start3A_122 = arith.constant 0 : i32
        %dma_start3A_123 = tpu.memref_slice %arg12[%dma_start3A_121, %dma_start3A_122] : memref<5120x128xf32, #tpu.memory_space<vmem_shared>> -> memref<5120x128xf32, #tpu.memory_space<vmem_shared>>
        tpu.enqueue_indirect_dma source(%arg11 : memref<128x128xf32, #tpu.memory_space<vmem>>) target(%dma_start3A_123 : memref<5120x128xf32, #tpu.memory_space<vmem_shared>>) offsets(%arg9 : memref<128xi32, #tpu.memory_space<vmem>>) semaphore(%run_scoped3A : memref<!tpu.dma_semaphore, #tpu.memory_space<semaphore_mem>>) {add = true}
        %dma_wait3A_124 = arith.constant 0 : i32
        %dma_wait3A_125 = arith.constant 0 : i32
        %dma_wait3A_126 = tpu.memref_slice %arg12[%dma_wait3A_124, %dma_wait3A_125] : memref<5120x128xf32, #tpu.memory_space<vmem_shared>> -> memref<5120x128xf32, #tpu.memory_space<vmem_shared>>
        tpu.wait_indirect_dma semaphore(%run_scoped3A : memref<!tpu.dma_semaphore, #tpu.memory_space<semaphore_mem>>) src(%arg11 : memref<128x128xf32, #tpu.memory_space<vmem>>) dst(%dma_wait3A_126 : memref<5120x128xf32, #tpu.memory_space<vmem_shared>>)
        tpu.yield
      }) : () -> ()
      %scan3A_120 = arith.constant 0 : i32
      scf.yield %scan3A_120 : i32
    }
    %scan3A_28 = arith.constant 79 : i32
    %dma_start3A_29 = arith.constant 159 : i32
    %dma_start3A_30 = arith.constant 0 : i32
    %dma_start3A_31 = tpu.memref_slice %arg6[%dma_start3A_29, %dma_start3A_30] : memref<160x128xi32, #tpu.memory_space<vmem>> -> memref<1x128xi32, #tpu.memory_space<vmem>>
    %dma_start3A_32 = tpu.memref_squeeze %dma_start3A_31 : memref<1x128xi32, #tpu.memory_space<vmem>> -> memref<128xi32, #tpu.memory_space<vmem>>
    %dma_start3A_33 = arith.constant 0 : i32
    %dma_start3A_34 = arith.constant 0 : i32
    %dma_start3A_35 = tpu.memref_slice %arg2[%dma_start3A_33, %dma_start3A_34] : memref<10000x128xf32, #tpu.memory_space<hbm>> -> memref<10000x128xf32, #tpu.memory_space<hbm>>
    tpu.enqueue_indirect_dma source(%dma_start3A_35 : memref<10000x128xf32, #tpu.memory_space<hbm>>) target(%arg11 : memref<128x128xf32, #tpu.memory_space<vmem>>) offsets(%dma_start3A_32 : memref<128xi32, #tpu.memory_space<vmem>>) semaphore(%arg14 : memref<!tpu.dma_semaphore, #tpu.memory_space<semaphore_mem>>)
    %scan3A_36 = arith.constant 0 : i32
    %scan3A_37 = arith.constant 0 : i32
    %scan3A_38 = arith.constant 8 : i32
    %scan3A_39 = arith.addi %scan3A_37, %scan3A_38 : i32
    %scan3A_40 = arith.constant 1 : i32
    %scan3A_41 = scf.for %scan3A_71 = %scan3A_37 to %scan3A_39 step %scan3A_40 iter_args(%scan3A_72 = %scan3A_36) -> (i32)  : i32 {
      %mul3A_73 = arith.constant 16 : i32
      %mul3A_74 = arith.muli %scan3A_71, %mul3A_73 : i32
      %get3A = arith.constant 158 : i32
      %get3A_75 = arith.index_cast %get3A : i32 to index
      %get3A_76 = arith.index_cast %mul3A_74 : i32 to index
      %get3A_77 = tpu.vector_load %arg7[%get3A_75, %get3A_76] {strides = array<i32>} : memref<160x128xi32, #tpu.memory_space<vmem>>, vector<1x16xi32>,
      %get3A_78 = vector.shape_cast %get3A_77 : vector<1x16xi32> to vector<16xi32>
      %mul3A_79 = arith.constant 16 : i32
      %mul3A_80 = arith.muli %scan3A_71, %mul3A_79 : i32
      %swap3A = arith.index_cast %mul3A_80 : i32 to index
      %swap3A_81 = tpu.vector_load %arg8[%swap3A] {strides = array<i32>} : memref<128xi32, #tpu.memory_space<vmem>>, vector<16xi32>,
      %swap3A_82 = vector.shape_cast %swap3A_81 : vector<16xi32> to vector<16xi32>
      %swap3A_83 = vector.shape_cast %get3A_78 : vector<16xi32> to vector<16xi32>
      tpu.vector_store %arg8[%swap3A], %swap3A_83 {strides = array<i32>} : memref<128xi32, #tpu.memory_space<vmem>>, vector<16xi32>,
      %scan3A_84 = arith.constant 0 : i32
      scf.yield %scan3A_84 : i32
    }
    %scan3A_42 = arith.constant 8 : i32
    %dma_wait3A = arith.constant 158 : i32
    %dma_wait3A_43 = arith.constant 0 : i32
    %dma_wait3A_44 = tpu.memref_slice %arg6[%dma_wait3A, %dma_wait3A_43] : memref<160x128xi32, #tpu.memory_space<vmem>> -> memref<1x128xi32, #tpu.memory_space<vmem>>
    %dma_wait3A_45 = tpu.memref_squeeze %dma_wait3A_44 : memref<1x128xi32, #tpu.memory_space<vmem>> -> memref<128xi32, #tpu.memory_space<vmem>>
    %dma_wait3A_46 = arith.constant 0 : i32
    %dma_wait3A_47 = arith.constant 0 : i32
    %dma_wait3A_48 = tpu.memref_slice %arg2[%dma_wait3A_46, %dma_wait3A_47] : memref<10000x128xf32, #tpu.memory_space<hbm>> -> memref<10000x128xf32, #tpu.memory_space<hbm>>
    tpu.wait_indirect_dma semaphore(%arg13 : memref<!tpu.dma_semaphore, #tpu.memory_space<semaphore_mem>>) src(%dma_wait3A_48 : memref<10000x128xf32, #tpu.memory_space<hbm>>) dst(%arg10 : memref<128x128xf32, #tpu.memory_space<vmem>>)
    "tpu.region"() ({
      %run_scoped3A = tpu.sem_alloc : memref<!tpu.dma_semaphore, #tpu.memory_space<semaphore_mem>>
      %dma_start3A_71 = arith.constant 0 : i32
      %dma_start3A_72 = arith.constant 0 : i32
      %dma_start3A_73 = tpu.memref_slice %arg12[%dma_start3A_71, %dma_start3A_72] : memref<5120x128xf32, #tpu.memory_space<vmem_shared>> -> memref<5120x128xf32, #tpu.memory_space<vmem_shared>>
      tpu.enqueue_indirect_dma source(%arg10 : memref<128x128xf32, #tpu.memory_space<vmem>>) target(%dma_start3A_73 : memref<5120x128xf32, #tpu.memory_space<vmem_shared>>) offsets(%arg8 : memref<128xi32, #tpu.memory_space<vmem>>) semaphore(%run_scoped3A : memref<!tpu.dma_semaphore, #tpu.memory_space<semaphore_mem>>) {add = true}
      %dma_wait3A_74 = arith.constant 0 : i32
      %dma_wait3A_75 = arith.constant 0 : i32
      %dma_wait3A_76 = tpu.memref_slice %arg12[%dma_wait3A_74, %dma_wait3A_75] : memref<5120x128xf32, #tpu.memory_space<vmem_shared>> -> memref<5120x128xf32, #tpu.memory_space<vmem_shared>>
      tpu.wait_indirect_dma semaphore(%run_scoped3A : memref<!tpu.dma_semaphore, #tpu.memory_space<semaphore_mem>>) src(%arg10 : memref<128x128xf32, #tpu.memory_space<vmem>>) dst(%dma_wait3A_76 : memref<5120x128xf32, #tpu.memory_space<vmem_shared>>)
      tpu.yield
    }) : () -> ()
    %scan3A_49 = arith.constant 0 : i32
    %scan3A_50 = arith.constant 0 : i32
    %scan3A_51 = arith.constant 8 : i32
    %scan3A_52 = arith.addi %scan3A_50, %scan3A_51 : i32
    %scan3A_53 = arith.constant 1 : i32
    %scan3A_54 = scf.for %scan3A_71 = %scan3A_50 to %scan3A_52 step %scan3A_53 iter_args(%scan3A_72 = %scan3A_49) -> (i32)  : i32 {
      %mul3A_73 = arith.constant 16 : i32
      %mul3A_74 = arith.muli %scan3A_71, %mul3A_73 : i32
      %get3A = arith.constant 159 : i32
      %get3A_75 = arith.index_cast %get3A : i32 to index
      %get3A_76 = arith.index_cast %mul3A_74 : i32 to index
      %get3A_77 = tpu.vector_load %arg7[%get3A_75, %get3A_76] {strides = array<i32>} : memref<160x128xi32, #tpu.memory_space<vmem>>, vector<1x16xi32>,
      %get3A_78 = vector.shape_cast %get3A_77 : vector<1x16xi32> to vector<16xi32>
      %mul3A_79 = arith.constant 16 : i32
      %mul3A_80 = arith.muli %scan3A_71, %mul3A_79 : i32
      %swap3A = arith.index_cast %mul3A_80 : i32 to index
      %swap3A_81 = tpu.vector_load %arg9[%swap3A] {strides = array<i32>} : memref<128xi32, #tpu.memory_space<vmem>>, vector<16xi32>,
      %swap3A_82 = vector.shape_cast %swap3A_81 : vector<16xi32> to vector<16xi32>
      %swap3A_83 = vector.shape_cast %get3A_78 : vector<16xi32> to vector<16xi32>
      tpu.vector_store %arg9[%swap3A], %swap3A_83 {strides = array<i32>} : memref<128xi32, #tpu.memory_space<vmem>>, vector<16xi32>,
      %scan3A_84 = arith.constant 0 : i32
      scf.yield %scan3A_84 : i32
    }
    %scan3A_55 = arith.constant 8 : i32
    %dma_wait3A_56 = arith.constant 159 : i32
    %dma_wait3A_57 = arith.constant 0 : i32
    %dma_wait3A_58 = tpu.memref_slice %arg6[%dma_wait3A_56, %dma_wait3A_57] : memref<160x128xi32, #tpu.memory_space<vmem>> -> memref<1x128xi32, #tpu.memory_space<vmem>>
    %dma_wait3A_59 = tpu.memref_squeeze %dma_wait3A_58 : memref<1x128xi32, #tpu.memory_space<vmem>> -> memref<128xi32, #tpu.memory_space<vmem>>
    %dma_wait3A_60 = arith.constant 0 : i32
    %dma_wait3A_61 = arith.constant 0 : i32
    %dma_wait3A_62 = tpu.memref_slice %arg2[%dma_wait3A_60, %dma_wait3A_61] : memref<10000x128xf32, #tpu.memory_space<hbm>> -> memref<10000x128xf32, #tpu.memory_space<hbm>>
    tpu.wait_indirect_dma semaphore(%arg14 : memref<!tpu.dma_semaphore, #tpu.memory_space<semaphore_mem>>) src(%dma_wait3A_62 : memref<10000x128xf32, #tpu.memory_space<hbm>>) dst(%arg11 : memref<128x128xf32, #tpu.memory_space<vmem>>)
    "tpu.region"() ({
      %run_scoped3A = tpu.sem_alloc : memref<!tpu.dma_semaphore, #tpu.memory_space<semaphore_mem>>
      %dma_start3A_71 = arith.constant 0 : i32
      %dma_start3A_72 = arith.constant 0 : i32
      %dma_start3A_73 = tpu.memref_slice %arg12[%dma_start3A_71, %dma_start3A_72] : memref<5120x128xf32, #tpu.memory_space<vmem_shared>> -> memref<5120x128xf32, #tpu.memory_space<vmem_shared>>
      tpu.enqueue_indirect_dma source(%arg11 : memref<128x128xf32, #tpu.memory_space<vmem>>) target(%dma_start3A_73 : memref<5120x128xf32, #tpu.memory_space<vmem_shared>>) offsets(%arg9 : memref<128xi32, #tpu.memory_space<vmem>>) semaphore(%run_scoped3A : memref<!tpu.dma_semaphore, #tpu.memory_space<semaphore_mem>>) {add = true}
      %dma_wait3A_74 = arith.constant 0 : i32
      %dma_wait3A_75 = arith.constant 0 : i32
      %dma_wait3A_76 = tpu.memref_slice %arg12[%dma_wait3A_74, %dma_wait3A_75] : memref<5120x128xf32, #tpu.memory_space<vmem_shared>> -> memref<5120x128xf32, #tpu.memory_space<vmem_shared>>
      tpu.wait_indirect_dma semaphore(%run_scoped3A : memref<!tpu.dma_semaphore, #tpu.memory_space<semaphore_mem>>) src(%arg11 : memref<128x128xf32, #tpu.memory_space<vmem>>) dst(%dma_wait3A_76 : memref<5120x128xf32, #tpu.memory_space<vmem_shared>>)
      tpu.yield
    }) : () -> ()
    %barrier3A_63 = arith.constant 0 : index
    tpu.barrier barrier_id(%barrier3A_63)
    %scan3A_64 = arith.constant 0 : i32
    %scan3A_65 = arith.constant 0 : i32
    %scan3A_66 = arith.constant 5 : i32
    %scan3A_67 = arith.addi %scan3A_65, %scan3A_66 : i32
    %scan3A_68 = arith.constant 1 : i32
    %scan3A_69 = scf.for %scan3A_71 = %scan3A_65 to %scan3A_67 step %scan3A_68 iter_args(%scan3A_72 = %scan3A_64) -> (i32)  : i32 {
      %mul3A_73 = arith.constant 320 : i32
      %mul3A_74 = arith.muli %arg1, %mul3A_73 : i32
      %mul3A_75 = arith.constant 64 : i32
      %mul3A_76 = arith.muli %scan3A_71, %mul3A_75 : i32
      %add3A = arith.addi %mul3A_74, %mul3A_76 : i32
      "tpu.region"() ({
        %run_scoped3A = tpu.sem_alloc : memref<!tpu.dma_semaphore, #tpu.memory_space<semaphore_mem>>
        %dma_start3A_83 = arith.constant 0 : i32
        %dma_start3A_84 = arith.constant 0 : i32
        %dma_start3A_85 = tpu.memref_slice %arg10[%dma_start3A_83, %dma_start3A_84] : memref<128x128xf32, #tpu.memory_space<vmem>> -> memref<64x128xf32, #tpu.memory_space<vmem>>
        %dma_start3A_86 = arith.constant 0 : i32
        %dma_start3A_87 = tpu.memref_slice %arg12[%add3A, %dma_start3A_86] : memref<5120x128xf32, #tpu.memory_space<vmem_shared>> -> memref<64x128xf32, #tpu.memory_space<vmem_shared>>
        %dma_start3A_88 = arith.constant 0 : i32
        %dma_start3A_89 = arith.constant 0 : i32
        %dma_start3A_90 = tpu.memref_slice %arg10[%dma_start3A_88, %dma_start3A_89] : memref<128x128xf32, #tpu.memory_space<vmem>> -> memref<64x128xf32, #tpu.memory_space<vmem>>
        %dma_start3A_91 = arith.constant 0 : i32
        %dma_start3A_92 = tpu.memref_slice %arg12[%add3A, %dma_start3A_91] : memref<5120x128xf32, #tpu.memory_space<vmem_shared>> -> memref<64x128xf32, #tpu.memory_space<vmem_shared>>
        tpu.enqueue_dma source(%dma_start3A_92 : memref<64x128xf32, #tpu.memory_space<vmem_shared>>) target(%dma_start3A_90 : memref<64x128xf32, #tpu.memory_space<vmem>>) target_semaphore(%run_scoped3A : memref<!tpu.dma_semaphore, #tpu.memory_space<semaphore_mem>>)
        %dma_wait3A_93 = arith.constant 0 : i32
        %dma_wait3A_94 = arith.constant 0 : i32
        %dma_wait3A_95 = tpu.memref_slice %arg10[%dma_wait3A_93, %dma_wait3A_94] : memref<128x128xf32, #tpu.memory_space<vmem>> -> memref<64x128xf32, #tpu.memory_space<vmem>>
        %dma_wait3A_96 = arith.constant 0 : i32
        %dma_wait3A_97 = tpu.memref_slice %arg12[%add3A, %dma_wait3A_96] : memref<5120x128xf32, #tpu.memory_space<vmem_shared>> -> memref<64x128xf32, #tpu.memory_space<vmem_shared>>
        %dma_wait3A_98 = arith.constant 0 : i32
        %dma_wait3A_99 = arith.constant 0 : i32
        %dma_wait3A_100 = tpu.memref_slice %arg10[%dma_wait3A_98, %dma_wait3A_99] : memref<128x128xf32, #tpu.memory_space<vmem>> -> memref<64x128xf32, #tpu.memory_space<vmem>>
        %dma_wait3A_101 = arith.constant 0 : i32
        %dma_wait3A_102 = tpu.memref_slice %arg12[%add3A, %dma_wait3A_101] : memref<5120x128xf32, #tpu.memory_space<vmem_shared>> -> memref<64x128xf32, #tpu.memory_space<vmem_shared>>
        tpu.wait_dma2 semaphore(%run_scoped3A : memref<!tpu.dma_semaphore, #tpu.memory_space<semaphore_mem>>) src(%dma_wait3A_102 : memref<64x128xf32, #tpu.memory_space<vmem_shared>>) dst(%dma_wait3A_100 : memref<64x128xf32, #tpu.memory_space<vmem>>)
        tpu.yield
      }) : () -> ()
      %mul3A_77 = arith.constant 320 : i32
      %mul3A_78 = arith.muli %arg1, %mul3A_77 : i32
      %mul3A_79 = arith.constant 64 : i32
      %mul3A_80 = arith.muli %scan3A_71, %mul3A_79 : i32
      %add3A_81 = arith.addi %mul3A_78, %mul3A_80 : i32
      "tpu.region"() ({
        %run_scoped3A = tpu.sem_alloc : memref<!tpu.dma_semaphore, #tpu.memory_space<semaphore_mem>>
        %dma_start3A_83 = arith.constant 0 : i32
        %dma_start3A_84 = arith.constant 0 : i32
        %dma_start3A_85 = tpu.memref_slice %arg10[%dma_start3A_83, %dma_start3A_84] : memref<128x128xf32, #tpu.memory_space<vmem>> -> memref<64x128xf32, #tpu.memory_space<vmem>>
        %dma_start3A_86 = arith.constant 0 : i32
        %dma_start3A_87 = tpu.memref_slice %arg5[%arg0, %add3A_81, %dma_start3A_86] : memref<2x5120x128xf32, #tpu.memory_space<hbm>> -> memref<1x64x128xf32, #tpu.memory_space<hbm>>
        %dma_start3A_88 = tpu.memref_squeeze %dma_start3A_87 : memref<1x64x128xf32, #tpu.memory_space<hbm>> -> memref<64x128xf32, #tpu.memory_space<hbm>>
        %dma_start3A_89 = arith.constant 0 : i32
        %dma_start3A_90 = tpu.memref_slice %arg5[%arg0, %add3A_81, %dma_start3A_89] : memref<2x5120x128xf32, #tpu.memory_space<hbm>> -> memref<1x64x128xf32, #tpu.memory_space<hbm>>
        %dma_start3A_91 = tpu.memref_squeeze %dma_start3A_90 : memref<1x64x128xf32, #tpu.memory_space<hbm>> -> memref<64x128xf32, #tpu.memory_space<hbm>>
        %dma_start3A_92 = arith.constant 0 : i32
        %dma_start3A_93 = arith.constant 0 : i32
        %dma_start3A_94 = tpu.memref_slice %arg10[%dma_start3A_92, %dma_start3A_93] : memref<128x128xf32, #tpu.memory_space<vmem>> -> memref<64x128xf32, #tpu.memory_space<vmem>>
        tpu.enqueue_dma source(%dma_start3A_94 : memref<64x128xf32, #tpu.memory_space<vmem>>) target(%dma_start3A_91 : memref<64x128xf32, #tpu.memory_space<hbm>>) target_semaphore(%run_scoped3A : memref<!tpu.dma_semaphore, #tpu.memory_space<semaphore_mem>>)
        %dma_wait3A_95 = arith.constant 0 : i32
        %dma_wait3A_96 = arith.constant 0 : i32
        %dma_wait3A_97 = tpu.memref_slice %arg10[%dma_wait3A_95, %dma_wait3A_96] : memref<128x128xf32, #tpu.memory_space<vmem>> -> memref<64x128xf32, #tpu.memory_space<vmem>>
        %dma_wait3A_98 = arith.constant 0 : i32
        %dma_wait3A_99 = tpu.memref_slice %arg5[%arg0, %add3A_81, %dma_wait3A_98] : memref<2x5120x128xf32, #tpu.memory_space<hbm>> -> memref<1x64x128xf32, #tpu.memory_space<hbm>>
        %dma_wait3A_100 = tpu.memref_squeeze %dma_wait3A_99 : memref<1x64x128xf32, #tpu.memory_space<hbm>> -> memref<64x128xf32, #tpu.memory_space<hbm>>
        %dma_wait3A_101 = arith.constant 0 : i32
        %dma_wait3A_102 = tpu.memref_slice %arg5[%arg0, %add3A_81, %dma_wait3A_101] : memref<2x5120x128xf32, #tpu.memory_space<hbm>> -> memref<1x64x128xf32, #tpu.memory_space<hbm>>
        %dma_wait3A_103 = tpu.memref_squeeze %dma_wait3A_102 : memref<1x64x128xf32, #tpu.memory_space<hbm>> -> memref<64x128xf32, #tpu.memory_space<hbm>>
        %dma_wait3A_104 = arith.constant 0 : i32
        %dma_wait3A_105 = arith.constant 0 : i32
        %dma_wait3A_106 = tpu.memref_slice %arg10[%dma_wait3A_104, %dma_wait3A_105] : memref<128x128xf32, #tpu.memory_space<vmem>> -> memref<64x128xf32, #tpu.memory_space<vmem>>
        tpu.wait_dma2 semaphore(%run_scoped3A : memref<!tpu.dma_semaphore, #tpu.memory_space<semaphore_mem>>) src(%dma_wait3A_106 : memref<64x128xf32, #tpu.memory_space<vmem>>) dst(%dma_wait3A_103 : memref<64x128xf32, #tpu.memory_space<hbm>>)
        tpu.yield
      }) : () -> ()
      %scan3A_82 = arith.constant 0 : i32
      scf.yield %scan3A_82 : i32
    }
    %scan3A_70 = arith.constant 5 : i32
    return
  }
}

module attributes {stable_mosaic.version = 14 : i64} {
  func.func @_tc1_body(%arg0: memref<10000x128xf32, #tpu.memory_space<vmem>>, %arg1: memref<128x128xf32, #tpu.memory_space<vmem>>, %arg2: memref<2x5120x128xf32, #tpu.memory_space<vmem>>, %arg3: memref<10000x128xf32, #tpu.memory_space<vmem>>) attributes {dimension_semantics = [], scalar_prefetch = 0 : i64, scratch_operands = 0 : i64, tpu.core_type = #tpu.core_type<tc>} {
    %get3A = arith.constant 0 : index
    %get3A_0 = arith.constant 0 : index
    %get3A_1 = arith.constant 0 : index
    %get3A_2 = vector.load %arg2[%get3A, %get3A_0, %get3A_1] : memref<2x5120x128xf32, #tpu.memory_space<vmem>>, vector<1x5000x128xf32>
    %get3A_3 = vector.shape_cast %get3A_2 : vector<1x5000x128xf32> to vector<5000x128xf32>
    %get3A_4 = arith.constant 1 : index
    %get3A_5 = arith.constant 0 : index
    %get3A_6 = arith.constant 0 : index
    %get3A_7 = vector.load %arg2[%get3A_4, %get3A_5, %get3A_6] : memref<2x5120x128xf32, #tpu.memory_space<vmem>>, vector<1x5000x128xf32>
    %get3A_8 = vector.shape_cast %get3A_7 : vector<1x5000x128xf32> to vector<5000x128xf32>
    %concatenate3A = tpu.concatenate %get3A_3, %get3A_8 in 0 : vector<5000x128xf32>, vector<5000x128xf32> -> vector<10000x128xf32>
    %add3A = arith.constant 1.000000e+00 : f32
    %add3A_9 = vector.broadcast %add3A : f32 to vector<10000x128xf32>
    %add3A_10 = arith.addf %concatenate3A, %add3A_9 : vector<10000x128xf32>
    %rsqrt3A = math.rsqrt %add3A_10 : vector<10000x128xf32>
    %get3A_11 = arith.constant 0 : index
    %get3A_12 = arith.constant 0 : index
    %get3A_13 = vector.load %arg0[%get3A_11, %get3A_12] : memref<10000x128xf32, #tpu.memory_space<vmem>>, vector<10000x128xf32>
    %get3A_14 = arith.constant 0 : index
    %get3A_15 = arith.constant 0 : index
    %get3A_16 = vector.load %arg1[%get3A_14, %get3A_15] : memref<128x128xf32, #tpu.memory_space<vmem>>, vector<128x128xf32>
    %dot_general3A = arith.constant dense<0.000000e+00> : vector<10000x128xf32>
    %dot_general3A_17 = tpu.matmul %get3A_13, %get3A_16, %dot_general3A {dimension_numbers = #tpu.dot_dimension_numbers<[1], [0], [0], [1], [0, 0, 1, 1], [], []>, transpose_lhs_hint = false} : vector<10000x128xf32>, vector<128x128xf32>, vector<10000x128xf32> -> vector<10000x128xf32>
    %mul3A = arith.mulf %dot_general3A_17, %rsqrt3A : vector<10000x128xf32>
    %swap3A = arith.constant 0 : index
    %swap3A_18 = arith.constant 0 : index
    %swap3A_19 = vector.load %arg3[%swap3A, %swap3A_18] : memref<10000x128xf32, #tpu.memory_space<vmem>>, vector<10000x128xf32>
    tpu.vector_store %arg3[%swap3A, %swap3A_18], %mul3A {strides = array<i32>} : memref<10000x128xf32, #tpu.memory_space<vmem>>, vector<10000x128xf32>,
    return
  }
}

module attributes {stable_mosaic.version = 14 : i64} {
  func.func @_tc2_body(%arg0: memref<2x5120x128xf32, #tpu.memory_space<vmem>>, %arg1: memref<10000x128xf32, #tpu.memory_space<vmem>>, %arg2: memref<2x5120x128xf32, #tpu.memory_space<vmem>>, %arg3: memref<1x128xf32, #tpu.memory_space<vmem>>, %arg4: memref<1x128xf32, #tpu.memory_space<vmem>>, %arg5: memref<1x128xf32, #tpu.memory_space<vmem>>, %arg6: memref<128x128xf32, #tpu.memory_space<vmem>>, %arg7: memref<10000x128xf32, #tpu.memory_space<vmem>>) attributes {dimension_semantics = [], scalar_prefetch = 0 : i64, scratch_operands = 0 : i64, tpu.core_type = #tpu.core_type<tc>} {
    %get3A = arith.constant 0 : index
    %get3A_0 = arith.constant 0 : index
    %get3A_1 = arith.constant 0 : index
    %get3A_2 = vector.load %arg2[%get3A, %get3A_0, %get3A_1] : memref<2x5120x128xf32, #tpu.memory_space<vmem>>, vector<1x5000x128xf32>
    %get3A_3 = vector.shape_cast %get3A_2 : vector<1x5000x128xf32> to vector<5000x128xf32>
    %get3A_4 = arith.constant 1 : index
    %get3A_5 = arith.constant 0 : index
    %get3A_6 = arith.constant 0 : index
    %get3A_7 = vector.load %arg2[%get3A_4, %get3A_5, %get3A_6] : memref<2x5120x128xf32, #tpu.memory_space<vmem>>, vector<1x5000x128xf32>
    %get3A_8 = vector.shape_cast %get3A_7 : vector<1x5000x128xf32> to vector<5000x128xf32>
    %concatenate3A = tpu.concatenate %get3A_3, %get3A_8 in 0 : vector<5000x128xf32>, vector<5000x128xf32> -> vector<10000x128xf32>
    %add3A = arith.constant 1.000000e+00 : f32
    %add3A_9 = vector.broadcast %add3A : f32 to vector<10000x128xf32>
    %add3A_10 = arith.addf %concatenate3A, %add3A_9 : vector<10000x128xf32>
    %rsqrt3A = math.rsqrt %add3A_10 : vector<10000x128xf32>
    %get3A_11 = arith.constant 0 : index
    %get3A_12 = arith.constant 0 : index
    %get3A_13 = arith.constant 0 : index
    %get3A_14 = vector.load %arg0[%get3A_11, %get3A_12, %get3A_13] : memref<2x5120x128xf32, #tpu.memory_space<vmem>>, vector<1x5000x128xf32>
    %get3A_15 = vector.shape_cast %get3A_14 : vector<1x5000x128xf32> to vector<5000x128xf32>
    %get3A_16 = arith.constant 1 : index
    %get3A_17 = arith.constant 0 : index
    %get3A_18 = arith.constant 0 : index
    %get3A_19 = vector.load %arg0[%get3A_16, %get3A_17, %get3A_18] : memref<2x5120x128xf32, #tpu.memory_space<vmem>>, vector<1x5000x128xf32>
    %get3A_20 = vector.shape_cast %get3A_19 : vector<1x5000x128xf32> to vector<5000x128xf32>
    %concatenate3A_21 = tpu.concatenate %get3A_15, %get3A_20 in 0 : vector<5000x128xf32>, vector<5000x128xf32> -> vector<10000x128xf32>
    %get3A_22 = arith.constant 0 : index
    %get3A_23 = arith.constant 0 : index
    %get3A_24 = vector.load %arg1[%get3A_22, %get3A_23] : memref<10000x128xf32, #tpu.memory_space<vmem>>, vector<10000x128xf32>
    %add3A_25 = arith.addf %concatenate3A_21, %get3A_24 : vector<10000x128xf32>
    %mul3A = arith.mulf %add3A_25, %rsqrt3A : vector<10000x128xf32>
    %get3A_26 = arith.constant 0 : index
    %get3A_27 = arith.constant 0 : index
    %get3A_28 = vector.load %arg5[%get3A_26, %get3A_27] : memref<1x128xf32, #tpu.memory_space<vmem>>, vector<1x128xf32>
    %add3A_29 = vector.broadcast %get3A_28 : vector<1x128xf32> to vector<10000x128xf32>
    %add3A_30 = arith.addf %mul3A, %add3A_29 : vector<10000x128xf32>
    %reduce_sum3A = arith.constant dense<0.000000e+00> : vector<128xf32>
    %reduce_sum3A_31 = vector.multi_reduction <add>, %add3A_30, %reduce_sum3A [0] : vector<10000x128xf32> to vector<128xf32>
    %broadcast_in_dim3A = vector.shape_cast %reduce_sum3A_31 : vector<128xf32> to vector<1x128xf32>
    %div3A = arith.constant 1.000000e+04 : f32
    %div3A_32 = vector.broadcast %div3A : f32 to vector<1x128xf32>
    %div3A_33 = arith.divf %broadcast_in_dim3A, %div3A_32 : vector<1x128xf32>
    %sub3A = vector.broadcast %div3A_33 : vector<1x128xf32> to vector<10000x128xf32>
    %sub3A_34 = arith.subf %add3A_30, %sub3A : vector<10000x128xf32>
    %integer_pow3A = arith.mulf %sub3A_34, %sub3A_34 : vector<10000x128xf32>
    %reduce_sum3A_35 = arith.constant dense<0.000000e+00> : vector<128xf32>
    %reduce_sum3A_36 = vector.multi_reduction <add>, %integer_pow3A, %reduce_sum3A_35 [0] : vector<10000x128xf32> to vector<128xf32>
    %broadcast_in_dim3A_37 = vector.shape_cast %reduce_sum3A_36 : vector<128xf32> to vector<1x128xf32>
    %div3A_38 = arith.constant 1.000000e+04 : f32
    %div3A_39 = vector.broadcast %div3A_38 : f32 to vector<1x128xf32>
    %div3A_40 = arith.divf %broadcast_in_dim3A_37, %div3A_39 : vector<1x128xf32>
    %sub3A_41 = vector.broadcast %div3A_33 : vector<1x128xf32> to vector<10000x128xf32>
    %sub3A_42 = arith.subf %add3A_30, %sub3A_41 : vector<10000x128xf32>
    %add3A_43 = arith.constant 9.99999974E-6 : f32
    %add3A_44 = vector.broadcast %add3A_43 : f32 to vector<1x128xf32>
    %add3A_45 = arith.addf %div3A_40, %add3A_44 : vector<1x128xf32>
    %rsqrt3A_46 = math.rsqrt %add3A_45 : vector<1x128xf32>
    %mul3A_47 = vector.broadcast %rsqrt3A_46 : vector<1x128xf32> to vector<10000x128xf32>
    %mul3A_48 = arith.mulf %sub3A_42, %mul3A_47 : vector<10000x128xf32>
    %get3A_49 = arith.constant 0 : index
    %get3A_50 = arith.constant 0 : index
    %get3A_51 = vector.load %arg3[%get3A_49, %get3A_50] : memref<1x128xf32, #tpu.memory_space<vmem>>, vector<1x128xf32>
    %mul3A_52 = vector.broadcast %get3A_51 : vector<1x128xf32> to vector<10000x128xf32>
    %mul3A_53 = arith.mulf %mul3A_48, %mul3A_52 : vector<10000x128xf32>
    %get3A_54 = arith.constant 0 : index
    %get3A_55 = arith.constant 0 : index
    %get3A_56 = vector.load %arg4[%get3A_54, %get3A_55] : memref<1x128xf32, #tpu.memory_space<vmem>>, vector<1x128xf32>
    %add3A_57 = vector.broadcast %get3A_56 : vector<1x128xf32> to vector<10000x128xf32>
    %add3A_58 = arith.addf %mul3A_53, %add3A_57 : vector<10000x128xf32>
    %max3A = arith.constant 0.000000e+00 : f32
    %max3A_59 = vector.broadcast %max3A : f32 to vector<10000x128xf32>
    %max3A_60 = arith.maximumf %add3A_58, %max3A_59 : vector<10000x128xf32>
    %get3A_61 = arith.constant 0 : index
    %get3A_62 = arith.constant 0 : index
    %get3A_63 = vector.load %arg6[%get3A_61, %get3A_62] : memref<128x128xf32, #tpu.memory_space<vmem>>, vector<128x128xf32>
    %dot_general3A = arith.constant dense<0.000000e+00> : vector<10000x128xf32>
    %dot_general3A_64 = tpu.matmul %max3A_60, %get3A_63, %dot_general3A {dimension_numbers = #tpu.dot_dimension_numbers<[1], [0], [0], [1], [0, 0, 1, 1], [], []>, transpose_lhs_hint = false} : vector<10000x128xf32>, vector<128x128xf32>, vector<10000x128xf32> -> vector<10000x128xf32>
    %mul3A_65 = arith.mulf %dot_general3A_64, %rsqrt3A : vector<10000x128xf32>
    %swap3A = arith.constant 0 : index
    %swap3A_66 = arith.constant 0 : index
    %swap3A_67 = vector.load %arg7[%swap3A, %swap3A_66] : memref<10000x128xf32, #tpu.memory_space<vmem>>, vector<10000x128xf32>
    tpu.vector_store %arg7[%swap3A, %swap3A_66], %mul3A_65 {strides = array<i32>} : memref<10000x128xf32, #tpu.memory_space<vmem>>, vector<10000x128xf32>,
    return
  }
}

module attributes {stable_mosaic.version = 14 : i64} {
  func.func @_tc3_body(%arg0: memref<2x5120x128xf32, #tpu.memory_space<vmem>>, %arg1: memref<10000x128xf32, #tpu.memory_space<vmem>>, %arg2: memref<2x5120x128xf32, #tpu.memory_space<vmem>>, %arg3: memref<1x128xf32, #tpu.memory_space<vmem>>, %arg4: memref<10000x128xf32, #tpu.memory_space<vmem>>) attributes {dimension_semantics = [], scalar_prefetch = 0 : i64, scratch_operands = 0 : i64, tpu.core_type = #tpu.core_type<tc>} {
    %get3A = arith.constant 0 : index
    %get3A_0 = arith.constant 0 : index
    %get3A_1 = arith.constant 0 : index
    %get3A_2 = vector.load %arg2[%get3A, %get3A_0, %get3A_1] : memref<2x5120x128xf32, #tpu.memory_space<vmem>>, vector<1x5000x128xf32>
    %get3A_3 = vector.shape_cast %get3A_2 : vector<1x5000x128xf32> to vector<5000x128xf32>
    %get3A_4 = arith.constant 1 : index
    %get3A_5 = arith.constant 0 : index
    %get3A_6 = arith.constant 0 : index
    %get3A_7 = vector.load %arg2[%get3A_4, %get3A_5, %get3A_6] : memref<2x5120x128xf32, #tpu.memory_space<vmem>>, vector<1x5000x128xf32>
    %get3A_8 = vector.shape_cast %get3A_7 : vector<1x5000x128xf32> to vector<5000x128xf32>
    %concatenate3A = tpu.concatenate %get3A_3, %get3A_8 in 0 : vector<5000x128xf32>, vector<5000x128xf32> -> vector<10000x128xf32>
    %add3A = arith.constant 1.000000e+00 : f32
    %add3A_9 = vector.broadcast %add3A : f32 to vector<10000x128xf32>
    %add3A_10 = arith.addf %concatenate3A, %add3A_9 : vector<10000x128xf32>
    %rsqrt3A = math.rsqrt %add3A_10 : vector<10000x128xf32>
    %get3A_11 = arith.constant 0 : index
    %get3A_12 = arith.constant 0 : index
    %get3A_13 = arith.constant 0 : index
    %get3A_14 = vector.load %arg0[%get3A_11, %get3A_12, %get3A_13] : memref<2x5120x128xf32, #tpu.memory_space<vmem>>, vector<1x5000x128xf32>
    %get3A_15 = vector.shape_cast %get3A_14 : vector<1x5000x128xf32> to vector<5000x128xf32>
    %get3A_16 = arith.constant 1 : index
    %get3A_17 = arith.constant 0 : index
    %get3A_18 = arith.constant 0 : index
    %get3A_19 = vector.load %arg0[%get3A_16, %get3A_17, %get3A_18] : memref<2x5120x128xf32, #tpu.memory_space<vmem>>, vector<1x5000x128xf32>
    %get3A_20 = vector.shape_cast %get3A_19 : vector<1x5000x128xf32> to vector<5000x128xf32>
    %concatenate3A_21 = tpu.concatenate %get3A_15, %get3A_20 in 0 : vector<5000x128xf32>, vector<5000x128xf32> -> vector<10000x128xf32>
    %get3A_22 = arith.constant 0 : index
    %get3A_23 = arith.constant 0 : index
    %get3A_24 = vector.load %arg1[%get3A_22, %get3A_23] : memref<10000x128xf32, #tpu.memory_space<vmem>>, vector<10000x128xf32>
    %add3A_25 = arith.addf %concatenate3A_21, %get3A_24 : vector<10000x128xf32>
    %mul3A = arith.mulf %add3A_25, %rsqrt3A : vector<10000x128xf32>
    %get3A_26 = arith.constant 0 : index
    %get3A_27 = arith.constant 0 : index
    %get3A_28 = vector.load %arg3[%get3A_26, %get3A_27] : memref<1x128xf32, #tpu.memory_space<vmem>>, vector<1x128xf32>
    %add3A_29 = vector.broadcast %get3A_28 : vector<1x128xf32> to vector<10000x128xf32>
    %add3A_30 = arith.addf %mul3A, %add3A_29 : vector<10000x128xf32>
    %swap3A = arith.constant 0 : index
    %swap3A_31 = arith.constant 0 : index
    %swap3A_32 = vector.load %arg4[%swap3A, %swap3A_31] : memref<10000x128xf32, #tpu.memory_space<vmem>>, vector<10000x128xf32>
    tpu.vector_store %arg4[%swap3A, %swap3A_31], %add3A_30 {strides = array<i32>} : memref<10000x128xf32, #tpu.memory_space<vmem>>, vector<10000x128xf32>,
    return
  }
}

</mosaic_0001>

<sc_bundles>
// kernel: kernel.11.cloned.1.call-start
scs
__scs_entry_jumppad:
0x0: {  	(pc) =	sbr.rel $0x88, $3  }
0x1: {  	(tag) =	ssettag $0x0;
	lr =	simm.s32 $0x1  }
0x2: {  	[smem:$0x3F99] =	sst lr;
	_ =	strace $0xD0000000  }
0x3: {  	_ = 	snop  }
0x4: {  	_ = 	snop  }
0x5: {  	_ = 	snop  }
0x6: {  	_ = 	snop  }
0x7: {  	_ = 	snop  }
__scs_overlays_trampoline_lowered:
0x8: {  	[smem:$0x3FA8] =	sst s0  }
0x9: {  	[smem:$0x3FA9] =	sst s1  }
0xa: {  	[smem:$0x3FAA] =	sst s2  }
0xb: {  	[smem:$0x3FAB] =	sst s3  }
0xc: {  	[smem:$0x3FAC] =	sst s4  }
0xd: {  	[smem:$0x3FAD] =	sst s5  }
0xe: {  	[smem:$0x3FAE] =	sst s6  }
0xf: {  	[smem:$0x3FAF] =	sst s7  }
0x10: {  	[smem:$0x3FB0] =	sst s8  }
0x11: {  	[smem:$0x3FB1] =	sst s9;
	s0 =	simm.s32 @!p0 $0x0  }
0x12: {  	s1 =	sld [smem:$0x3F97];
	s0 =	simm.s32 @p0 $0x1  }
0x13: {  	[smem:$0x3FB2] =	sst s0;
	s0 =	simm.s32 @!p1 $0x0  }
0x14: {  	s2 =	sld [smem:$0x3F96];
	s0 =	simm.s32 @p1 $0x1  }
0x15: {  	[smem:$0x3FB3] =	sst s0;
	s0 =	simm.s32 @!p2 $0x0  }
0x16: {  	s3 =	sld [smem:$0x3FDB];
	s0 =	simm.s32 @p2 $0x1  }
0x17: {  	s4 =	simm.s32 $0x1BF5;
	[smem:$0x3FB5] =	sst s0  }
0x18: {  	s0 =	sld [smem:$0x3F98];
	_ =	swait.ge [sflag:s4], $0x0  }
0x19: {  	s7 =	sld [smem:$0x3F99]  }
0x1a: {  	s8 =	sadd.s32 $0xFFFFE003, lr  }
0x1b: {  	s9 =	sadd.s32 $0xFFFFFEF7, lr;
	s5 =	simm.s32 $0xFFFFFFFF;
	p2 =	slt.u32 s8, $0xFFFFF086  }
0x1c: {  	p1 =	slt.u32 s9, $0xF7A;
	s5 =	simm.s32 @!p2 $0x0  }
0x1d: {  	s5 =	simm.s32 @p1 $0x1;
	p0 =	seq.s32 s7, s2  }
0x1e: {  	s7 =	smul.u32 @!p0 $0xF7A, s2;
	p2 =	seq.s32 @!p0 s5, $0x0  }
0x1f: {  	s9 =	smul.u32 $0xF7A, s1;
	s8 =	simm.s32 @!p0 $0x1BF5;
	p2 =	por !p2, p0  }
0x20: {  	[sflag:s8] =	ssyncset.s32 @!p0 $0xFFFFF086;
	s6 =	sadd.s32 @!p0 s3, s7;
	s7 =	simm.s32 @!p0 $0x108  }
0x21: {  	s3 =	sadd.s32 s3, s9;
	s6 =	sadd.s32 @!p0 $0x88, s6;
	s7 =	simm.s32 @p2 $0x1082  }
0x22: {  	[simem:s7], [sflag:s8] =	dma.local @!p0 [hbm:s6], $0xF7A  }
0x23: {  	s9 =	sor.u32 $0xD0000000, s2;
	s6 =	simm.s32 $0x108;
	_ =	swait.ge @!p0 [sflag:s8], $0x0  }
0x24: {  	s3 =	sadd.s32 $0x88, s3;
	s6 =	simm.s32 @!p1 $0x1082;
	[sflag:s4] =	ssyncset.s32 $0xFFFFF086  }
0x25: {  	[simem:s6], [sflag:s4] =	dma.local [hbm:s3], $0xF7A  }
0x26: {  	[smem:$0x3F99] =	sst s1;
	(tag) =	ssettag s2;
	_ =	strace s9  }
0x27: {  	s1 =	sld [smem:$0x3FA9]  }
0x28: {  	s2 =	sld [smem:$0x3FAA]  }
0x29: {  	s4 =	sld [smem:$0x3FAC]  }
0x2a: {  	p0 =	seq.s32 s5, $0x0;
	s5 =	sld [smem:$0x3FAD]  }
0x2b: {  	s6 =	sld [smem:$0x3FAE]  }
0x2c: {  	s7 =	sld [smem:$0x3FAF]  }
0x2d: {  	s3 =	simm.s32 $0x108;
	s8 =	sld [smem:$0x3FB0]  }
0x2e: {  	s3 =	simm.s32 @!p0 $0x1082;
	s9 =	sld [smem:$0x3FB1]  }
0x2f: {  	lr =	sadd.s32 s0, s3;
	s0 =	sld [smem:$0x3FA8]  }
0x30: {  	s3 =	sld [smem:$0x3FAB]  }
0x31: {  	[smem:$0x3FB4] =	sst s10  }
0x32: {  	s10 =	sld [smem:$0x3FB2];
	_ =	sdelay $0x3  }
0x33: {  	p0 =	seq.s32 s10, $0x1;
	s10 =	sld [smem:$0x3FB4];
	_ =	sdelay $0x3  }
0x34: {  	[smem:$0x3FB4] =	sst s10  }
0x35: {  	s10 =	sld [smem:$0x3FB3];
	_ =	sdelay $0x3  }
0x36: {  	p1 =	seq.s32 s10, $0x1;
	s10 =	sld [smem:$0x3FB4];
	_ =	sdelay $0x3  }
0x37: {  	[smem:$0x3FB4] =	sst s10  }
0x38: {  	s10 =	sld [smem:$0x3FB5]  }
0x39: {  	_ = 	snop;
	(pc) =	sbr.ind lr, $3  }
0x3a: {  	_ = 	snop  }
0x3b: {  	_ = 	snop  }
0x3c: {  	p2 =	seq.s32 s10, $0x1;
	s10 =	sld [smem:$0x3FB4]  }
0x3d: {  	_ =	shalt  }
0x3e: {  	_ =	shalt  }
0x3f: {  	_ =	shalt  }
0x40: {  	_ =	shalt  }
0x41: {  	_ =	shalt  }
0x42: {  	_ =	shalt  }
0x43: {  	_ =	shalt  }
0x44: {  	_ =	shalt  }
0x45: {  	_ =	shalt  }
0x46: {  	_ =	shalt  }
0x47: {  	_ =	shalt  }
0x48: {  	_ =	shalt  }
0x49: {  	_ =	shalt  }
0x4a: {  	_ =	shalt  }
0x4b: {  	_ =	shalt  }
0x4c: {  	_ =	shalt  }
0x4d: {  	_ =	shalt  }
0x4e: {  	_ =	shalt  }
0x4f: {  	_ =	shalt  }
0x50: {  	_ =	shalt  }
0x51: {  	_ =	shalt  }
0x52: {  	_ =	shalt  }
0x53: {  	_ =	shalt  }
0x54: {  	_ =	shalt  }
0x55: {  	_ =	shalt  }
0x56: {  	_ =	shalt  }
0x57: {  	_ =	shalt  }
0x58: {  	_ =	shalt  }
0x59: {  	_ =	shalt  }
0x5a: {  	_ =	shalt  }
0x5b: {  	_ =	shalt  }
0x5c: {  	_ =	shalt  }
0x5d: {  	_ =	shalt  }
0x5e: {  	_ =	shalt  }
0x5f: {  	_ =	shalt  }
0x60: {  	_ =	shalt  }
0x61: {  	_ =	shalt  }
0x62: {  	_ =	shalt  }
0x63: {  	_ =	shalt  }
0x64: {  	_ =	shalt  }
0x65: {  	_ =	shalt  }
0x66: {  	_ =	shalt  }
0x67: {  	_ =	shalt  }
0x68: {  	_ =	shalt  }
0x69: {  	_ =	shalt  }
0x6a: {  	_ =	shalt  }
0x6b: {  	_ =	shalt  }
0x6c: {  	_ =	shalt  }
0x6d: {  	_ =	shalt  }
0x6e: {  	_ =	shalt  }
0x6f: {  	_ =	shalt  }
0x70: {  	_ =	shalt  }
0x71: {  	_ =	shalt  }
0x72: {  	_ =	shalt  }
0x73: {  	_ =	shalt  }
0x74: {  	_ =	shalt  }
0x75: {  	_ =	shalt  }
0x76: {  	_ =	shalt  }
0x77: {  	_ =	shalt  }
0x78: {  	_ =	shalt  }
0x79: {  	_ =	shalt  }
0x7a: {  	_ =	shalt  }
0x7b: {  	_ =	shalt  }
0x7c: {  	_ =	shalt  }
0x7d: {  	_ =	shalt  }
0x7e: {  	_ =	shalt  }
0x7f: {  	_ =	shalt  }
0x80: {  	_ =	shalt  }
0x81: {  	_ =	shalt  }
0x82: {  	_ =	shalt  }
0x83: {  	_ =	shalt  }
0x84: {  	_ =	shalt  }
0x85: {  	_ =	shalt  }
0x86: {  	_ =	shalt  }
0x87: {  	_ =	shalt  }
.Lfunc_end0:
.L_simem_size_0:
called_computation.1_lowered:
.L_overlay_start_0:
0x88: {  	s2 =	sld [smem:$0x3FD9]  }
0x89: {  	s3 =	sld [smem:$0x3FFE];
	_ =	sdelay $0x1  }
0x8a: {  	s1 =	srdreg.scid  }
0x8b: {  	s0 =	sand.u32 $0x1, s1  }
0x8c: {  	s17 =	sshll.u32 s0, $0xA;
	s2 =	sadd.s32 s3, s2  }
0x8d: {  	s2 =	sadd.s32 s2, s17  }
0x8e: {  	[smem:$0x3FC0] =	sst s2  }
0x8f: {  	_ = 	snop  }
0x90: {  	s2 =	sld [smem:$0x3FD0];
	(tm) =	ssettm $0x1  }
0x91: {  	s18 =	sld [smem:$0x3FFB];
	_ =	sdelay $0x3  }
0x92: {  	_ =	strace s18  }
0x93: {  	s3 =	sld [smem:$0x3FFC];
	_ =	sdelay $0x3  }
0x94: {  	_ =	strace s3  }
0x95: {  	s3 =	sld [smem:$0x3FFD];
	_ =	sdelay $0x3  }
0x96: {  	_ =	strace s3  }
0x97: {  	_ =	strace $0x8FFFFFFF  }
0x98: {  	s19 =	sld [smem:$0x3FDB];
	_ =	sdelay $0x1  }
0x99: {  	s4 =	simm.s32 $_scs_section_size  }
0x9a: {  	s5 =	simm.s32 $_size__tile_overlayer_lowered;
	s6 =	simm.s32 $_tile_overlayer_lowered  }
0x9b: {  	s22 =	simm.s32 $0x1BFF;
	s21 =	sshll.u32 s6, $0x1;
	s3 =	sadd.s32 s4, s19  }
0x9c: {  	s7 =	simm.s32 $0x0;
	s20 =	sshll.u32 s5, $0x1;
	s5 =	sadd.s32 s21, s3  }
0x9d: {  	[timem:s7], [sflag:s22] =	dma.local [hbm:s5], s20  }
0x9e: {  	_ =	swait.ge [sflag:s22], s20  }
0x9f: {  	s4 =	ssub.s32 $0x0, s20;
	[sflag:s22] =	ssyncset.done $0x0  }
0xa0: {  	[sflag:s22] =	ssyncadd.s32 s4;
	_ =	sdelay $0x1  }
0xa1: {  	s23 =	simm.s32 $0x1B8B  }
0xa2: {  	_ =	swait.ge [sflag:s23], $0x1  }
0xa3: {  	[sflag:s23] =	ssyncset.done $0x0  }
0xa4: {  	s25 =	simm.s32 $0x1B8E;
	s24 =	sld [smem:$0x3FFE];
	[sflag:s23] =	ssyncadd.s32 $0xFFFFFFFF  }
0xa5: {  	s26 =	simm.s32 $execute0_lowered;
	[smem:$0x3FD2] =	sst s25  }
0xa6: {  	s5 =	sshll.u32 s26, $0x1;
	_ =	strace $0x80000049;
	[dreg:$0x1] =	wrdreg $0xFFFFFFFF  }
0xa7: {  	s28 =	simm.s32 $_size_execute0_lowered;
	s3 =	sadd.s32 s3, s5;
	[dreg:$0x0] =	wrdreg $0x0  }
0xa8: {  	s5 =	sshll.u32 s28, $0x1;
	[dreg:$0x2] =	wrdreg s3  }
0xa9: {  	[dreg:$0x3] =	wrdreg s5  }
0xaa: {  	[dreg:$0x4] =	wrdreg $0xC0  }
0xab: {  	_ =	task [dreg:s7], $0x5FFFF  }
0xac: {  	[dreg:$0x1] =	wrdreg $0xFFFFFFFF  }
0xad: {  	[dreg:$0x0] =	wrdreg $0x60  }
0xae: {  	[dreg:$0x2] =	wrdreg s2  }
0xaf: {  	[dreg:$0x3] =	wrdreg s24  }
0xb0: {  	[dreg:$0x4] =	wrdreg $0x121000  }
0xb1: {  	[dreg:$0x5] =	wrdreg $0x9  }
0xb2: {  	_ =	task.clear_ibuf [dreg:s7], $0x6FFFF;
	_ =	strace $0x90000049  }
0xb3: {  	s29 =	simm.s32 $0x9;
	_ =	strace $0x8000004B  }
0xb4: {  	_ =	swait.ge [sflag:s29], $0x1  }
0xb5: {  	[sflag:s29] =	ssyncadd.s32 $0xFFFFFFFF  }
0xb6: {  	_ =	strace $0x9000004B  }
0xb7: {  	_ =	sfence  }
0xb8: {  	s30 =	sld [smem:$0x0];
	_ =	sdelay $0x2  }
0xb9: {  	s31 =	sshll.u32 s1, $0xD;
	s1 =	sshrl.u32 s1, $0x2  }
0xba: {  	s3 =	sand.u32 $0x4000, s31;
	s1 =	sadd.s32 s1, s30  }
0xbb: {  	s0 =	sor.u32 s3, s0;
	s1 =	sshll.u32 s1, $0x11  }
0xbc: {  	s0 =	sor.u32 s1, s0  }
0xbd: {  	s0 =	sadd.s32 $0x8F2B, s0  }
0xbe: {  	[sflag:s0] =	ssyncadd.remote.s32 $0x1  }
0xbf: {  	_ =	sfence.sel $0xFFFF  }
0xc0: {  	[dreg:$0x0] =	wrdreg $0xFFFFFFFF;
	(pc) =	sbr.abs _section_cstart, $3  }
0xc1: {  	[dreg:$0x1] =	wrdreg $0xFFFFFFFF  }
0xc2: {  	_ =	task.clear_ibuf [dreg:s7], $0x2FFFF;
	_ =	strace $0x9FFFFFFF  }
0xc3: {  	(tm) =	ssettm $0x7FFFFFFF  }
tec
execute0_lowered:
.L_overlay_start_1:
0x0: {  	(tag) =	ssettag $0x1  }
0x1: {  	s1 =	rddreg [dreg:$0x0]  }
0x2: {  	s0 =	rddreg [dreg:$0x1]  }
0x3: {  	s10 =	stileid.u32;
	s2 =	srdreg.scid  }
0x4: {  	s3 =	rddreg [dreg:$0x2];
	s4 =	simm.s32 $0x0;
	s5 =	smul.u32 $0x5000, s10  }
0x5: {  	s28 =	simm.s32 $0x1;
	s29 =	simm.s32 $0xA000;
	s7 =	smul.u32 $0x28000, s10  }
0x6: {  	s30 =	simm.s32 $0x2;
	s2 =	sand.u32 $0x1, s2;
	s21 =	smul.u32 $0xA000, s10  }
0x7: {  	s31 =	simm.s32 $0xA080;
	[smem:$0x7FF] =	sst s4;
	s6 =	smul.u32 $0x50000, s2  }
0x8: {  	_ =	strace $0x8000004A;
	s19 =	ssub.s32 $0x2, s2;
	s2 =	smul.u32 $0xA0000, s2  }
0x9: {  	s9 =	sshrl.u32 s19, $0x1;
	s7 =	sshrl.u32 s7, $0x2;
	s14 =	sadd.s32 $0x2000, s21  }
0xa: {  	s16 =	sadd.s32 $0x4000, s21;
	s18 =	sadd.s32 $0x6000, s21;
	s6 =	sadd.s32 s5, s6  }
0xb: {  	s5 =	sshrl.u32 s5, $0x3;
	s9 =	ssub.s32 s19, s9;
	s23 =	sadd.s32 s2, s21  }
0xc: {  	s15 =	sadd.s32 s2, s14;
	s14 =	sadd.s32 s14, s3;
	s25 =	sadd.s32 s2, s16  }
0xd: {  	s16 =	sadd.s32 s16, s3;
	s26 =	sadd.s32 s2, s18;
	s18 =	sadd.s32 s18, s3  }
0xe: {  	s6 =	sshrl.u32 s6, $0x3;
	s8 =	sadd.s32 s5, s0;
	s5 =	sadd.s32 s7, s3  }
0xf: {  	s22 =	smax.u32 s9, $0x1;
	s7 =	sshrl.u32 s23, $0x3;
	s24 =	sshrl.u32 s15, $0x3  }
0x10: {  	s23 =	simm.s32 $0x3;
	s6 =	sadd.s32 s6, s0;
	s0 =	sadd.s32 $0x16E00, s0  }
0x11: {  	s20 =	sadd.s32 $0x3EE00, s8;
	[dreg:$0x6] =	wrdreg s22;
	s9 =	sadd.s32 $0x2000, s5  }
0x12: {  	s10 =	sadd.s32 $0x4000, s5;
	s11 =	sadd.s32 $0x6000, s5;
	s12 =	sadd.s32 $0x8000, s5  }
0x13: {  	s22 =	simm.s32 $0xE100;
	[dreg:$0x4] =	wrdreg s20;
	s6 =	sadd.s32 $0x2E00, s6  }
0x14: {  	s13 =	sadd.s32 s0, s7;
	s15 =	sadd.s32 s0, s24;
	s7 =	sshrl.u32 s25, $0x3  }
0x15: {  	s25 =	simm.s32 $0x80;
	[dreg:$0x5] =	wrdreg s6;
	s6 =	sadd.s32 $0x8000, s21  }
0x16: {  	s17 =	sadd.s32 s0, s7;
	s7 =	sshrl.u32 s26, $0x3;
	s2 =	sadd.s32 s2, s6  }
0x17: {  	s26 =	simm.s32 $0xA100;
	s19 =	sadd.s32 s0, s7;
	s2 =	sshrl.u32 s2, $0x3  }
0x18: {  	v0 =	vimm.f32 $0.0e+00;
	s20 =	sadd.s32 s6, s3;
	s21 =	sadd.s32 s0, s2;
	s0 =	simm.s32 $0x0  }
.LBB2_1:
0x19: {  	s2 =	simm.s32 $0x0;
	s6 =	simm.s32 $0x200  }
.LBB2_2:
0x1a: {  	p0 =	sne.s32 s6, $0x7E00;
	[tilespmem:s2+$0xE170] =	vst v0  }
0x1b: {  	[tilespmem:s2+$0xE100] =	vst v0  }
0x1c: {  	[tilespmem:s2+$0xE110] =	vst v0  }
.Ltmp0:
0x1d: {  	[tilespmem:s2+$0xE120] =	vst v0;
	(pc) =	sbr.rel @p0 .LBB2_2-.Ltmp0, $4  }
0x1e: {  	[tilespmem:s2+$0xE130] =	vst v0  }
0x1f: {  	[tilespmem:s2+$0xE140] =	vst v0  }
0x20: {  	[tilespmem:s2+$0xE150] =	vst v0  }
0x21: {  	[tilespmem:s2+$0xE160] =	vst v0;
	s2 =	sshra.s32 s6, $0x2;
	s6 =	sadd.s32 $0x200, s6  }
0x22: {  	[tilespmem:s2+$0xE170] =	vst v0  }
0x23: {  	[tilespmem:s2+$0xE100] =	vst v0  }
0x24: {  	[tilespmem:s2+$0xE110] =	vst v0  }
0x25: {  	[tilespmem:s2+$0xE120] =	vst v0  }
0x26: {  	[tilespmem:s2+$0xE130] =	vst v0  }
0x27: {  	[tilespmem:s2+$0xE140] =	vst v0  }
0x28: {  	[tilespmem:s2+$0xE150] =	vst v0  }
0x29: {  	[tilespmem:s2+$0xE160] =	vst v0  }
0x2a: {  	[spmem:s5] =	stream.linear.scatter [tilespmem:s22], [sflag:$0x3], $0x2000, $0x38;
	[tilespmem:$0x1C100] =	vst v63  }
0x2b: {  	_ =	swait.ge [sflag:s23], $0x2000  }
0x2c: {  	[sflag:s23] =	ssyncset.done $0x0  }
0x2d: {  	[sflag:s23] =	ssyncadd.s32 $0xFFFFE000  }
0x2e: {  	[spmem:s9] =	stream.linear.scatter [tilespmem:s22], [sflag:$0x3], $0x2000, $0x38;
	[tilespmem:$0x1C100] =	vst v63  }
0x2f: {  	_ =	swait.ge [sflag:s23], $0x2000  }
0x30: {  	[sflag:s23] =	ssyncset.done $0x0  }
0x31: {  	[sflag:s23] =	ssyncadd.s32 $0xFFFFE000  }
0x32: {  	[spmem:s10] =	stream.linear.scatter [tilespmem:s22], [sflag:$0x3], $0x2000, $0x38;
	[tilespmem:$0x1C100] =	vst v63  }
0x33: {  	_ =	swait.ge [sflag:s23], $0x2000  }
0x34: {  	[sflag:s23] =	ssyncset.done $0x0  }
0x35: {  	[sflag:s23] =	ssyncadd.s32 $0xFFFFE000  }
0x36: {  	[spmem:s11] =	stream.linear.scatter [tilespmem:s22], [sflag:$0x3], $0x2000, $0x38;
	[tilespmem:$0x1C100] =	vst v63  }
0x37: {  	_ =	swait.ge [sflag:s23], $0x2000  }
0x38: {  	[sflag:s23] =	ssyncset.done $0x0  }
0x39: {  	[sflag:s23] =	ssyncadd.s32 $0xFFFFE000  }
0x3a: {  	[spmem:s12] =	stream.linear.scatter [tilespmem:s22], [sflag:$0x3], $0x2000, $0x38;
	[tilespmem:$0x1C100] =	vst v63  }
0x3b: {  	_ =	swait.ge [sflag:s23], $0x2000  }
0x3c: {  	[sflag:s23] =	ssyncset.done $0x0  }
0x3d: {  	s8 =	simm.s32 $0x0;
	s6 =	rddreg [dreg:$0x4];
	[sflag:s23] =	ssyncadd.s32 $0xFFFFE000  }
0x3e: {  	[tilespmem:s8], [sflag:$0x3] =	stream.linear.gather [hbm4b:s6+s8], $0x5000, $0x38;
	[tilespmem:$0x1C100] =	vst v63  }
0x3f: {  	_ =	swait.ge [sflag:s23], $0x5000  }
0x40: {  	[sflag:s23] =	ssyncset.done $0x0  }
0x41: {  	s7 =	simm.s32 $0x5000;
	s24 =	rddreg [dreg:$0x5];
	[sflag:s23] =	ssyncadd.s32 $0xFFFFB000  }
0x42: {  	[tilespmem:s7], [sflag:$0x3] =	stream.linear.gather [hbm4b:s24+s8], $0x5000, $0x38;
	[tilespmem:$0x1C100] =	vst v63  }
0x43: {  	_ =	swait.ge [sflag:s23], $0x5000  }
0x44: {  	[sflag:s23] =	ssyncset.done $0x0  }
0x45: {  	[sflag:s23] =	ssyncadd.s32 $0xFFFFB000  }
0x46: {  	[bflag:$0x0] =	sbarrier.arrive $0xFFFF  }
0x47: {  	[tilespmem:s26], [sflag:$0x1] =	stream.indirect.gather [hbm4b:s1+s25], $0x80, s8, s25, $0xb8;
	[tilespmem:$0x1C100] =	vst v63  }
0x48: {  	s7 =	simm.s32 $0x0;
	s8 =	simm.s32 $0x80  }
0x49: {  	[tilespmem:s22], [sflag:$0x2] =	stream.indirect.gather [hbm4b:s1+s25], $0x80, s8, s25, $0xb8;
	[tilespmem:$0x1C100] =	vst v63  }
0x4a: {  	v1 =	vld [tilespmem:s7+$0x5000];
	_ =	sdelay $0x4  }
0x4b: {  	[tilespmem:$0xA000] =	vst v1  }
0x4c: {  	v1 =	vld [tilespmem:s7+$0x5010];
	_ =	sdelay $0x4  }
0x4d: {  	[tilespmem:$0xA010] =	vst v1  }
0x4e: {  	v1 =	vld [tilespmem:s7+$0x5020];
	_ =	sdelay $0x4  }
0x4f: {  	[tilespmem:$0xA020] =	vst v1  }
0x50: {  	v1 =	vld [tilespmem:s7+$0x5030];
	_ =	sdelay $0x4  }
0x51: {  	[tilespmem:$0xA030] =	vst v1  }
0x52: {  	v1 =	vld [tilespmem:s7+$0x5040];
	_ =	sdelay $0x4  }
0x53: {  	[tilespmem:$0xA040] =	vst v1  }
0x54: {  	v1 =	vld [tilespmem:s7+$0x5050];
	_ =	sdelay $0x4  }
0x55: {  	[tilespmem:$0xA050] =	vst v1  }
0x56: {  	v1 =	vld [tilespmem:s7+$0x5060];
	_ =	sdelay $0x4  }
0x57: {  	[tilespmem:$0xA060] =	vst v1  }
0x58: {  	v1 =	vld [tilespmem:s7+$0x5070];
	_ =	sdelay $0x4  }
0x59: {  	[tilespmem:$0xA070] =	vst v1  }
0x5a: {  	_ =	swait.ge [sflag:s28], $0x4000  }
0x5b: {  	[sflag:s28] =	ssyncset.done $0x0  }
0x5c: {  	[sflag:s28] =	ssyncadd.s32 $0xFFFFC000  }
0x5d: {  	[spmem:s3] =	stream.indirect.scatter.add.f32 [tilespmem:s26], [sflag:$0x3], $0x80, s29, s25, $0xb8;
	[tilespmem:$0x1C100] =	vst v63  }
0x5e: {  	_ =	swait.ge [sflag:s23], $0x4000  }
0x5f: {  	[sflag:s23] =	ssyncset.done $0x0  }
0x60: {  	s24 =	simm.s32 $0x100;
	[sflag:s23] =	ssyncadd.s32 $0xFFFFC000  }
0x61: {  	[tilespmem:s26], [sflag:$0x1] =	stream.indirect.gather [hbm4b:s1+s25], $0x80, s24, s25, $0xb8;
	[tilespmem:$0x1C100] =	vst v63  }
0x62: {  	v1 =	vld [tilespmem:s7+$0x5080];
	_ =	sdelay $0x4  }
0x63: {  	[tilespmem:$0xA080] =	vst v1  }
0x64: {  	v1 =	vld [tilespmem:s7+$0x5090];
	_ =	sdelay $0x4  }
0x65: {  	[tilespmem:$0xA090] =	vst v1  }
0x66: {  	v1 =	vld [tilespmem:s7+$0x50A0];
	_ =	sdelay $0x4  }
0x67: {  	[tilespmem:$0xA0A0] =	vst v1  }
0x68: {  	v1 =	vld [tilespmem:s7+$0x50B0];
	_ =	sdelay $0x4  }
0x69: {  	[tilespmem:$0xA0B0] =	vst v1  }
0x6a: {  	v1 =	vld [tilespmem:s7+$0x50C0];
	_ =	sdelay $0x4  }
0x6b: {  	[tilespmem:$0xA0C0] =	vst v1  }
0x6c: {  	v1 =	vld [tilespmem:s7+$0x50D0];
	_ =	sdelay $0x4  }
0x6d: {  	[tilespmem:$0xA0D0] =	vst v1  }
0x6e: {  	v1 =	vld [tilespmem:s7+$0x50E0];
	_ =	sdelay $0x4  }
0x6f: {  	[tilespmem:$0xA0E0] =	vst v1  }
0x70: {  	v1 =	vld [tilespmem:s7+$0x50F0];
	_ =	sdelay $0x4  }
0x71: {  	[tilespmem:$0xA0F0] =	vst v1  }
0x72: {  	_ =	swait.ge [sflag:s30], $0x4000  }
0x73: {  	[sflag:s30] =	ssyncset.done $0x0  }
0x74: {  	[sflag:s30] =	ssyncadd.s32 $0xFFFFC000  }
0x75: {  	[spmem:s3] =	stream.indirect.scatter.add.f32 [tilespmem:s22], [sflag:$0x3], $0x80, s31, s25, $0xb8;
	[tilespmem:$0x1C100] =	vst v63  }
0x76: {  	_ =	swait.ge [sflag:s23], $0x4000  }
0x77: {  	s2 =	simm.s32 $0x800;
	s24 =	simm.s32 $0x100;
	[sflag:s23] =	ssyncset.done $0x0  }
.LBB2_4:
0x78: {  	s8 =	sadd.s32 $0x80, s24  }
0x79: {  	[sflag:s23] =	ssyncadd.s32 $0xFFFFC000;
	s6 =	smov.u32 s2;
	s7 =	sadd.s32 $0x400, s2  }
0x7a: {  	[tilespmem:s22], [sflag:$0x2] =	stream.indirect.gather [hbm4b:s1+s25], $0x80, s8, s25, $0xb8;
	[tilespmem:$0x1C100] =	vst v63  }
0x7b: {  	p0 =	sne.s32 s2, $0x13800;
	v1 =	vld [tilespmem:s24+$0x5000];
	_ =	sdelay $0x4  }
0x7c: {  	[tilespmem:$0xA000] =	vst v1  }
0x7d: {  	v1 =	vld [tilespmem:s24+$0x5010];
	_ =	sdelay $0x4  }
0x7e: {  	[tilespmem:$0xA010] =	vst v1  }
0x7f: {  	v1 =	vld [tilespmem:s24+$0x5020];
	_ =	sdelay $0x4  }
0x80: {  	[tilespmem:$0xA020] =	vst v1  }
0x81: {  	v1 =	vld [tilespmem:s24+$0x5030];
	_ =	sdelay $0x4  }
0x82: {  	[tilespmem:$0xA030] =	vst v1  }
0x83: {  	v1 =	vld [tilespmem:s24+$0x5040];
	_ =	sdelay $0x4  }
0x84: {  	[tilespmem:$0xA040] =	vst v1  }
0x85: {  	v1 =	vld [tilespmem:s24+$0x5050];
	_ =	sdelay $0x4  }
0x86: {  	[tilespmem:$0xA050] =	vst v1  }
0x87: {  	v1 =	vld [tilespmem:s24+$0x5060];
	_ =	sdelay $0x4  }
0x88: {  	[tilespmem:$0xA060] =	vst v1  }
0x89: {  	v1 =	vld [tilespmem:s24+$0x5070];
	_ =	sdelay $0x4  }
0x8a: {  	[tilespmem:$0xA070] =	vst v1  }
0x8b: {  	_ =	swait.ge [sflag:s28], $0x4000  }
0x8c: {  	[sflag:s28] =	ssyncset.done $0x0  }
0x8d: {  	[sflag:s28] =	ssyncadd.s32 $0xFFFFC000  }
0x8e: {  	[spmem:s3] =	stream.indirect.scatter.add.f32 [tilespmem:s26], [sflag:$0x3], $0x80, s29, s25, $0xb8;
	[tilespmem:$0x1C100] =	vst v63  }
0x8f: {  	_ =	swait.ge [sflag:s23], $0x4000  }
0x90: {  	[sflag:s23] =	ssyncset.done $0x0  }
0x91: {  	s2 =	sadd.s32 $0x100, s24;
	[sflag:s23] =	ssyncadd.s32 $0xFFFFC000  }
0x92: {  	[tilespmem:s26], [sflag:$0x1] =	stream.indirect.gather [hbm4b:s1+s25], $0x80, s2, s25, $0xb8;
	[tilespmem:$0x1C100] =	vst v63  }
0x93: {  	v1 =	vld [tilespmem:s24+$0x5080];
	_ =	sdelay $0x4  }
0x94: {  	[tilespmem:$0xA080] =	vst v1  }
0x95: {  	v1 =	vld [tilespmem:s24+$0x5090];
	_ =	sdelay $0x4  }
0x96: {  	[tilespmem:$0xA090] =	vst v1  }
0x97: {  	v1 =	vld [tilespmem:s24+$0x50A0];
	_ =	sdelay $0x4  }
0x98: {  	[tilespmem:$0xA0A0] =	vst v1  }
0x99: {  	v1 =	vld [tilespmem:s24+$0x50B0];
	_ =	sdelay $0x4  }
0x9a: {  	[tilespmem:$0xA0B0] =	vst v1  }
0x9b: {  	v1 =	vld [tilespmem:s24+$0x50C0];
	_ =	sdelay $0x4  }
0x9c: {  	[tilespmem:$0xA0C0] =	vst v1  }
0x9d: {  	v1 =	vld [tilespmem:s24+$0x50D0];
	_ =	sdelay $0x4  }
0x9e: {  	[tilespmem:$0xA0D0] =	vst v1  }
0x9f: {  	v1 =	vld [tilespmem:s24+$0x50E0];
	_ =	sdelay $0x4  }
0xa0: {  	[tilespmem:$0xA0E0] =	vst v1  }
0xa1: {  	v1 =	vld [tilespmem:s24+$0x50F0];
	_ =	sdelay $0x4  }
0xa2: {  	[tilespmem:$0xA0F0] =	vst v1  }
0xa3: {  	_ =	swait.ge [sflag:s30], $0x4000  }
.Ltmp1:
0xa4: {  	[sflag:s30] =	ssyncset.done $0x0;
	(pc) =	sbr.rel @p0 .LBB2_4-.Ltmp1, $4  }
0xa5: {  	[sflag:s30] =	ssyncadd.s32 $0xFFFFC000  }
0xa6: {  	[spmem:s3] =	stream.indirect.scatter.add.f32 [tilespmem:s22], [sflag:$0x3], $0x80, s31, s25, $0xb8;
	[tilespmem:$0x1C100] =	vst v63  }
0xa7: {  	_ =	swait.ge [sflag:s23], $0x4000  }
0xa8: {  	s2 =	smov.u32 s7;
	s24 =	sshra.s32 s6, $0x2;
	[sflag:s23] =	ssyncset.done $0x0  }
0xa9: {  	s2 =	sadd.s32 $0x80, s24;
	[sflag:s23] =	ssyncadd.s32 $0xFFFFC000  }
0xaa: {  	[tilespmem:s22], [sflag:$0x2] =	stream.indirect.gather [hbm4b:s1+s25], $0x80, s2, s25, $0xb8;
	[tilespmem:$0x1C100] =	vst v63  }
0xab: {  	v1 =	vld [tilespmem:s24+$0x5000];
	_ =	sdelay $0x4  }
0xac: {  	[tilespmem:$0xA000] =	vst v1  }
0xad: {  	v1 =	vld [tilespmem:s24+$0x5010];
	_ =	sdelay $0x4  }
0xae: {  	[tilespmem:$0xA010] =	vst v1  }
0xaf: {  	v1 =	vld [tilespmem:s24+$0x5020];
	_ =	sdelay $0x4  }
0xb0: {  	[tilespmem:$0xA020] =	vst v1  }
0xb1: {  	v1 =	vld [tilespmem:s24+$0x5030];
	_ =	sdelay $0x4  }
0xb2: {  	[tilespmem:$0xA030] =	vst v1  }
0xb3: {  	v1 =	vld [tilespmem:s24+$0x5040];
	_ =	sdelay $0x4  }
0xb4: {  	[tilespmem:$0xA040] =	vst v1  }
0xb5: {  	v1 =	vld [tilespmem:s24+$0x5050];
	_ =	sdelay $0x4  }
0xb6: {  	[tilespmem:$0xA050] =	vst v1  }
0xb7: {  	v1 =	vld [tilespmem:s24+$0x5060];
	_ =	sdelay $0x4  }
0xb8: {  	[tilespmem:$0xA060] =	vst v1  }
0xb9: {  	v1 =	vld [tilespmem:s24+$0x5070];
	_ =	sdelay $0x4  }
0xba: {  	[tilespmem:$0xA070] =	vst v1  }
0xbb: {  	_ =	swait.ge [sflag:s28], $0x4000  }
0xbc: {  	[sflag:s28] =	ssyncset.done $0x0  }
0xbd: {  	[sflag:s28] =	ssyncadd.s32 $0xFFFFC000  }
0xbe: {  	[spmem:s3] =	stream.indirect.scatter.add.f32 [tilespmem:s26], [sflag:$0x3], $0x80, s29, s25, $0xb8;
	[tilespmem:$0x1C100] =	vst v63  }
0xbf: {  	_ =	swait.ge [sflag:s23], $0x4000  }
0xc0: {  	[sflag:s23] =	ssyncset.done $0x0  }
0xc1: {  	s7 =	sadd.s32 $0x100, s24;
	[sflag:s23] =	ssyncadd.s32 $0xFFFFC000  }
0xc2: {  	[tilespmem:s26], [sflag:$0x1] =	stream.indirect.gather [hbm4b:s1+s25], $0x80, s7, s25, $0xb8;
	[tilespmem:$0x1C100] =	vst v63  }
0xc3: {  	v1 =	vld [tilespmem:s24+$0x5080];
	_ =	sdelay $0x4  }
0xc4: {  	[tilespmem:$0xA080] =	vst v1  }
0xc5: {  	v1 =	vld [tilespmem:s24+$0x5090];
	_ =	sdelay $0x4  }
0xc6: {  	[tilespmem:$0xA090] =	vst v1  }
0xc7: {  	v1 =	vld [tilespmem:s24+$0x50A0];
	_ =	sdelay $0x4  }
0xc8: {  	[tilespmem:$0xA0A0] =	vst v1  }
0xc9: {  	v1 =	vld [tilespmem:s24+$0x50B0];
	_ =	sdelay $0x4  }
0xca: {  	[tilespmem:$0xA0B0] =	vst v1  }
0xcb: {  	v1 =	vld [tilespmem:s24+$0x50C0];
	_ =	sdelay $0x4  }
0xcc: {  	[tilespmem:$0xA0C0] =	vst v1  }
0xcd: {  	v1 =	vld [tilespmem:s24+$0x50D0];
	_ =	sdelay $0x4  }
0xce: {  	[tilespmem:$0xA0D0] =	vst v1  }
0xcf: {  	v1 =	vld [tilespmem:s24+$0x50E0];
	_ =	sdelay $0x4  }
0xd0: {  	[tilespmem:$0xA0E0] =	vst v1  }
0xd1: {  	v1 =	vld [tilespmem:s24+$0x50F0];
	_ =	sdelay $0x4  }
0xd2: {  	[tilespmem:$0xA0F0] =	vst v1  }
0xd3: {  	_ =	swait.ge [sflag:s30], $0x4000  }
0xd4: {  	[sflag:s30] =	ssyncset.done $0x0  }
0xd5: {  	[sflag:s30] =	ssyncadd.s32 $0xFFFFC000  }
0xd6: {  	[spmem:s3] =	stream.indirect.scatter.add.f32 [tilespmem:s22], [sflag:$0x3], $0x80, s31, s25, $0xb8;
	[tilespmem:$0x1C100] =	vst v63  }
0xd7: {  	_ =	swait.ge [sflag:s23], $0x4000  }
0xd8: {  	[sflag:s23] =	ssyncset.done $0x0  }
0xd9: {  	s8 =	simm.s32 $0x4F80;
	[sflag:s23] =	ssyncadd.s32 $0xFFFFC000  }
0xda: {  	[tilespmem:s22], [sflag:$0x2] =	stream.indirect.gather [hbm4b:s1+s25], $0x80, s8, s25, $0xb8;
	[tilespmem:$0x1C100] =	vst v63  }
0xdb: {  	v1 =	vld [tilespmem:$0x9F00]  }
0xdc: {  	v2 =	vld [tilespmem:$0x9F10]  }
0xdd: {  	v3 =	vld [tilespmem:$0x9F20]  }
0xde: {  	v4 =	vld [tilespmem:$0x9F30]  }
0xdf: {  	v5 =	vld [tilespmem:$0x9F40]  }
0xe0: {  	[tilespmem:$0xA000] =	vst v1;
	v1 =	vld [tilespmem:$0x9F50]  }
0xe1: {  	[tilespmem:$0xA010] =	vst v2;
	v2 =	vld [tilespmem:$0x9F60]  }
0xe2: {  	[tilespmem:$0xA020] =	vst v3;
	v3 =	vld [tilespmem:$0x9F70]  }
0xe3: {  	[tilespmem:$0xA030] =	vst v4  }
0xe4: {  	[tilespmem:$0xA040] =	vst v5  }
0xe5: {  	[tilespmem:$0xA050] =	vst v1  }
0xe6: {  	[tilespmem:$0xA060] =	vst v2  }
0xe7: {  	[tilespmem:$0xA070] =	vst v3  }
0xe8: {  	_ =	swait.ge [sflag:s28], $0x4000  }
0xe9: {  	[sflag:s28] =	ssyncset.done $0x0  }
0xea: {  	[sflag:s28] =	ssyncadd.s32 $0xFFFFC000  }
0xeb: {  	[spmem:s3] =	stream.indirect.scatter.add.f32 [tilespmem:s26], [sflag:$0x3], $0x80, s29, s25, $0xb8;
	[tilespmem:$0x1C100] =	vst v63  }
0xec: {  	_ =	swait.ge [sflag:s23], $0x4000  }
0xed: {  	[sflag:s23] =	ssyncset.done $0x0  }
0xee: {  	[sflag:s23] =	ssyncadd.s32 $0xFFFFC000  }
0xef: {  	v1 =	vld [tilespmem:$0x9F80]  }
0xf0: {  	v2 =	vld [tilespmem:$0x9F90]  }
0xf1: {  	v3 =	vld [tilespmem:$0x9FA0]  }
0xf2: {  	v62 =	vld [tilespmem:$0x9FB0]  }
0xf3: {  	v63 =	vld [tilespmem:$0x9FC0]  }
0xf4: {  	[tilespmem:$0xA080] =	vst v1;
	v1 =	vld [tilespmem:$0x9FD0]  }
0xf5: {  	[tilespmem:$0xA090] =	vst v2;
	v2 =	vld [tilespmem:$0x9FE0]  }
0xf6: {  	[tilespmem:$0xA0A0] =	vst v3;
	v3 =	vld [tilespmem:$0x9FF0]  }
0xf7: {  	[tilespmem:$0xA0B0] =	vst v62  }
0xf8: {  	[tilespmem:$0xA0C0] =	vst v63  }
0xf9: {  	[tilespmem:$0xA0D0] =	vst v1  }
0xfa: {  	[tilespmem:$0xA0E0] =	vst v2  }
0xfb: {  	[tilespmem:$0xA0F0] =	vst v3  }
0xfc: {  	_ =	swait.ge [sflag:s30], $0x4000  }
0xfd: {  	[sflag:s30] =	ssyncset.done $0x0  }
0xfe: {  	[sflag:s30] =	ssyncadd.s32 $0xFFFFC000  }
0xff: {  	[spmem:s3] =	stream.indirect.scatter.add.f32 [tilespmem:s22], [sflag:$0x3], $0x80, s31, s25, $0xb8;
	[tilespmem:$0x1C100] =	vst v63  }
0x100: {  	_ =	swait.ge [sflag:s23], $0x4000  }
0x101: {  	[sflag:s23] =	ssyncset.done $0x0  }
0x102: {  	[sflag:s23] =	ssyncadd.s32 $0xFFFFC000  }
0x103: {  	[bflag:$0x0] =	sbarrier.arrive $0xFFFF  }
0x104: {  	[tilespmem:s26], [sflag:$0x3] =	stream.linear.gather [spmem:s5], $0x2000, $0x38;
	[tilespmem:$0x1C100] =	vst v63  }
0x105: {  	_ =	swait.ge [sflag:s23], $0x2000  }
0x106: {  	[sflag:s23] =	ssyncset.done $0x0  }
0x107: {  	[sflag:s23] =	ssyncadd.s32 $0xFFFFE000  }
0x108: {  	[hbm4b:s13+s4] =	stream.linear.scatter [tilespmem:s26], [sflag:$0x3], $0x2000, $0x38;
	[tilespmem:$0x1C100] =	vst v63  }
0x109: {  	_ =	swait.ge [sflag:s23], $0x2000  }
0x10a: {  	[sflag:s23] =	ssyncset.done $0x0  }
0x10b: {  	[sflag:s23] =	ssyncadd.s32 $0xFFFFE000  }
0x10c: {  	[tilespmem:s26], [sflag:$0x3] =	stream.linear.gather [spmem:s14], $0x2000, $0x38;
	[tilespmem:$0x1C100] =	vst v63  }
0x10d: {  	_ =	swait.ge [sflag:s23], $0x2000  }
0x10e: {  	[sflag:s23] =	ssyncset.done $0x0  }
0x10f: {  	[sflag:s23] =	ssyncadd.s32 $0xFFFFE000  }
0x110: {  	[hbm4b:s15+s4] =	stream.linear.scatter [tilespmem:s26], [sflag:$0x3], $0x2000, $0x38;
	[tilespmem:$0x1C100] =	vst v63  }
0x111: {  	_ =	swait.ge [sflag:s23], $0x2000  }
0x112: {  	[sflag:s23] =	ssyncset.done $0x0  }
0x113: {  	[sflag:s23] =	ssyncadd.s32 $0xFFFFE000  }
0x114: {  	[tilespmem:s26], [sflag:$0x3] =	stream.linear.gather [spmem:s16], $0x2000, $0x38;
	[tilespmem:$0x1C100] =	vst v63  }
0x115: {  	_ =	swait.ge [sflag:s23], $0x2000  }
0x116: {  	[sflag:s23] =	ssyncset.done $0x0  }
0x117: {  	[sflag:s23] =	ssyncadd.s32 $0xFFFFE000  }
0x118: {  	[hbm4b:s17+s4] =	stream.linear.scatter [tilespmem:s26], [sflag:$0x3], $0x2000, $0x38;
	[tilespmem:$0x1C100] =	vst v63  }
0x119: {  	_ =	swait.ge [sflag:s23], $0x2000  }
0x11a: {  	[sflag:s23] =	ssyncset.done $0x0  }
0x11b: {  	[sflag:s23] =	ssyncadd.s32 $0xFFFFE000  }
0x11c: {  	[tilespmem:s26], [sflag:$0x3] =	stream.linear.gather [spmem:s18], $0x2000, $0x38;
	[tilespmem:$0x1C100] =	vst v63  }
0x11d: {  	_ =	swait.ge [sflag:s23], $0x2000  }
0x11e: {  	[sflag:s23] =	ssyncset.done $0x0  }
0x11f: {  	[sflag:s23] =	ssyncadd.s32 $0xFFFFE000  }
0x120: {  	[hbm4b:s19+s4] =	stream.linear.scatter [tilespmem:s26], [sflag:$0x3], $0x2000, $0x38;
	[tilespmem:$0x1C100] =	vst v63  }
0x121: {  	_ =	swait.ge [sflag:s23], $0x2000  }
0x122: {  	[sflag:s23] =	ssyncset.done $0x0  }
0x123: {  	[sflag:s23] =	ssyncadd.s32 $0xFFFFE000  }
0x124: {  	[tilespmem:s26], [sflag:$0x3] =	stream.linear.gather [spmem:s20], $0x2000, $0x38;
	[tilespmem:$0x1C100] =	vst v63  }
0x125: {  	_ =	swait.ge [sflag:s23], $0x2000  }
0x126: {  	[sflag:s23] =	ssyncset.done $0x0  }
0x127: {  	[sflag:s23] =	ssyncadd.s32 $0xFFFFE000  }
0x128: {  	[hbm4b:s21+s4] =	stream.linear.scatter [tilespmem:s26], [sflag:$0x3], $0x2000, $0x38;
	[tilespmem:$0x1C100] =	vst v63  }
0x129: {  	_ =	swait.ge [sflag:s23], $0x2000  }
0x12a: {  	s0 =	sadd.s32 $0x1, s0;
	s24 =	rddreg [dreg:$0x6]  }
0x12b: {  	p0 =	sne.s32 s0, s24  }
.Ltmp2:
0x12c: {  	_ = 	snop;
	(pc) =	sbr.rel @p0 .LBB2_1-.Ltmp2, $3  }
0x12d: {  	_ =	sdelay $0x1  }
0x12e: {  	[sflag:s23] =	ssyncset.done $0x0  }
0x12f: {  	[sflag:s23] =	ssyncadd.s32 $0xFFFFE000  }
0x130: {  	_ =	sfence.sel $0x180000  }
0x131: {  	[bflag:$0x0] =	sbarrier.arrive $0xFFFF  }
0x132: {  	_ =	strace $0x9000004A  }
0x133: {  	s0 =	stileid.u32;
	[bflag:$0x2] =	sbarrier.arrive $0xFFFF  }
0x134: {  	p0 =	sne.s32 s0, $0x0;
	s0 =	rddreg [dreg:$0x3]  }
0x135: {  	s0 =	sadd.s32 @!p0 $0x100000, s0  }
0x136: {  	[sflag:s0] =	ssyncadd.tile.s32 @!p0 $0x1;
	_ =	shalt  }
.Lfunc_end2:
_tile_overlayer_lowered:
.L_overlay_start_2:
0x137: {  	(tag) =	ssettag $0x2  }
0x138: {  	s0 =	rddreg [dreg:$0x0];
	s2 =	stileid.u32  }
0x139: {  	s1 =	rddreg [dreg:$0x1];
	p0 =	sne.s32 s2, $0x0  }
0x13a: {  	s3 =	rddreg [dreg:$0x2];
	[bflag:$0x3] =	sbarrier.arrive $0xFFFF;
	s2 =	simm.s32 @!p0 $0x1C03  }
0x13b: {  	[timem:s3], [sflag:s2] =	dma.local @!p0 [hbm:s0], s1  }
0x13c: {  	s0 =	simm.s32 @!p0 $0x3  }
0x13d: {  	_ =	swait.ge @!p0 [sflag:s0], s1  }
0x13e: {  	s1 =	ssub.s32 @!p0 $0x0, s1;
	[sflag:s0] =	ssyncset.done @!p0 $0x0  }
0x13f: {  	[sflag:s0] =	ssyncadd.s32 @!p0 s1  }
0x140: {  	[bflag:$0x3] =	sbarrier.arrive $0xFFFF  }
0x141: {  	_ =	shalt  }

// kernel: kernel.14.cloned.1.call-start
scs
__scs_entry_jumppad:
0x0: {  	(pc) =	sbr.rel $0x88, $3  }
0x1: {  	(tag) =	ssettag $0x0;
	lr =	simm.s32 $0x1  }
0x2: {  	[smem:$0x3F99] =	sst lr;
	_ =	strace $0xD0000000  }
0x3: {  	_ = 	snop  }
0x4: {  	_ = 	snop  }
0x5: {  	_ = 	snop  }
0x6: {  	_ = 	snop  }
0x7: {  	_ = 	snop  }
__scs_overlays_trampoline_lowered:
0x8: {  	[smem:$0x3FA8] =	sst s0  }
0x9: {  	[smem:$0x3FA9] =	sst s1  }
0xa: {  	[smem:$0x3FAA] =	sst s2  }
0xb: {  	[smem:$0x3FAB] =	sst s3  }
0xc: {  	[smem:$0x3FAC] =	sst s4  }
0xd: {  	[smem:$0x3FAD] =	sst s5  }
0xe: {  	[smem:$0x3FAE] =	sst s6  }
0xf: {  	[smem:$0x3FAF] =	sst s7  }
0x10: {  	[smem:$0x3FB0] =	sst s8  }
0x11: {  	[smem:$0x3FB1] =	sst s9;
	s0 =	simm.s32 @!p0 $0x0  }
0x12: {  	s1 =	sld [smem:$0x3F97];
	s0 =	simm.s32 @p0 $0x1  }
0x13: {  	[smem:$0x3FB2] =	sst s0;
	s0 =	simm.s32 @!p1 $0x0  }
0x14: {  	s2 =	sld [smem:$0x3F96];
	s0 =	simm.s32 @p1 $0x1  }
0x15: {  	[smem:$0x3FB3] =	sst s0;
	s0 =	simm.s32 @!p2 $0x0  }
0x16: {  	s3 =	sld [smem:$0x3FDB];
	s0 =	simm.s32 @p2 $0x1  }
0x17: {  	s4 =	simm.s32 $0x1BF5;
	[smem:$0x3FB5] =	sst s0  }
0x18: {  	s0 =	sld [smem:$0x3F98];
	_ =	swait.ge [sflag:s4], $0x0  }
0x19: {  	s7 =	sld [smem:$0x3F99]  }
0x1a: {  	s8 =	sadd.s32 $0xFFFFE003, lr  }
0x1b: {  	s9 =	sadd.s32 $0xFFFFFEF7, lr;
	s5 =	simm.s32 $0xFFFFFFFF;
	p2 =	slt.u32 s8, $0xFFFFF086  }
0x1c: {  	p1 =	slt.u32 s9, $0xF7A;
	s5 =	simm.s32 @!p2 $0x0  }
0x1d: {  	s5 =	simm.s32 @p1 $0x1;
	p0 =	seq.s32 s7, s2  }
0x1e: {  	s7 =	smul.u32 @!p0 $0xF7A, s2;
	p2 =	seq.s32 @!p0 s5, $0x0  }
0x1f: {  	s9 =	smul.u32 $0xF7A, s1;
	s8 =	simm.s32 @!p0 $0x1BF5;
	p2 =	por !p2, p0  }
0x20: {  	[sflag:s8] =	ssyncset.s32 @!p0 $0xFFFFF086;
	s6 =	sadd.s32 @!p0 s3, s7;
	s7 =	simm.s32 @!p0 $0x108  }
0x21: {  	s3 =	sadd.s32 s3, s9;
	s6 =	sadd.s32 @!p0 $0x88, s6;
	s7 =	simm.s32 @p2 $0x1082  }
0x22: {  	[simem:s7], [sflag:s8] =	dma.local @!p0 [hbm:s6], $0xF7A  }
0x23: {  	s9 =	sor.u32 $0xD0000000, s2;
	s6 =	simm.s32 $0x108;
	_ =	swait.ge @!p0 [sflag:s8], $0x0  }
0x24: {  	s3 =	sadd.s32 $0x88, s3;
	s6 =	simm.s32 @!p1 $0x1082;
	[sflag:s4] =	ssyncset.s32 $0xFFFFF086  }
0x25: {  	[simem:s6], [sflag:s4] =	dma.local [hbm:s3], $0xF7A  }
0x26: {  	[smem:$0x3F99] =	sst s1;
	(tag) =	ssettag s2;
	_ =	strace s9  }
0x27: {  	s1 =	sld [smem:$0x3FA9]  }
0x28: {  	s2 =	sld [smem:$0x3FAA]  }
0x29: {  	s4 =	sld [smem:$0x3FAC]  }
0x2a: {  	p0 =	seq.s32 s5, $0x0;
	s5 =	sld [smem:$0x3FAD]  }
0x2b: {  	s6 =	sld [smem:$0x3FAE]  }
0x2c: {  	s7 =	sld [smem:$0x3FAF]  }
0x2d: {  	s3 =	simm.s32 $0x108;
	s8 =	sld [smem:$0x3FB0]  }
0x2e: {  	s3 =	simm.s32 @!p0 $0x1082;
	s9 =	sld [smem:$0x3FB1]  }
0x2f: {  	lr =	sadd.s32 s0, s3;
	s0 =	sld [smem:$0x3FA8]  }
0x30: {  	s3 =	sld [smem:$0x3FAB]  }
0x31: {  	[smem:$0x3FB4] =	sst s10  }
0x32: {  	s10 =	sld [smem:$0x3FB2];
	_ =	sdelay $0x3  }
0x33: {  	p0 =	seq.s32 s10, $0x1;
	s10 =	sld [smem:$0x3FB4];
	_ =	sdelay $0x3  }
0x34: {  	[smem:$0x3FB4] =	sst s10  }
0x35: {  	s10 =	sld [smem:$0x3FB3];
	_ =	sdelay $0x3  }
0x36: {  	p1 =	seq.s32 s10, $0x1;
	s10 =	sld [smem:$0x3FB4];
	_ =	sdelay $0x3  }
0x37: {  	[smem:$0x3FB4] =	sst s10  }
0x38: {  	s10 =	sld [smem:$0x3FB5]  }
0x39: {  	_ = 	snop;
	(pc) =	sbr.ind lr, $3  }
0x3a: {  	_ = 	snop  }
0x3b: {  	_ = 	snop  }
0x3c: {  	p2 =	seq.s32 s10, $0x1;
	s10 =	sld [smem:$0x3FB4]  }
0x3d: {  	_ =	shalt  }
0x3e: {  	_ =	shalt  }
0x3f: {  	_ =	shalt  }
0x40: {  	_ =	shalt  }
0x41: {  	_ =	shalt  }
0x42: {  	_ =	shalt  }
0x43: {  	_ =	shalt  }
0x44: {  	_ =	shalt  }
0x45: {  	_ =	shalt  }
0x46: {  	_ =	shalt  }
0x47: {  	_ =	shalt  }
0x48: {  	_ =	shalt  }
0x49: {  	_ =	shalt  }
0x4a: {  	_ =	shalt  }
0x4b: {  	_ =	shalt  }
0x4c: {  	_ =	shalt  }
0x4d: {  	_ =	shalt  }
0x4e: {  	_ =	shalt  }
0x4f: {  	_ =	shalt  }
0x50: {  	_ =	shalt  }
0x51: {  	_ =	shalt  }
0x52: {  	_ =	shalt  }
0x53: {  	_ =	shalt  }
0x54: {  	_ =	shalt  }
0x55: {  	_ =	shalt  }
0x56: {  	_ =	shalt  }
0x57: {  	_ =	shalt  }
0x58: {  	_ =	shalt  }
0x59: {  	_ =	shalt  }
0x5a: {  	_ =	shalt  }
0x5b: {  	_ =	shalt  }
0x5c: {  	_ =	shalt  }
0x5d: {  	_ =	shalt  }
0x5e: {  	_ =	shalt  }
0x5f: {  	_ =	shalt  }
0x60: {  	_ =	shalt  }
0x61: {  	_ =	shalt  }
0x62: {  	_ =	shalt  }
0x63: {  	_ =	shalt  }
0x64: {  	_ =	shalt  }
0x65: {  	_ =	shalt  }
0x66: {  	_ =	shalt  }
0x67: {  	_ =	shalt  }
0x68: {  	_ =	shalt  }
0x69: {  	_ =	shalt  }
0x6a: {  	_ =	shalt  }
0x6b: {  	_ =	shalt  }
0x6c: {  	_ =	shalt  }
0x6d: {  	_ =	shalt  }
0x6e: {  	_ =	shalt  }
0x6f: {  	_ =	shalt  }
0x70: {  	_ =	shalt  }
0x71: {  	_ =	shalt  }
0x72: {  	_ =	shalt  }
0x73: {  	_ =	shalt  }
0x74: {  	_ =	shalt  }
0x75: {  	_ =	shalt  }
0x76: {  	_ =	shalt  }
0x77: {  	_ =	shalt  }
0x78: {  	_ =	shalt  }
0x79: {  	_ =	shalt  }
0x7a: {  	_ =	shalt  }
0x7b: {  	_ =	shalt  }
0x7c: {  	_ =	shalt  }
0x7d: {  	_ =	shalt  }
0x7e: {  	_ =	shalt  }
0x7f: {  	_ =	shalt  }
0x80: {  	_ =	shalt  }
0x81: {  	_ =	shalt  }
0x82: {  	_ =	shalt  }
0x83: {  	_ =	shalt  }
0x84: {  	_ =	shalt  }
0x85: {  	_ =	shalt  }
0x86: {  	_ =	shalt  }
0x87: {  	_ =	shalt  }
.Lfunc_end0:
.L_simem_size_0:
called_computation.2_lowered:
.L_overlay_start_0:
0x88: {  	s2 =	sld [smem:$0x3FD9]  }
0x89: {  	s3 =	sld [smem:$0x3FFE];
	_ =	sdelay $0x1  }
0x8a: {  	s1 =	srdreg.scid  }
0x8b: {  	s0 =	sand.u32 $0x1, s1  }
0x8c: {  	s17 =	sshll.u32 s0, $0xA;
	s2 =	sadd.s32 s3, s2  }
0x8d: {  	s2 =	sadd.s32 s2, s17  }
0x8e: {  	[smem:$0x3FC0] =	sst s2  }
0x8f: {  	_ = 	snop  }
0x90: {  	s2 =	sld [smem:$0x3FD0];
	(tm) =	ssettm $0x1  }
0x91: {  	s18 =	sld [smem:$0x3FFB];
	_ =	sdelay $0x3  }
0x92: {  	_ =	strace s18  }
0x93: {  	s3 =	sld [smem:$0x3FFC];
	_ =	sdelay $0x3  }
0x94: {  	_ =	strace s3  }
0x95: {  	s3 =	sld [smem:$0x3FFD];
	_ =	sdelay $0x3  }
0x96: {  	_ =	strace s3  }
0x97: {  	_ =	strace $0x8FFFFFFF  }
0x98: {  	s19 =	sld [smem:$0x3FDB];
	_ =	sdelay $0x1  }
0x99: {  	s4 =	simm.s32 $_scs_section_size  }
0x9a: {  	s5 =	simm.s32 $_size__tile_overlayer_lowered;
	s6 =	simm.s32 $_tile_overlayer_lowered  }
0x9b: {  	s22 =	simm.s32 $0x1BFF;
	s21 =	sshll.u32 s6, $0x1;
	s3 =	sadd.s32 s4, s19  }
0x9c: {  	s7 =	simm.s32 $0x0;
	s20 =	sshll.u32 s5, $0x1;
	s5 =	sadd.s32 s21, s3  }
0x9d: {  	[timem:s7], [sflag:s22] =	dma.local [hbm:s5], s20  }
0x9e: {  	_ =	swait.ge [sflag:s22], s20  }
0x9f: {  	s4 =	ssub.s32 $0x0, s20;
	[sflag:s22] =	ssyncset.done $0x0  }
0xa0: {  	[sflag:s22] =	ssyncadd.s32 s4;
	_ =	sdelay $0x1  }
0xa1: {  	s23 =	simm.s32 $0x1B8B  }
0xa2: {  	_ =	swait.ge [sflag:s23], $0x1  }
0xa3: {  	[sflag:s23] =	ssyncset.done $0x0  }
0xa4: {  	s25 =	simm.s32 $0x1B8E;
	s24 =	sld [smem:$0x3FFE];
	[sflag:s23] =	ssyncadd.s32 $0xFFFFFFFF  }
0xa5: {  	s26 =	simm.s32 $execute0_lowered;
	[smem:$0x3FD2] =	sst s25  }
0xa6: {  	s5 =	sshll.u32 s26, $0x1;
	_ =	strace $0x8000004C;
	[dreg:$0x1] =	wrdreg $0xFFFFFFFF  }
0xa7: {  	s28 =	simm.s32 $_size_execute0_lowered;
	s3 =	sadd.s32 s3, s5;
	[dreg:$0x0] =	wrdreg $0x0  }
0xa8: {  	s5 =	sshll.u32 s28, $0x1;
	[dreg:$0x2] =	wrdreg s3  }
0xa9: {  	[dreg:$0x3] =	wrdreg s5  }
0xaa: {  	[dreg:$0x4] =	wrdreg $0xC0  }
0xab: {  	_ =	task [dreg:s7], $0x5FFFF  }
0xac: {  	[dreg:$0x1] =	wrdreg $0xFFFFFFFF  }
0xad: {  	[dreg:$0x0] =	wrdreg $0x60  }
0xae: {  	[dreg:$0x2] =	wrdreg s2  }
0xaf: {  	[dreg:$0x3] =	wrdreg s24  }
0xb0: {  	[dreg:$0x4] =	wrdreg $0x121000  }
0xb1: {  	[dreg:$0x5] =	wrdreg $0x9  }
0xb2: {  	_ =	task.clear_ibuf [dreg:s7], $0x6FFFF;
	_ =	strace $0x9000004C  }
0xb3: {  	s29 =	simm.s32 $0x9;
	_ =	strace $0x8000004E  }
0xb4: {  	_ =	swait.ge [sflag:s29], $0x1  }
0xb5: {  	[sflag:s29] =	ssyncadd.s32 $0xFFFFFFFF  }
0xb6: {  	_ =	strace $0x9000004E  }
0xb7: {  	_ =	sfence  }
0xb8: {  	s30 =	sld [smem:$0x0];
	_ =	sdelay $0x2  }
0xb9: {  	s31 =	sshll.u32 s1, $0xD;
	s1 =	sshrl.u32 s1, $0x2  }
0xba: {  	s3 =	sand.u32 $0x4000, s31;
	s1 =	sadd.s32 s1, s30  }
0xbb: {  	s0 =	sor.u32 s3, s0;
	s1 =	sshll.u32 s1, $0x11  }
0xbc: {  	s0 =	sor.u32 s1, s0  }
0xbd: {  	s0 =	sadd.s32 $0x8F2B, s0  }
0xbe: {  	[sflag:s0] =	ssyncadd.remote.s32 $0x1  }
0xbf: {  	_ =	sfence.sel $0xFFFF  }
0xc0: {  	[dreg:$0x0] =	wrdreg $0xFFFFFFFF;
	(pc) =	sbr.abs _section_cstart, $3  }
0xc1: {  	[dreg:$0x1] =	wrdreg $0xFFFFFFFF  }
0xc2: {  	_ =	task.clear_ibuf [dreg:s7], $0x2FFFF;
	_ =	strace $0x9FFFFFFF  }
0xc3: {  	(tm) =	ssettm $0x7FFFFFFF  }
tec
execute0_lowered:
.L_overlay_start_1:
0x0: {  	(tag) =	ssettag $0x1  }
0x1: {  	s1 =	rddreg [dreg:$0x0]  }
0x2: {  	s0 =	rddreg [dreg:$0x1]  }
0x3: {  	s10 =	stileid.u32;
	s2 =	srdreg.scid  }
0x4: {  	s3 =	rddreg [dreg:$0x2];
	s4 =	simm.s32 $0x0;
	s5 =	smul.u32 $0x5000, s10  }
0x5: {  	s28 =	simm.s32 $0x1;
	s29 =	simm.s32 $0xA000;
	s7 =	smul.u32 $0x28000, s10  }
0x6: {  	s30 =	simm.s32 $0x2;
	s2 =	sand.u32 $0x1, s2;
	s21 =	smul.u32 $0xA000, s10  }
0x7: {  	s31 =	simm.s32 $0xA080;
	[smem:$0x7FF] =	sst s4;
	s6 =	smul.u32 $0x50000, s2  }
0x8: {  	_ =	strace $0x8000004D;
	s19 =	ssub.s32 $0x2, s2;
	s2 =	smul.u32 $0xA0000, s2  }
0x9: {  	s9 =	sshrl.u32 s19, $0x1;
	s7 =	sshrl.u32 s7, $0x2;
	s14 =	sadd.s32 $0x2000, s21  }
0xa: {  	s16 =	sadd.s32 $0x4000, s21;
	s18 =	sadd.s32 $0x6000, s21;
	s6 =	sadd.s32 s5, s6  }
0xb: {  	s5 =	sshrl.u32 s5, $0x3;
	s9 =	ssub.s32 s19, s9;
	s23 =	sadd.s32 s2, s21  }
0xc: {  	s15 =	sadd.s32 s2, s14;
	s14 =	sadd.s32 s14, s3;
	s25 =	sadd.s32 s2, s16  }
0xd: {  	s16 =	sadd.s32 s16, s3;
	s26 =	sadd.s32 s2, s18;
	s18 =	sadd.s32 s18, s3  }
0xe: {  	s6 =	sshrl.u32 s6, $0x3;
	s8 =	sadd.s32 s5, s0;
	s5 =	sadd.s32 s7, s3  }
0xf: {  	s22 =	smax.u32 s9, $0x1;
	s7 =	sshrl.u32 s23, $0x3;
	s24 =	sshrl.u32 s15, $0x3  }
0x10: {  	s23 =	simm.s32 $0x3;
	s6 =	sadd.s32 s6, s0;
	s0 =	sadd.s32 $0x16E00, s0  }
0x11: {  	s20 =	sadd.s32 $0x3EE00, s8;
	[dreg:$0x6] =	wrdreg s22;
	s9 =	sadd.s32 $0x2000, s5  }
0x12: {  	s10 =	sadd.s32 $0x4000, s5;
	s11 =	sadd.s32 $0x6000, s5;
	s12 =	sadd.s32 $0x8000, s5  }
0x13: {  	s22 =	simm.s32 $0xE100;
	[dreg:$0x4] =	wrdreg s20;
	s6 =	sadd.s32 $0x2E00, s6  }
0x14: {  	s13 =	sadd.s32 s0, s7;
	s15 =	sadd.s32 s0, s24;
	s7 =	sshrl.u32 s25, $0x3  }
0x15: {  	s25 =	simm.s32 $0x80;
	[dreg:$0x5] =	wrdreg s6;
	s6 =	sadd.s32 $0x8000, s21  }
0x16: {  	s17 =	sadd.s32 s0, s7;
	s7 =	sshrl.u32 s26, $0x3;
	s2 =	sadd.s32 s2, s6  }
0x17: {  	s26 =	simm.s32 $0xA100;
	s19 =	sadd.s32 s0, s7;
	s2 =	sshrl.u32 s2, $0x3  }
0x18: {  	v0 =	vimm.f32 $0.0e+00;
	s20 =	sadd.s32 s6, s3;
	s21 =	sadd.s32 s0, s2;
	s0 =	simm.s32 $0x0  }
.LBB2_1:
0x19: {  	s2 =	simm.s32 $0x0;
	s6 =	simm.s32 $0x200  }
.LBB2_2:
0x1a: {  	p0 =	sne.s32 s6, $0x7E00;
	[tilespmem:s2+$0xE170] =	vst v0  }
0x1b: {  	[tilespmem:s2+$0xE100] =	vst v0  }
0x1c: {  	[tilespmem:s2+$0xE110] =	vst v0  }
.Ltmp0:
0x1d: {  	[tilespmem:s2+$0xE120] =	vst v0;
	(pc) =	sbr.rel @p0 .LBB2_2-.Ltmp0, $4  }
0x1e: {  	[tilespmem:s2+$0xE130] =	vst v0  }
0x1f: {  	[tilespmem:s2+$0xE140] =	vst v0  }
0x20: {  	[tilespmem:s2+$0xE150] =	vst v0  }
0x21: {  	[tilespmem:s2+$0xE160] =	vst v0;
	s2 =	sshra.s32 s6, $0x2;
	s6 =	sadd.s32 $0x200, s6  }
0x22: {  	[tilespmem:s2+$0xE170] =	vst v0  }
0x23: {  	[tilespmem:s2+$0xE100] =	vst v0  }
0x24: {  	[tilespmem:s2+$0xE110] =	vst v0  }
0x25: {  	[tilespmem:s2+$0xE120] =	vst v0  }
0x26: {  	[tilespmem:s2+$0xE130] =	vst v0  }
0x27: {  	[tilespmem:s2+$0xE140] =	vst v0  }
0x28: {  	[tilespmem:s2+$0xE150] =	vst v0  }
0x29: {  	[tilespmem:s2+$0xE160] =	vst v0  }
0x2a: {  	[spmem:s5] =	stream.linear.scatter [tilespmem:s22], [sflag:$0x3], $0x2000, $0x38;
	[tilespmem:$0x1C100] =	vst v63  }
0x2b: {  	_ =	swait.ge [sflag:s23], $0x2000  }
0x2c: {  	[sflag:s23] =	ssyncset.done $0x0  }
0x2d: {  	[sflag:s23] =	ssyncadd.s32 $0xFFFFE000  }
0x2e: {  	[spmem:s9] =	stream.linear.scatter [tilespmem:s22], [sflag:$0x3], $0x2000, $0x38;
	[tilespmem:$0x1C100] =	vst v63  }
0x2f: {  	_ =	swait.ge [sflag:s23], $0x2000  }
0x30: {  	[sflag:s23] =	ssyncset.done $0x0  }
0x31: {  	[sflag:s23] =	ssyncadd.s32 $0xFFFFE000  }
0x32: {  	[spmem:s10] =	stream.linear.scatter [tilespmem:s22], [sflag:$0x3], $0x2000, $0x38;
	[tilespmem:$0x1C100] =	vst v63  }
0x33: {  	_ =	swait.ge [sflag:s23], $0x2000  }
0x34: {  	[sflag:s23] =	ssyncset.done $0x0  }
0x35: {  	[sflag:s23] =	ssyncadd.s32 $0xFFFFE000  }
0x36: {  	[spmem:s11] =	stream.linear.scatter [tilespmem:s22], [sflag:$0x3], $0x2000, $0x38;
	[tilespmem:$0x1C100] =	vst v63  }
0x37: {  	_ =	swait.ge [sflag:s23], $0x2000  }
0x38: {  	[sflag:s23] =	ssyncset.done $0x0  }
0x39: {  	[sflag:s23] =	ssyncadd.s32 $0xFFFFE000  }
0x3a: {  	[spmem:s12] =	stream.linear.scatter [tilespmem:s22], [sflag:$0x3], $0x2000, $0x38;
	[tilespmem:$0x1C100] =	vst v63  }
0x3b: {  	_ =	swait.ge [sflag:s23], $0x2000  }
0x3c: {  	[sflag:s23] =	ssyncset.done $0x0  }
0x3d: {  	s8 =	simm.s32 $0x0;
	s6 =	rddreg [dreg:$0x4];
	[sflag:s23] =	ssyncadd.s32 $0xFFFFE000  }
0x3e: {  	[tilespmem:s8], [sflag:$0x3] =	stream.linear.gather [hbm4b:s6+s8], $0x5000, $0x38;
	[tilespmem:$0x1C100] =	vst v63  }
0x3f: {  	_ =	swait.ge [sflag:s23], $0x5000  }
0x40: {  	[sflag:s23] =	ssyncset.done $0x0  }
0x41: {  	s7 =	simm.s32 $0x5000;
	s24 =	rddreg [dreg:$0x5];
	[sflag:s23] =	ssyncadd.s32 $0xFFFFB000  }
0x42: {  	[tilespmem:s7], [sflag:$0x3] =	stream.linear.gather [hbm4b:s24+s8], $0x5000, $0x38;
	[tilespmem:$0x1C100] =	vst v63  }
0x43: {  	_ =	swait.ge [sflag:s23], $0x5000  }
0x44: {  	[sflag:s23] =	ssyncset.done $0x0  }
0x45: {  	[sflag:s23] =	ssyncadd.s32 $0xFFFFB000  }
0x46: {  	[bflag:$0x0] =	sbarrier.arrive $0xFFFF  }
0x47: {  	[tilespmem:s26], [sflag:$0x1] =	stream.indirect.gather [hbm4b:s1+s25], $0x80, s8, s25, $0xb8;
	[tilespmem:$0x1C100] =	vst v63  }
0x48: {  	s7 =	simm.s32 $0x0;
	s8 =	simm.s32 $0x80  }
0x49: {  	[tilespmem:s22], [sflag:$0x2] =	stream.indirect.gather [hbm4b:s1+s25], $0x80, s8, s25, $0xb8;
	[tilespmem:$0x1C100] =	vst v63  }
0x4a: {  	v1 =	vld [tilespmem:s7+$0x5000];
	_ =	sdelay $0x4  }
0x4b: {  	[tilespmem:$0xA000] =	vst v1  }
0x4c: {  	v1 =	vld [tilespmem:s7+$0x5010];
	_ =	sdelay $0x4  }
0x4d: {  	[tilespmem:$0xA010] =	vst v1  }
0x4e: {  	v1 =	vld [tilespmem:s7+$0x5020];
	_ =	sdelay $0x4  }
0x4f: {  	[tilespmem:$0xA020] =	vst v1  }
0x50: {  	v1 =	vld [tilespmem:s7+$0x5030];
	_ =	sdelay $0x4  }
0x51: {  	[tilespmem:$0xA030] =	vst v1  }
0x52: {  	v1 =	vld [tilespmem:s7+$0x5040];
	_ =	sdelay $0x4  }
0x53: {  	[tilespmem:$0xA040] =	vst v1  }
0x54: {  	v1 =	vld [tilespmem:s7+$0x5050];
	_ =	sdelay $0x4  }
0x55: {  	[tilespmem:$0xA050] =	vst v1  }
0x56: {  	v1 =	vld [tilespmem:s7+$0x5060];
	_ =	sdelay $0x4  }
0x57: {  	[tilespmem:$0xA060] =	vst v1  }
0x58: {  	v1 =	vld [tilespmem:s7+$0x5070];
	_ =	sdelay $0x4  }
0x59: {  	[tilespmem:$0xA070] =	vst v1  }
0x5a: {  	_ =	swait.ge [sflag:s28], $0x4000  }
0x5b: {  	[sflag:s28] =	ssyncset.done $0x0  }
0x5c: {  	[sflag:s28] =	ssyncadd.s32 $0xFFFFC000  }
0x5d: {  	[spmem:s3] =	stream.indirect.scatter.add.f32 [tilespmem:s26], [sflag:$0x3], $0x80, s29, s25, $0xb8;
	[tilespmem:$0x1C100] =	vst v63  }
0x5e: {  	_ =	swait.ge [sflag:s23], $0x4000  }
0x5f: {  	[sflag:s23] =	ssyncset.done $0x0  }
0x60: {  	s24 =	simm.s32 $0x100;
	[sflag:s23] =	ssyncadd.s32 $0xFFFFC000  }
0x61: {  	[tilespmem:s26], [sflag:$0x1] =	stream.indirect.gather [hbm4b:s1+s25], $0x80, s24, s25, $0xb8;
	[tilespmem:$0x1C100] =	vst v63  }
0x62: {  	v1 =	vld [tilespmem:s7+$0x5080];
	_ =	sdelay $0x4  }
0x63: {  	[tilespmem:$0xA080] =	vst v1  }
0x64: {  	v1 =	vld [tilespmem:s7+$0x5090];
	_ =	sdelay $0x4  }
0x65: {  	[tilespmem:$0xA090] =	vst v1  }
0x66: {  	v1 =	vld [tilespmem:s7+$0x50A0];
	_ =	sdelay $0x4  }
0x67: {  	[tilespmem:$0xA0A0] =	vst v1  }
0x68: {  	v1 =	vld [tilespmem:s7+$0x50B0];
	_ =	sdelay $0x4  }
0x69: {  	[tilespmem:$0xA0B0] =	vst v1  }
0x6a: {  	v1 =	vld [tilespmem:s7+$0x50C0];
	_ =	sdelay $0x4  }
0x6b: {  	[tilespmem:$0xA0C0] =	vst v1  }
0x6c: {  	v1 =	vld [tilespmem:s7+$0x50D0];
	_ =	sdelay $0x4  }
0x6d: {  	[tilespmem:$0xA0D0] =	vst v1  }
0x6e: {  	v1 =	vld [tilespmem:s7+$0x50E0];
	_ =	sdelay $0x4  }
0x6f: {  	[tilespmem:$0xA0E0] =	vst v1  }
0x70: {  	v1 =	vld [tilespmem:s7+$0x50F0];
	_ =	sdelay $0x4  }
0x71: {  	[tilespmem:$0xA0F0] =	vst v1  }
0x72: {  	_ =	swait.ge [sflag:s30], $0x4000  }
0x73: {  	[sflag:s30] =	ssyncset.done $0x0  }
0x74: {  	[sflag:s30] =	ssyncadd.s32 $0xFFFFC000  }
0x75: {  	[spmem:s3] =	stream.indirect.scatter.add.f32 [tilespmem:s22], [sflag:$0x3], $0x80, s31, s25, $0xb8;
	[tilespmem:$0x1C100] =	vst v63  }
0x76: {  	_ =	swait.ge [sflag:s23], $0x4000  }
0x77: {  	s2 =	simm.s32 $0x800;
	s24 =	simm.s32 $0x100;
	[sflag:s23] =	ssyncset.done $0x0  }
.LBB2_4:
0x78: {  	s8 =	sadd.s32 $0x80, s24  }
0x79: {  	[sflag:s23] =	ssyncadd.s32 $0xFFFFC000;
	s6 =	smov.u32 s2;
	s7 =	sadd.s32 $0x400, s2  }
0x7a: {  	[tilespmem:s22], [sflag:$0x2] =	stream.indirect.gather [hbm4b:s1+s25], $0x80, s8, s25, $0xb8;
	[tilespmem:$0x1C100] =	vst v63  }
0x7b: {  	p0 =	sne.s32 s2, $0x13800;
	v1 =	vld [tilespmem:s24+$0x5000];
	_ =	sdelay $0x4  }
0x7c: {  	[tilespmem:$0xA000] =	vst v1  }
0x7d: {  	v1 =	vld [tilespmem:s24+$0x5010];
	_ =	sdelay $0x4  }
0x7e: {  	[tilespmem:$0xA010] =	vst v1  }
0x7f: {  	v1 =	vld [tilespmem:s24+$0x5020];
	_ =	sdelay $0x4  }
0x80: {  	[tilespmem:$0xA020] =	vst v1  }
0x81: {  	v1 =	vld [tilespmem:s24+$0x5030];
	_ =	sdelay $0x4  }
0x82: {  	[tilespmem:$0xA030] =	vst v1  }
0x83: {  	v1 =	vld [tilespmem:s24+$0x5040];
	_ =	sdelay $0x4  }
0x84: {  	[tilespmem:$0xA040] =	vst v1  }
0x85: {  	v1 =	vld [tilespmem:s24+$0x5050];
	_ =	sdelay $0x4  }
0x86: {  	[tilespmem:$0xA050] =	vst v1  }
0x87: {  	v1 =	vld [tilespmem:s24+$0x5060];
	_ =	sdelay $0x4  }
0x88: {  	[tilespmem:$0xA060] =	vst v1  }
0x89: {  	v1 =	vld [tilespmem:s24+$0x5070];
	_ =	sdelay $0x4  }
0x8a: {  	[tilespmem:$0xA070] =	vst v1  }
0x8b: {  	_ =	swait.ge [sflag:s28], $0x4000  }
0x8c: {  	[sflag:s28] =	ssyncset.done $0x0  }
0x8d: {  	[sflag:s28] =	ssyncadd.s32 $0xFFFFC000  }
0x8e: {  	[spmem:s3] =	stream.indirect.scatter.add.f32 [tilespmem:s26], [sflag:$0x3], $0x80, s29, s25, $0xb8;
	[tilespmem:$0x1C100] =	vst v63  }
0x8f: {  	_ =	swait.ge [sflag:s23], $0x4000  }
0x90: {  	[sflag:s23] =	ssyncset.done $0x0  }
0x91: {  	s2 =	sadd.s32 $0x100, s24;
	[sflag:s23] =	ssyncadd.s32 $0xFFFFC000  }
0x92: {  	[tilespmem:s26], [sflag:$0x1] =	stream.indirect.gather [hbm4b:s1+s25], $0x80, s2, s25, $0xb8;
	[tilespmem:$0x1C100] =	vst v63  }
0x93: {  	v1 =	vld [tilespmem:s24+$0x5080];
	_ =	sdelay $0x4  }
0x94: {  	[tilespmem:$0xA080] =	vst v1  }
0x95: {  	v1 =	vld [tilespmem:s24+$0x5090];
	_ =	sdelay $0x4  }
0x96: {  	[tilespmem:$0xA090] =	vst v1  }
0x97: {  	v1 =	vld [tilespmem:s24+$0x50A0];
	_ =	sdelay $0x4  }
0x98: {  	[tilespmem:$0xA0A0] =	vst v1  }
0x99: {  	v1 =	vld [tilespmem:s24+$0x50B0];
	_ =	sdelay $0x4  }
0x9a: {  	[tilespmem:$0xA0B0] =	vst v1  }
0x9b: {  	v1 =	vld [tilespmem:s24+$0x50C0];
	_ =	sdelay $0x4  }
0x9c: {  	[tilespmem:$0xA0C0] =	vst v1  }
0x9d: {  	v1 =	vld [tilespmem:s24+$0x50D0];
	_ =	sdelay $0x4  }
0x9e: {  	[tilespmem:$0xA0D0] =	vst v1  }
0x9f: {  	v1 =	vld [tilespmem:s24+$0x50E0];
	_ =	sdelay $0x4  }
0xa0: {  	[tilespmem:$0xA0E0] =	vst v1  }
0xa1: {  	v1 =	vld [tilespmem:s24+$0x50F0];
	_ =	sdelay $0x4  }
0xa2: {  	[tilespmem:$0xA0F0] =	vst v1  }
0xa3: {  	_ =	swait.ge [sflag:s30], $0x4000  }
.Ltmp1:
0xa4: {  	[sflag:s30] =	ssyncset.done $0x0;
	(pc) =	sbr.rel @p0 .LBB2_4-.Ltmp1, $4  }
0xa5: {  	[sflag:s30] =	ssyncadd.s32 $0xFFFFC000  }
0xa6: {  	[spmem:s3] =	stream.indirect.scatter.add.f32 [tilespmem:s22], [sflag:$0x3], $0x80, s31, s25, $0xb8;
	[tilespmem:$0x1C100] =	vst v63  }
0xa7: {  	_ =	swait.ge [sflag:s23], $0x4000  }
0xa8: {  	s2 =	smov.u32 s7;
	s24 =	sshra.s32 s6, $0x2;
	[sflag:s23] =	ssyncset.done $0x0  }
0xa9: {  	s2 =	sadd.s32 $0x80, s24;
	[sflag:s23] =	ssyncadd.s32 $0xFFFFC000  }
0xaa: {  	[tilespmem:s22], [sflag:$0x2] =	stream.indirect.gather [hbm4b:s1+s25], $0x80, s2, s25, $0xb8;
	[tilespmem:$0x1C100] =	vst v63  }
0xab: {  	v1 =	vld [tilespmem:s24+$0x5000];
	_ =	sdelay $0x4  }
0xac: {  	[tilespmem:$0xA000] =	vst v1  }
0xad: {  	v1 =	vld [tilespmem:s24+$0x5010];
	_ =	sdelay $0x4  }
0xae: {  	[tilespmem:$0xA010] =	vst v1  }
0xaf: {  	v1 =	vld [tilespmem:s24+$0x5020];
	_ =	sdelay $0x4  }
0xb0: {  	[tilespmem:$0xA020] =	vst v1  }
0xb1: {  	v1 =	vld [tilespmem:s24+$0x5030];
	_ =	sdelay $0x4  }
0xb2: {  	[tilespmem:$0xA030] =	vst v1  }
0xb3: {  	v1 =	vld [tilespmem:s24+$0x5040];
	_ =	sdelay $0x4  }
0xb4: {  	[tilespmem:$0xA040] =	vst v1  }
0xb5: {  	v1 =	vld [tilespmem:s24+$0x5050];
	_ =	sdelay $0x4  }
0xb6: {  	[tilespmem:$0xA050] =	vst v1  }
0xb7: {  	v1 =	vld [tilespmem:s24+$0x5060];
	_ =	sdelay $0x4  }
0xb8: {  	[tilespmem:$0xA060] =	vst v1  }
0xb9: {  	v1 =	vld [tilespmem:s24+$0x5070];
	_ =	sdelay $0x4  }
0xba: {  	[tilespmem:$0xA070] =	vst v1  }
0xbb: {  	_ =	swait.ge [sflag:s28], $0x4000  }
0xbc: {  	[sflag:s28] =	ssyncset.done $0x0  }
0xbd: {  	[sflag:s28] =	ssyncadd.s32 $0xFFFFC000  }
0xbe: {  	[spmem:s3] =	stream.indirect.scatter.add.f32 [tilespmem:s26], [sflag:$0x3], $0x80, s29, s25, $0xb8;
	[tilespmem:$0x1C100] =	vst v63  }
0xbf: {  	_ =	swait.ge [sflag:s23], $0x4000  }
0xc0: {  	[sflag:s23] =	ssyncset.done $0x0  }
0xc1: {  	s7 =	sadd.s32 $0x100, s24;
	[sflag:s23] =	ssyncadd.s32 $0xFFFFC000  }
0xc2: {  	[tilespmem:s26], [sflag:$0x1] =	stream.indirect.gather [hbm4b:s1+s25], $0x80, s7, s25, $0xb8;
	[tilespmem:$0x1C100] =	vst v63  }
0xc3: {  	v1 =	vld [tilespmem:s24+$0x5080];
	_ =	sdelay $0x4  }
0xc4: {  	[tilespmem:$0xA080] =	vst v1  }
0xc5: {  	v1 =	vld [tilespmem:s24+$0x5090];
	_ =	sdelay $0x4  }
0xc6: {  	[tilespmem:$0xA090] =	vst v1  }
0xc7: {  	v1 =	vld [tilespmem:s24+$0x50A0];
	_ =	sdelay $0x4  }
0xc8: {  	[tilespmem:$0xA0A0] =	vst v1  }
0xc9: {  	v1 =	vld [tilespmem:s24+$0x50B0];
	_ =	sdelay $0x4  }
0xca: {  	[tilespmem:$0xA0B0] =	vst v1  }
0xcb: {  	v1 =	vld [tilespmem:s24+$0x50C0];
	_ =	sdelay $0x4  }
0xcc: {  	[tilespmem:$0xA0C0] =	vst v1  }
0xcd: {  	v1 =	vld [tilespmem:s24+$0x50D0];
	_ =	sdelay $0x4  }
0xce: {  	[tilespmem:$0xA0D0] =	vst v1  }
0xcf: {  	v1 =	vld [tilespmem:s24+$0x50E0];
	_ =	sdelay $0x4  }
0xd0: {  	[tilespmem:$0xA0E0] =	vst v1  }
0xd1: {  	v1 =	vld [tilespmem:s24+$0x50F0];
	_ =	sdelay $0x4  }
0xd2: {  	[tilespmem:$0xA0F0] =	vst v1  }
0xd3: {  	_ =	swait.ge [sflag:s30], $0x4000  }
0xd4: {  	[sflag:s30] =	ssyncset.done $0x0  }
0xd5: {  	[sflag:s30] =	ssyncadd.s32 $0xFFFFC000  }
0xd6: {  	[spmem:s3] =	stream.indirect.scatter.add.f32 [tilespmem:s22], [sflag:$0x3], $0x80, s31, s25, $0xb8;
	[tilespmem:$0x1C100] =	vst v63  }
0xd7: {  	_ =	swait.ge [sflag:s23], $0x4000  }
0xd8: {  	[sflag:s23] =	ssyncset.done $0x0  }
0xd9: {  	s8 =	simm.s32 $0x4F80;
	[sflag:s23] =	ssyncadd.s32 $0xFFFFC000  }
0xda: {  	[tilespmem:s22], [sflag:$0x2] =	stream.indirect.gather [hbm4b:s1+s25], $0x80, s8, s25, $0xb8;
	[tilespmem:$0x1C100] =	vst v63  }
0xdb: {  	v1 =	vld [tilespmem:$0x9F00]  }
0xdc: {  	v2 =	vld [tilespmem:$0x9F10]  }
0xdd: {  	v3 =	vld [tilespmem:$0x9F20]  }
0xde: {  	v4 =	vld [tilespmem:$0x9F30]  }
0xdf: {  	v5 =	vld [tilespmem:$0x9F40]  }
0xe0: {  	[tilespmem:$0xA000] =	vst v1;
	v1 =	vld [tilespmem:$0x9F50]  }
0xe1: {  	[tilespmem:$0xA010] =	vst v2;
	v2 =	vld [tilespmem:$0x9F60]  }
0xe2: {  	[tilespmem:$0xA020] =	vst v3;
	v3 =	vld [tilespmem:$0x9F70]  }
0xe3: {  	[tilespmem:$0xA030] =	vst v4  }
0xe4: {  	[tilespmem:$0xA040] =	vst v5  }
0xe5: {  	[tilespmem:$0xA050] =	vst v1  }
0xe6: {  	[tilespmem:$0xA060] =	vst v2  }
0xe7: {  	[tilespmem:$0xA070] =	vst v3  }
0xe8: {  	_ =	swait.ge [sflag:s28], $0x4000  }
0xe9: {  	[sflag:s28] =	ssyncset.done $0x0  }
0xea: {  	[sflag:s28] =	ssyncadd.s32 $0xFFFFC000  }
0xeb: {  	[spmem:s3] =	stream.indirect.scatter.add.f32 [tilespmem:s26], [sflag:$0x3], $0x80, s29, s25, $0xb8;
	[tilespmem:$0x1C100] =	vst v63  }
0xec: {  	_ =	swait.ge [sflag:s23], $0x4000  }
0xed: {  	[sflag:s23] =	ssyncset.done $0x0  }
0xee: {  	[sflag:s23] =	ssyncadd.s32 $0xFFFFC000  }
0xef: {  	v1 =	vld [tilespmem:$0x9F80]  }
0xf0: {  	v2 =	vld [tilespmem:$0x9F90]  }
0xf1: {  	v3 =	vld [tilespmem:$0x9FA0]  }
0xf2: {  	v62 =	vld [tilespmem:$0x9FB0]  }
0xf3: {  	v63 =	vld [tilespmem:$0x9FC0]  }
0xf4: {  	[tilespmem:$0xA080] =	vst v1;
	v1 =	vld [tilespmem:$0x9FD0]  }
0xf5: {  	[tilespmem:$0xA090] =	vst v2;
	v2 =	vld [tilespmem:$0x9FE0]  }
0xf6: {  	[tilespmem:$0xA0A0] =	vst v3;
	v3 =	vld [tilespmem:$0x9FF0]  }
0xf7: {  	[tilespmem:$0xA0B0] =	vst v62  }
0xf8: {  	[tilespmem:$0xA0C0] =	vst v63  }
0xf9: {  	[tilespmem:$0xA0D0] =	vst v1  }
0xfa: {  	[tilespmem:$0xA0E0] =	vst v2  }
0xfb: {  	[tilespmem:$0xA0F0] =	vst v3  }
0xfc: {  	_ =	swait.ge [sflag:s30], $0x4000  }
0xfd: {  	[sflag:s30] =	ssyncset.done $0x0  }
0xfe: {  	[sflag:s30] =	ssyncadd.s32 $0xFFFFC000  }
0xff: {  	[spmem:s3] =	stream.indirect.scatter.add.f32 [tilespmem:s22], [sflag:$0x3], $0x80, s31, s25, $0xb8;
	[tilespmem:$0x1C100] =	vst v63  }
0x100: {  	_ =	swait.ge [sflag:s23], $0x4000  }
0x101: {  	[sflag:s23] =	ssyncset.done $0x0  }
0x102: {  	[sflag:s23] =	ssyncadd.s32 $0xFFFFC000  }
0x103: {  	[bflag:$0x0] =	sbarrier.arrive $0xFFFF  }
0x104: {  	[tilespmem:s26], [sflag:$0x3] =	stream.linear.gather [spmem:s5], $0x2000, $0x38;
	[tilespmem:$0x1C100] =	vst v63  }
0x105: {  	_ =	swait.ge [sflag:s23], $0x2000  }
0x106: {  	[sflag:s23] =	ssyncset.done $0x0  }
0x107: {  	[sflag:s23] =	ssyncadd.s32 $0xFFFFE000  }
0x108: {  	[hbm4b:s13+s4] =	stream.linear.scatter [tilespmem:s26], [sflag:$0x3], $0x2000, $0x38;
	[tilespmem:$0x1C100] =	vst v63  }
0x109: {  	_ =	swait.ge [sflag:s23], $0x2000  }
0x10a: {  	[sflag:s23] =	ssyncset.done $0x0  }
0x10b: {  	[sflag:s23] =	ssyncadd.s32 $0xFFFFE000  }
0x10c: {  	[tilespmem:s26], [sflag:$0x3] =	stream.linear.gather [spmem:s14], $0x2000, $0x38;
	[tilespmem:$0x1C100] =	vst v63  }
0x10d: {  	_ =	swait.ge [sflag:s23], $0x2000  }
0x10e: {  	[sflag:s23] =	ssyncset.done $0x0  }
0x10f: {  	[sflag:s23] =	ssyncadd.s32 $0xFFFFE000  }
0x110: {  	[hbm4b:s15+s4] =	stream.linear.scatter [tilespmem:s26], [sflag:$0x3], $0x2000, $0x38;
	[tilespmem:$0x1C100] =	vst v63  }
0x111: {  	_ =	swait.ge [sflag:s23], $0x2000  }
0x112: {  	[sflag:s23] =	ssyncset.done $0x0  }
0x113: {  	[sflag:s23] =	ssyncadd.s32 $0xFFFFE000  }
0x114: {  	[tilespmem:s26], [sflag:$0x3] =	stream.linear.gather [spmem:s16], $0x2000, $0x38;
	[tilespmem:$0x1C100] =	vst v63  }
0x115: {  	_ =	swait.ge [sflag:s23], $0x2000  }
0x116: {  	[sflag:s23] =	ssyncset.done $0x0  }
0x117: {  	[sflag:s23] =	ssyncadd.s32 $0xFFFFE000  }
0x118: {  	[hbm4b:s17+s4] =	stream.linear.scatter [tilespmem:s26], [sflag:$0x3], $0x2000, $0x38;
	[tilespmem:$0x1C100] =	vst v63  }
0x119: {  	_ =	swait.ge [sflag:s23], $0x2000  }
0x11a: {  	[sflag:s23] =	ssyncset.done $0x0  }
0x11b: {  	[sflag:s23] =	ssyncadd.s32 $0xFFFFE000  }
0x11c: {  	[tilespmem:s26], [sflag:$0x3] =	stream.linear.gather [spmem:s18], $0x2000, $0x38;
	[tilespmem:$0x1C100] =	vst v63  }
0x11d: {  	_ =	swait.ge [sflag:s23], $0x2000  }
0x11e: {  	[sflag:s23] =	ssyncset.done $0x0  }
0x11f: {  	[sflag:s23] =	ssyncadd.s32 $0xFFFFE000  }
0x120: {  	[hbm4b:s19+s4] =	stream.linear.scatter [tilespmem:s26], [sflag:$0x3], $0x2000, $0x38;
	[tilespmem:$0x1C100] =	vst v63  }
0x121: {  	_ =	swait.ge [sflag:s23], $0x2000  }
0x122: {  	[sflag:s23] =	ssyncset.done $0x0  }
0x123: {  	[sflag:s23] =	ssyncadd.s32 $0xFFFFE000  }
0x124: {  	[tilespmem:s26], [sflag:$0x3] =	stream.linear.gather [spmem:s20], $0x2000, $0x38;
	[tilespmem:$0x1C100] =	vst v63  }
0x125: {  	_ =	swait.ge [sflag:s23], $0x2000  }
0x126: {  	[sflag:s23] =	ssyncset.done $0x0  }
0x127: {  	[sflag:s23] =	ssyncadd.s32 $0xFFFFE000  }
0x128: {  	[hbm4b:s21+s4] =	stream.linear.scatter [tilespmem:s26], [sflag:$0x3], $0x2000, $0x38;
	[tilespmem:$0x1C100] =	vst v63  }
0x129: {  	_ =	swait.ge [sflag:s23], $0x2000  }
0x12a: {  	s0 =	sadd.s32 $0x1, s0;
	s24 =	rddreg [dreg:$0x6]  }
0x12b: {  	p0 =	sne.s32 s0, s24  }
.Ltmp2:
0x12c: {  	_ = 	snop;
	(pc) =	sbr.rel @p0 .LBB2_1-.Ltmp2, $3  }
0x12d: {  	_ =	sdelay $0x1  }
0x12e: {  	[sflag:s23] =	ssyncset.done $0x0  }
0x12f: {  	[sflag:s23] =	ssyncadd.s32 $0xFFFFE000  }
0x130: {  	_ =	sfence.sel $0x180000  }
0x131: {  	[bflag:$0x0] =	sbarrier.arrive $0xFFFF  }
0x132: {  	_ =	strace $0x9000004D  }
0x133: {  	s0 =	stileid.u32;
	[bflag:$0x2] =	sbarrier.arrive $0xFFFF  }
0x134: {  	p0 =	sne.s32 s0, $0x0;
	s0 =	rddreg [dreg:$0x3]  }
0x135: {  	s0 =	sadd.s32 @!p0 $0x100000, s0  }
0x136: {  	[sflag:s0] =	ssyncadd.tile.s32 @!p0 $0x1;
	_ =	shalt  }
.Lfunc_end2:
_tile_overlayer_lowered:
.L_overlay_start_2:
0x137: {  	(tag) =	ssettag $0x2  }
0x138: {  	s0 =	rddreg [dreg:$0x0];
	s2 =	stileid.u32  }
0x139: {  	s1 =	rddreg [dreg:$0x1];
	p0 =	sne.s32 s2, $0x0  }
0x13a: {  	s3 =	rddreg [dreg:$0x2];
	[bflag:$0x3] =	sbarrier.arrive $0xFFFF;
	s2 =	simm.s32 @!p0 $0x1C03  }
0x13b: {  	[timem:s3], [sflag:s2] =	dma.local @!p0 [hbm:s0], s1  }
0x13c: {  	s0 =	simm.s32 @!p0 $0x3  }
0x13d: {  	_ =	swait.ge @!p0 [sflag:s0], s1  }
0x13e: {  	s1 =	ssub.s32 @!p0 $0x0, s1;
	[sflag:s0] =	ssyncset.done @!p0 $0x0  }
0x13f: {  	[sflag:s0] =	ssyncadd.s32 @!p0 s1  }
0x140: {  	[bflag:$0x3] =	sbarrier.arrive $0xFFFF  }
0x141: {  	_ =	shalt  }

// kernel: kernel.8.cloned.1.call-start
scs
__scs_entry_jumppad:
0x0: {  	(pc) =	sbr.rel $0x88, $3  }
0x1: {  	(tag) =	ssettag $0x0;
	lr =	simm.s32 $0x1  }
0x2: {  	[smem:$0x3F99] =	sst lr;
	_ =	strace $0xD0000000  }
0x3: {  	_ = 	snop  }
0x4: {  	_ = 	snop  }
0x5: {  	_ = 	snop  }
0x6: {  	_ = 	snop  }
0x7: {  	_ = 	snop  }
__scs_overlays_trampoline_lowered:
0x8: {  	[smem:$0x3FA8] =	sst s0  }
0x9: {  	[smem:$0x3FA9] =	sst s1  }
0xa: {  	[smem:$0x3FAA] =	sst s2  }
0xb: {  	[smem:$0x3FAB] =	sst s3  }
0xc: {  	[smem:$0x3FAC] =	sst s4  }
0xd: {  	[smem:$0x3FAD] =	sst s5  }
0xe: {  	[smem:$0x3FAE] =	sst s6  }
0xf: {  	[smem:$0x3FAF] =	sst s7  }
0x10: {  	[smem:$0x3FB0] =	sst s8  }
0x11: {  	[smem:$0x3FB1] =	sst s9;
	s0 =	simm.s32 @!p0 $0x0  }
0x12: {  	s1 =	sld [smem:$0x3F97];
	s0 =	simm.s32 @p0 $0x1  }
0x13: {  	[smem:$0x3FB2] =	sst s0;
	s0 =	simm.s32 @!p1 $0x0  }
0x14: {  	s2 =	sld [smem:$0x3F96];
	s0 =	simm.s32 @p1 $0x1  }
0x15: {  	[smem:$0x3FB3] =	sst s0;
	s0 =	simm.s32 @!p2 $0x0  }
0x16: {  	s3 =	sld [smem:$0x3FDB];
	s0 =	simm.s32 @p2 $0x1  }
0x17: {  	s4 =	simm.s32 $0x1BF5;
	[smem:$0x3FB5] =	sst s0  }
0x18: {  	s0 =	sld [smem:$0x3F98];
	_ =	swait.ge [sflag:s4], $0x0  }
0x19: {  	s7 =	sld [smem:$0x3F99]  }
0x1a: {  	s8 =	sadd.s32 $0xFFFFE003, lr  }
0x1b: {  	s9 =	sadd.s32 $0xFFFFFEF7, lr;
	s5 =	simm.s32 $0xFFFFFFFF;
	p2 =	slt.u32 s8, $0xFFFFF086  }
0x1c: {  	p1 =	slt.u32 s9, $0xF7A;
	s5 =	simm.s32 @!p2 $0x0  }
0x1d: {  	s5 =	simm.s32 @p1 $0x1;
	p0 =	seq.s32 s7, s2  }
0x1e: {  	s7 =	smul.u32 @!p0 $0xF7A, s2;
	p2 =	seq.s32 @!p0 s5, $0x0  }
0x1f: {  	s9 =	smul.u32 $0xF7A, s1;
	s8 =	simm.s32 @!p0 $0x1BF5;
	p2 =	por !p2, p0  }
0x20: {  	[sflag:s8] =	ssyncset.s32 @!p0 $0xFFFFF086;
	s6 =	sadd.s32 @!p0 s3, s7;
	s7 =	simm.s32 @!p0 $0x108  }
0x21: {  	s3 =	sadd.s32 s3, s9;
	s6 =	sadd.s32 @!p0 $0x88, s6;
	s7 =	simm.s32 @p2 $0x1082  }
0x22: {  	[simem:s7], [sflag:s8] =	dma.local @!p0 [hbm:s6], $0xF7A  }
0x23: {  	s9 =	sor.u32 $0xD0000000, s2;
	s6 =	simm.s32 $0x108;
	_ =	swait.ge @!p0 [sflag:s8], $0x0  }
0x24: {  	s3 =	sadd.s32 $0x88, s3;
	s6 =	simm.s32 @!p1 $0x1082;
	[sflag:s4] =	ssyncset.s32 $0xFFFFF086  }
0x25: {  	[simem:s6], [sflag:s4] =	dma.local [hbm:s3], $0xF7A  }
0x26: {  	[smem:$0x3F99] =	sst s1;
	(tag) =	ssettag s2;
	_ =	strace s9  }
0x27: {  	s1 =	sld [smem:$0x3FA9]  }
0x28: {  	s2 =	sld [smem:$0x3FAA]  }
0x29: {  	s4 =	sld [smem:$0x3FAC]  }
0x2a: {  	p0 =	seq.s32 s5, $0x0;
	s5 =	sld [smem:$0x3FAD]  }
0x2b: {  	s6 =	sld [smem:$0x3FAE]  }
0x2c: {  	s7 =	sld [smem:$0x3FAF]  }
0x2d: {  	s3 =	simm.s32 $0x108;
	s8 =	sld [smem:$0x3FB0]  }
0x2e: {  	s3 =	simm.s32 @!p0 $0x1082;
	s9 =	sld [smem:$0x3FB1]  }
0x2f: {  	lr =	sadd.s32 s0, s3;
	s0 =	sld [smem:$0x3FA8]  }
0x30: {  	s3 =	sld [smem:$0x3FAB]  }
0x31: {  	[smem:$0x3FB4] =	sst s10  }
0x32: {  	s10 =	sld [smem:$0x3FB2];
	_ =	sdelay $0x3  }
0x33: {  	p0 =	seq.s32 s10, $0x1;
	s10 =	sld [smem:$0x3FB4];
	_ =	sdelay $0x3  }
0x34: {  	[smem:$0x3FB4] =	sst s10  }
0x35: {  	s10 =	sld [smem:$0x3FB3];
	_ =	sdelay $0x3  }
0x36: {  	p1 =	seq.s32 s10, $0x1;
	s10 =	sld [smem:$0x3FB4];
	_ =	sdelay $0x3  }
0x37: {  	[smem:$0x3FB4] =	sst s10  }
0x38: {  	s10 =	sld [smem:$0x3FB5]  }
0x39: {  	_ = 	snop;
	(pc) =	sbr.ind lr, $3  }
0x3a: {  	_ = 	snop  }
0x3b: {  	_ = 	snop  }
0x3c: {  	p2 =	seq.s32 s10, $0x1;
	s10 =	sld [smem:$0x3FB4]  }
0x3d: {  	_ =	shalt  }
0x3e: {  	_ =	shalt  }
0x3f: {  	_ =	shalt  }
0x40: {  	_ =	shalt  }
0x41: {  	_ =	shalt  }
0x42: {  	_ =	shalt  }
0x43: {  	_ =	shalt  }
0x44: {  	_ =	shalt  }
0x45: {  	_ =	shalt  }
0x46: {  	_ =	shalt  }
0x47: {  	_ =	shalt  }
0x48: {  	_ =	shalt  }
0x49: {  	_ =	shalt  }
0x4a: {  	_ =	shalt  }
0x4b: {  	_ =	shalt  }
0x4c: {  	_ =	shalt  }
0x4d: {  	_ =	shalt  }
0x4e: {  	_ =	shalt  }
0x4f: {  	_ =	shalt  }
0x50: {  	_ =	shalt  }
0x51: {  	_ =	shalt  }
0x52: {  	_ =	shalt  }
0x53: {  	_ =	shalt  }
0x54: {  	_ =	shalt  }
0x55: {  	_ =	shalt  }
0x56: {  	_ =	shalt  }
0x57: {  	_ =	shalt  }
0x58: {  	_ =	shalt  }
0x59: {  	_ =	shalt  }
0x5a: {  	_ =	shalt  }
0x5b: {  	_ =	shalt  }
0x5c: {  	_ =	shalt  }
0x5d: {  	_ =	shalt  }
0x5e: {  	_ =	shalt  }
0x5f: {  	_ =	shalt  }
0x60: {  	_ =	shalt  }
0x61: {  	_ =	shalt  }
0x62: {  	_ =	shalt  }
0x63: {  	_ =	shalt  }
0x64: {  	_ =	shalt  }
0x65: {  	_ =	shalt  }
0x66: {  	_ =	shalt  }
0x67: {  	_ =	shalt  }
0x68: {  	_ =	shalt  }
0x69: {  	_ =	shalt  }
0x6a: {  	_ =	shalt  }
0x6b: {  	_ =	shalt  }
0x6c: {  	_ =	shalt  }
0x6d: {  	_ =	shalt  }
0x6e: {  	_ =	shalt  }
0x6f: {  	_ =	shalt  }
0x70: {  	_ =	shalt  }
0x71: {  	_ =	shalt  }
0x72: {  	_ =	shalt  }
0x73: {  	_ =	shalt  }
0x74: {  	_ =	shalt  }
0x75: {  	_ =	shalt  }
0x76: {  	_ =	shalt  }
0x77: {  	_ =	shalt  }
0x78: {  	_ =	shalt  }
0x79: {  	_ =	shalt  }
0x7a: {  	_ =	shalt  }
0x7b: {  	_ =	shalt  }
0x7c: {  	_ =	shalt  }
0x7d: {  	_ =	shalt  }
0x7e: {  	_ =	shalt  }
0x7f: {  	_ =	shalt  }
0x80: {  	_ =	shalt  }
0x81: {  	_ =	shalt  }
0x82: {  	_ =	shalt  }
0x83: {  	_ =	shalt  }
0x84: {  	_ =	shalt  }
0x85: {  	_ =	shalt  }
0x86: {  	_ =	shalt  }
0x87: {  	_ =	shalt  }
.Lfunc_end0:
.L_simem_size_0:
called_computation_lowered:
.L_overlay_start_0:
0x88: {  	s2 =	sld [smem:$0x3FD9]  }
0x89: {  	s3 =	sld [smem:$0x3FFE];
	_ =	sdelay $0x1  }
0x8a: {  	s1 =	srdreg.scid  }
0x8b: {  	s0 =	sand.u32 $0x1, s1  }
0x8c: {  	s16 =	sshll.u32 s0, $0xA;
	s2 =	sadd.s32 s3, s2  }
0x8d: {  	s2 =	sadd.s32 s2, s16  }
0x8e: {  	[smem:$0x3FC0] =	sst s2  }
0x8f: {  	_ = 	snop  }
0x90: {  	(tm) =	ssettm $0x1  }
0x91: {  	s17 =	sld [smem:$0x3FFB];
	_ =	sdelay $0x3  }
0x92: {  	_ =	strace s17  }
0x93: {  	s2 =	sld [smem:$0x3FFC];
	_ =	sdelay $0x3  }
0x94: {  	_ =	strace s2  }
0x95: {  	s2 =	sld [smem:$0x3FFD];
	_ =	sdelay $0x3  }
0x96: {  	_ =	strace s2  }
0x97: {  	_ =	strace $0x8FFFFFFF  }
0x98: {  	s18 =	sld [smem:$0x3FDB];
	_ =	sdelay $0x1  }
0x99: {  	s19 =	simm.s32 $_scs_section_size  }
0x9a: {  	s4 =	simm.s32 $_size__tile_overlayer_lowered;
	s5 =	simm.s32 $_tile_overlayer_lowered  }
0x9b: {  	s22 =	simm.s32 $0x1BFF;
	s21 =	sshll.u32 s5, $0x1;
	s2 =	sadd.s32 s19, s18  }
0x9c: {  	s6 =	simm.s32 $0x0;
	s20 =	sshll.u32 s4, $0x1;
	s4 =	sadd.s32 s21, s2  }
0x9d: {  	[timem:s6], [sflag:s22] =	dma.local [hbm:s4], s20  }
0x9e: {  	_ =	swait.ge [sflag:s22], s20  }
0x9f: {  	s3 =	ssub.s32 $0x0, s20;
	[sflag:s22] =	ssyncset.done $0x0  }
0xa0: {  	[sflag:s22] =	ssyncadd.s32 s3;
	_ =	sdelay $0x1  }
0xa1: {  	s23 =	simm.s32 $0x1B8B  }
0xa2: {  	_ =	swait.ge [sflag:s23], $0x1  }
0xa3: {  	[sflag:s23] =	ssyncset.done $0x0  }
0xa4: {  	s25 =	simm.s32 $0x1B8E;
	s24 =	sld [smem:$0x3FFE];
	[sflag:s23] =	ssyncadd.s32 $0xFFFFFFFF  }
0xa5: {  	s26 =	simm.s32 $execute0_lowered;
	[smem:$0x3FD2] =	sst s25  }
0xa6: {  	s4 =	sshll.u32 s26, $0x1;
	_ =	strace $0x80000046;
	[dreg:$0x1] =	wrdreg $0xFFFFFFFF  }
0xa7: {  	s28 =	simm.s32 $_size_execute0_lowered;
	s2 =	sadd.s32 s2, s4;
	[dreg:$0x0] =	wrdreg $0x0  }
0xa8: {  	s4 =	sshll.u32 s28, $0x1;
	[dreg:$0x2] =	wrdreg s2  }
0xa9: {  	[dreg:$0x3] =	wrdreg s4  }
0xaa: {  	[dreg:$0x4] =	wrdreg $0xC0  }
0xab: {  	_ =	task [dreg:s6], $0x5FFFF  }
0xac: {  	[dreg:$0x1] =	wrdreg $0xFFFFFFFF  }
0xad: {  	[dreg:$0x0] =	wrdreg $0x60  }
0xae: {  	[dreg:$0x2] =	wrdreg s24  }
0xaf: {  	[dreg:$0x3] =	wrdreg $0xB0800  }
0xb0: {  	[dreg:$0x4] =	wrdreg $0x9  }
0xb1: {  	_ =	task.clear_ibuf [dreg:s6], $0x5FFFF;
	_ =	strace $0x90000046  }
0xb2: {  	s29 =	simm.s32 $0x9;
	_ =	strace $0x80000048  }
0xb3: {  	_ =	swait.ge [sflag:s29], $0x1  }
0xb4: {  	[sflag:s29] =	ssyncadd.s32 $0xFFFFFFFF  }
0xb5: {  	_ =	strace $0x90000048  }
0xb6: {  	_ =	sfence  }
0xb7: {  	s30 =	sld [smem:$0x0];
	_ =	sdelay $0x2  }
0xb8: {  	s31 =	sshll.u32 s1, $0xD;
	s1 =	sshrl.u32 s1, $0x2  }
0xb9: {  	s3 =	sand.u32 $0x4000, s31;
	s1 =	sadd.s32 s1, s30  }
0xba: {  	s0 =	sor.u32 s3, s0;
	s1 =	sshll.u32 s1, $0x11  }
0xbb: {  	s0 =	sor.u32 s1, s0  }
0xbc: {  	s0 =	sadd.s32 $0x8F2B, s0  }
0xbd: {  	[sflag:s0] =	ssyncadd.remote.s32 $0x1  }
0xbe: {  	_ =	sfence.sel $0xFFFF  }
0xbf: {  	[dreg:$0x0] =	wrdreg $0xFFFFFFFF;
	(pc) =	sbr.abs _section_cstart, $3  }
0xc0: {  	[dreg:$0x1] =	wrdreg $0xFFFFFFFF  }
0xc1: {  	_ =	task.clear_ibuf [dreg:s6], $0x2FFFF;
	_ =	strace $0x9FFFFFFF  }
0xc2: {  	(tm) =	ssettm $0x7FFFFFFF  }
0xc3: {  	_ =	shalt  }
tec
execute0_lowered:
.L_overlay_start_1:
0x0: {  	(tag) =	ssettag $0x1  }
0x1: {  	s4 =	rddreg [dreg:$0x0]  }
0x2: {  	s0 =	srdreg.scid;
	s2 =	rddreg [dreg:$0x1]  }
0x3: {  	s1 =	rddreg [dreg:$0x2];
	s5 =	sand.u32 $0x1, s0  }
0x4: {  	s0 =	stileid.u32;
	s6 =	smul.u32 $0x50000, s5  }
0x5: {  	s3 =	simm.s32 $0x0;
	s22 =	simm.s32 $0x80;
	s7 =	smul.u32 $0x5000, s0  }
0x6: {  	s23 =	simm.s32 $0x5000;
	s24 =	simm.s32 $0x5080;
	s8 =	smul.u32 $0x28000, s0  }
0x7: {  	s25 =	simm.s32 $0x0;
	[smem:$0x7FF] =	sst s3;
	s16 =	smul.u32 $0xA0000, s5  }
0x8: {  	s19 =	sadd.s32 $0x16E00, s4;
	s28 =	ssub.s32 $0x2, s5;
	s15 =	smul.u32 $0xA000, s0  }
0x9: {  	_ =	strace $0x80000047;
	s29 =	sshrl.u32 s28, $0x1;
	s6 =	sadd.s32 s7, s6  }
0xa: {  	s7 =	ssub.s32 s28, s29;
	s30 =	sshrl.u32 s8, $0x2;
	s10 =	sadd.s32 s16, s15  }
0xb: {  	s12 =	sadd.s32 $0x2000, s15;
	s17 =	sadd.s32 $0x4000, s15;
	s18 =	sadd.s32 $0x6000, s15  }
0xc: {  	s20 =	sadd.s32 $0x8000, s15;
	s6 =	sshrl.u32 s6, $0x3;
	s11 =	sshrl.u32 s10, $0x3  }
0xd: {  	s13 =	sadd.s32 s16, s12;
	s12 =	sadd.s32 s12, s2;
	s14 =	sadd.s32 s17, s2  }
0xe: {  	s17 =	sadd.s32 s16, s17;
	s31 =	sadd.s32 s16, s18;
	s21 =	sadd.s32 s16, s20  }
0xf: {  	s16 =	sadd.s32 s18, s2;
	s18 =	sadd.s32 s20, s2;
	s20 =	simm.s32 $0x9080  }
0x10: {  	s6 =	sadd.s32 s6, s4;
	s4 =	sadd.s32 s30, s2;
	s11 =	sadd.s32 s19, s11  }
0x11: {  	s13 =	sshrl.u32 s13, $0x3;
	s17 =	sshrl.u32 s17, $0x3;
	s21 =	sshrl.u32 s21, $0x3  }
0x12: {  	s5 =	sadd.s32 $0x2E00, s6;
	s6 =	smax.u32 s7, $0x1;
	s7 =	sadd.s32 $0x2000, s4  }
0x13: {  	s8 =	sadd.s32 $0x4000, s4;
	s9 =	sadd.s32 $0x6000, s4;
	s10 =	sadd.s32 $0x8000, s4  }
0x14: {  	s13 =	sadd.s32 s19, s13;
	s15 =	sadd.s32 s19, s17;
	s17 =	sshrl.u32 s31, $0x3  }
0x15: {  	v0 =	vimm.f32 $1.000000000e+00;
	v1 =	vimm.f32 $0.0e+00;
	s17 =	sadd.s32 s19, s17;
	s19 =	sadd.s32 s19, s21;
	s21 =	simm.s32 $0x1  }
.LBB2_1:
0x16: {  	s26 =	simm.s32 $0x0;
	s28 =	simm.s32 $0x200  }
.LBB2_2:
0x17: {  	p0 =	sne.s32 s28, $0xFE00;
	[tilespmem:s26+$0x50F0] =	vst v0  }
0x18: {  	[tilespmem:s26+$0x5080] =	vst v0  }
0x19: {  	[tilespmem:s26+$0x5090] =	vst v0  }
.Ltmp0:
0x1a: {  	[tilespmem:s26+$0x50A0] =	vst v0;
	(pc) =	sbr.rel @p0 .LBB2_2-.Ltmp0, $4  }
0x1b: {  	[tilespmem:s26+$0x50B0] =	vst v0  }
0x1c: {  	[tilespmem:s26+$0x50C0] =	vst v0  }
0x1d: {  	[tilespmem:s26+$0x50D0] =	vst v0  }
0x1e: {  	[tilespmem:s26+$0x50E0] =	vst v0;
	s26 =	sshra.s32 s28, $0x2;
	s28 =	sadd.s32 $0x200, s28  }
0x1f: {  	[tilespmem:s26+$0x50F0] =	vst v0  }
0x20: {  	[tilespmem:s26+$0x5080] =	vst v0  }
0x21: {  	[tilespmem:s26+$0x5090] =	vst v0  }
0x22: {  	[tilespmem:s26+$0x50A0] =	vst v0  }
0x23: {  	[tilespmem:s26+$0x50B0] =	vst v0  }
0x24: {  	[tilespmem:s26+$0x50C0] =	vst v0  }
0x25: {  	[tilespmem:s26+$0x50D0] =	vst v0  }
0x26: {  	[tilespmem:s26+$0x50E0] =	vst v0;
	s26 =	simm.s32 $0x0;
	s28 =	simm.s32 $0x200  }
.LBB2_4:
0x27: {  	p0 =	sne.s32 s28, $0x7E00;
	[tilespmem:s26+$0x90F0] =	vst v1  }
0x28: {  	[tilespmem:s26+$0x9080] =	vst v1  }
0x29: {  	[tilespmem:s26+$0x9090] =	vst v1  }
.Ltmp1:
0x2a: {  	[tilespmem:s26+$0x90A0] =	vst v1;
	(pc) =	sbr.rel @p0 .LBB2_4-.Ltmp1, $4  }
0x2b: {  	[tilespmem:s26+$0x90B0] =	vst v1  }
0x2c: {  	[tilespmem:s26+$0x90C0] =	vst v1  }
0x2d: {  	[tilespmem:s26+$0x90D0] =	vst v1  }
0x2e: {  	[tilespmem:s26+$0x90E0] =	vst v1;
	s26 =	sshra.s32 s28, $0x2;
	s28 =	sadd.s32 $0x200, s28  }
0x2f: {  	[tilespmem:s26+$0x90F0] =	vst v1  }
0x30: {  	[tilespmem:s26+$0x9080] =	vst v1  }
0x31: {  	[tilespmem:s26+$0x9090] =	vst v1  }
0x32: {  	[tilespmem:s26+$0x90A0] =	vst v1  }
0x33: {  	[tilespmem:s26+$0x90B0] =	vst v1  }
0x34: {  	[tilespmem:s26+$0x90C0] =	vst v1  }
0x35: {  	[tilespmem:s26+$0x90D0] =	vst v1  }
0x36: {  	[tilespmem:s26+$0x90E0] =	vst v1  }
0x37: {  	[spmem:s4] =	stream.linear.scatter [tilespmem:s20], [sflag:$0x1], $0x2000, $0x38;
	[tilespmem:$0x15080] =	vst v63  }
0x38: {  	_ =	swait.ge [sflag:s21], $0x2000  }
0x39: {  	[sflag:s21] =	ssyncset.done $0x0  }
0x3a: {  	[sflag:s21] =	ssyncadd.s32 $0xFFFFE000  }
0x3b: {  	[spmem:s7] =	stream.linear.scatter [tilespmem:s20], [sflag:$0x1], $0x2000, $0x38;
	[tilespmem:$0x15080] =	vst v63  }
0x3c: {  	_ =	swait.ge [sflag:s21], $0x2000  }
0x3d: {  	[sflag:s21] =	ssyncset.done $0x0  }
0x3e: {  	[sflag:s21] =	ssyncadd.s32 $0xFFFFE000  }
0x3f: {  	[spmem:s8] =	stream.linear.scatter [tilespmem:s20], [sflag:$0x1], $0x2000, $0x38;
	[tilespmem:$0x15080] =	vst v63  }
0x40: {  	_ =	swait.ge [sflag:s21], $0x2000  }
0x41: {  	[sflag:s21] =	ssyncset.done $0x0  }
0x42: {  	[sflag:s21] =	ssyncadd.s32 $0xFFFFE000  }
0x43: {  	[spmem:s9] =	stream.linear.scatter [tilespmem:s20], [sflag:$0x1], $0x2000, $0x38;
	[tilespmem:$0x15080] =	vst v63  }
0x44: {  	_ =	swait.ge [sflag:s21], $0x2000  }
0x45: {  	[sflag:s21] =	ssyncset.done $0x0  }
0x46: {  	[sflag:s21] =	ssyncadd.s32 $0xFFFFE000  }
0x47: {  	[spmem:s10] =	stream.linear.scatter [tilespmem:s20], [sflag:$0x1], $0x2000, $0x38;
	[tilespmem:$0x15080] =	vst v63  }
0x48: {  	_ =	swait.ge [sflag:s21], $0x2000  }
0x49: {  	[sflag:s21] =	ssyncset.done $0x0  }
0x4a: {  	s30 =	simm.s32 $0x0;
	[sflag:s21] =	ssyncadd.s32 $0xFFFFE000  }
0x4b: {  	[tilespmem:s30], [sflag:$0x1] =	stream.linear.gather [hbm4b:s5+s30], $0x5000, $0x38;
	[tilespmem:$0x15080] =	vst v63  }
0x4c: {  	_ =	swait.ge [sflag:s21], $0x5000  }
0x4d: {  	[sflag:s21] =	ssyncset.done $0x0  }
0x4e: {  	[sflag:s21] =	ssyncadd.s32 $0xFFFFB000  }
0x4f: {  	s31 =	simm.s32 $0x0;
	[bflag:$0x0] =	sbarrier.arrive $0xFFFF  }
0x50: {  	v2 =	vld [tilespmem:s31+$0x0];
	_ =	sdelay $0x4  }
0x51: {  	[tilespmem:$0x5000] =	vst v2  }
0x52: {  	v2 =	vld [tilespmem:s31+$0x10];
	_ =	sdelay $0x4  }
0x53: {  	[tilespmem:$0x5010] =	vst v2  }
0x54: {  	v2 =	vld [tilespmem:s31+$0x20];
	_ =	sdelay $0x4  }
0x55: {  	[tilespmem:$0x5020] =	vst v2  }
0x56: {  	v2 =	vld [tilespmem:s31+$0x30];
	_ =	sdelay $0x4  }
0x57: {  	[tilespmem:$0x5030] =	vst v2  }
0x58: {  	v2 =	vld [tilespmem:s31+$0x40];
	_ =	sdelay $0x4  }
0x59: {  	[tilespmem:$0x5040] =	vst v2  }
0x5a: {  	v2 =	vld [tilespmem:s31+$0x50];
	_ =	sdelay $0x4  }
0x5b: {  	[tilespmem:$0x5050] =	vst v2  }
0x5c: {  	v2 =	vld [tilespmem:s31+$0x60];
	_ =	sdelay $0x4  }
0x5d: {  	[tilespmem:$0x5060] =	vst v2  }
0x5e: {  	v2 =	vld [tilespmem:s31+$0x70];
	_ =	sdelay $0x4  }
0x5f: {  	[tilespmem:$0x5070] =	vst v2  }
0x60: {  	[spmem:s2] =	stream.indirect.scatter.add.f32 [tilespmem:s24], [sflag:$0x1], $0x80, s23, s22, $0xb8;
	[tilespmem:$0x15080] =	vst v63  }
0x61: {  	_ =	swait.ge [sflag:s21], $0x4000  }
0x62: {  	s26 =	simm.s32 $0x200;
	s29 =	simm.s32 $0x400;
	[sflag:s21] =	ssyncset.done $0x0  }
.LBB2_6:
0x63: {  	s30 =	sshra.s32 s26, $0x2  }
0x64: {  	[sflag:s21] =	ssyncadd.s32 $0xFFFFC000;
	s26 =	smov.u32 s29;
	s28 =	sadd.s32 $0x200, s29  }
0x65: {  	p0 =	sne.s32 s29, $0x13E00;
	v2 =	vld [tilespmem:s30+$0x0];
	_ =	sdelay $0x4  }
0x66: {  	[tilespmem:$0x5000] =	vst v2  }
0x67: {  	v2 =	vld [tilespmem:s30+$0x10];
	_ =	sdelay $0x4  }
0x68: {  	[tilespmem:$0x5010] =	vst v2  }
0x69: {  	v2 =	vld [tilespmem:s30+$0x20];
	_ =	sdelay $0x4  }
0x6a: {  	[tilespmem:$0x5020] =	vst v2  }
0x6b: {  	v2 =	vld [tilespmem:s30+$0x30];
	_ =	sdelay $0x4  }
0x6c: {  	[tilespmem:$0x5030] =	vst v2  }
0x6d: {  	v2 =	vld [tilespmem:s30+$0x40];
	_ =	sdelay $0x4  }
0x6e: {  	[tilespmem:$0x5040] =	vst v2  }
0x6f: {  	v2 =	vld [tilespmem:s30+$0x50];
	_ =	sdelay $0x4  }
0x70: {  	[tilespmem:$0x5050] =	vst v2  }
0x71: {  	v2 =	vld [tilespmem:s30+$0x60];
	_ =	sdelay $0x4  }
0x72: {  	[tilespmem:$0x5060] =	vst v2  }
0x73: {  	v2 =	vld [tilespmem:s30+$0x70];
	_ =	sdelay $0x3  }
.Ltmp2:
0x74: {  	(pc) =	sbr.rel @p0 .LBB2_6-.Ltmp2, $4  }
0x75: {  	[tilespmem:$0x5070] =	vst v2  }
0x76: {  	[spmem:s2] =	stream.indirect.scatter.add.f32 [tilespmem:s24], [sflag:$0x1], $0x80, s23, s22, $0xb8;
	[tilespmem:$0x15080] =	vst v63  }
0x77: {  	_ =	swait.ge [sflag:s21], $0x4000  }
0x78: {  	s29 =	smov.u32 s28;
	[sflag:s21] =	ssyncset.done $0x0  }
0x79: {  	s26 =	sshra.s32 s26, $0x2;
	[sflag:s21] =	ssyncadd.s32 $0xFFFFC000  }
0x7a: {  	v2 =	vld [tilespmem:s26+$0x0];
	_ =	sdelay $0x4  }
0x7b: {  	[tilespmem:$0x5000] =	vst v2  }
0x7c: {  	v2 =	vld [tilespmem:s26+$0x10];
	_ =	sdelay $0x4  }
0x7d: {  	[tilespmem:$0x5010] =	vst v2  }
0x7e: {  	v2 =	vld [tilespmem:s26+$0x20];
	_ =	sdelay $0x4  }
0x7f: {  	[tilespmem:$0x5020] =	vst v2  }
0x80: {  	v2 =	vld [tilespmem:s26+$0x30];
	_ =	sdelay $0x4  }
0x81: {  	[tilespmem:$0x5030] =	vst v2  }
0x82: {  	v2 =	vld [tilespmem:s26+$0x40];
	_ =	sdelay $0x4  }
0x83: {  	[tilespmem:$0x5040] =	vst v2  }
0x84: {  	v2 =	vld [tilespmem:s26+$0x50];
	_ =	sdelay $0x4  }
0x85: {  	[tilespmem:$0x5050] =	vst v2  }
0x86: {  	v2 =	vld [tilespmem:s26+$0x60];
	_ =	sdelay $0x4  }
0x87: {  	[tilespmem:$0x5060] =	vst v2  }
0x88: {  	v2 =	vld [tilespmem:s26+$0x70];
	_ =	sdelay $0x4  }
0x89: {  	[tilespmem:$0x5070] =	vst v2  }
0x8a: {  	[spmem:s2] =	stream.indirect.scatter.add.f32 [tilespmem:s24], [sflag:$0x1], $0x80, s23, s22, $0xb8;
	[tilespmem:$0x15080] =	vst v63  }
0x8b: {  	_ =	swait.ge [sflag:s21], $0x4000  }
0x8c: {  	[sflag:s21] =	ssyncset.done $0x0  }
0x8d: {  	[sflag:s21] =	ssyncadd.s32 $0xFFFFC000  }
0x8e: {  	[bflag:$0x0] =	sbarrier.arrive $0xFFFF  }
0x8f: {  	[tilespmem:s20], [sflag:$0x1] =	stream.linear.gather [spmem:s4], $0x2000, $0x38;
	[tilespmem:$0x15080] =	vst v63  }
0x90: {  	_ =	swait.ge [sflag:s21], $0x2000  }
0x91: {  	[sflag:s21] =	ssyncset.done $0x0  }
0x92: {  	[sflag:s21] =	ssyncadd.s32 $0xFFFFE000  }
0x93: {  	[hbm4b:s11+s3] =	stream.linear.scatter [tilespmem:s20], [sflag:$0x1], $0x2000, $0x38;
	[tilespmem:$0x15080] =	vst v63  }
0x94: {  	_ =	swait.ge [sflag:s21], $0x2000  }
0x95: {  	[sflag:s21] =	ssyncset.done $0x0  }
0x96: {  	[sflag:s21] =	ssyncadd.s32 $0xFFFFE000  }
0x97: {  	[tilespmem:s20], [sflag:$0x1] =	stream.linear.gather [spmem:s12], $0x2000, $0x38;
	[tilespmem:$0x15080] =	vst v63  }
0x98: {  	_ =	swait.ge [sflag:s21], $0x2000  }
0x99: {  	[sflag:s21] =	ssyncset.done $0x0  }
0x9a: {  	[sflag:s21] =	ssyncadd.s32 $0xFFFFE000  }
0x9b: {  	[hbm4b:s13+s3] =	stream.linear.scatter [tilespmem:s20], [sflag:$0x1], $0x2000, $0x38;
	[tilespmem:$0x15080] =	vst v63  }
0x9c: {  	_ =	swait.ge [sflag:s21], $0x2000  }
0x9d: {  	[sflag:s21] =	ssyncset.done $0x0  }
0x9e: {  	[sflag:s21] =	ssyncadd.s32 $0xFFFFE000  }
0x9f: {  	[tilespmem:s20], [sflag:$0x1] =	stream.linear.gather [spmem:s14], $0x2000, $0x38;
	[tilespmem:$0x15080] =	vst v63  }
0xa0: {  	_ =	swait.ge [sflag:s21], $0x2000  }
0xa1: {  	[sflag:s21] =	ssyncset.done $0x0  }
0xa2: {  	[sflag:s21] =	ssyncadd.s32 $0xFFFFE000  }
0xa3: {  	[hbm4b:s15+s3] =	stream.linear.scatter [tilespmem:s20], [sflag:$0x1], $0x2000, $0x38;
	[tilespmem:$0x15080] =	vst v63  }
0xa4: {  	_ =	swait.ge [sflag:s21], $0x2000  }
0xa5: {  	[sflag:s21] =	ssyncset.done $0x0  }
0xa6: {  	[sflag:s21] =	ssyncadd.s32 $0xFFFFE000  }
0xa7: {  	[tilespmem:s20], [sflag:$0x1] =	stream.linear.gather [spmem:s16], $0x2000, $0x38;
	[tilespmem:$0x15080] =	vst v63  }
0xa8: {  	_ =	swait.ge [sflag:s21], $0x2000  }
0xa9: {  	[sflag:s21] =	ssyncset.done $0x0  }
0xaa: {  	[sflag:s21] =	ssyncadd.s32 $0xFFFFE000  }
0xab: {  	[hbm4b:s17+s3] =	stream.linear.scatter [tilespmem:s20], [sflag:$0x1], $0x2000, $0x38;
	[tilespmem:$0x15080] =	vst v63  }
0xac: {  	_ =	swait.ge [sflag:s21], $0x2000  }
0xad: {  	[sflag:s21] =	ssyncset.done $0x0  }
0xae: {  	[sflag:s21] =	ssyncadd.s32 $0xFFFFE000  }
0xaf: {  	[tilespmem:s20], [sflag:$0x1] =	stream.linear.gather [spmem:s18], $0x2000, $0x38;
	[tilespmem:$0x15080] =	vst v63  }
0xb0: {  	s25 =	sadd.s32 $0x1, s25;
	_ =	swait.ge [sflag:s21], $0x2000  }
0xb1: {  	p0 =	sne.s32 s25, s6;
	[sflag:s21] =	ssyncset.done $0x0  }
.Ltmp3:
0xb2: {  	[sflag:s21] =	ssyncadd.s32 $0xFFFFE000;
	(pc) =	sbr.rel @p0 .LBB2_1-.Ltmp3, $4  }
0xb3: {  	[hbm4b:s19+s3] =	stream.linear.scatter [tilespmem:s20], [sflag:$0x1], $0x2000, $0x38;
	[tilespmem:$0x15080] =	vst v63  }
0xb4: {  	_ =	swait.ge [sflag:s21], $0x2000  }
0xb5: {  	[sflag:s21] =	ssyncset.done $0x0  }
0xb6: {  	[sflag:s21] =	ssyncadd.s32 $0xFFFFE000  }
0xb7: {  	_ =	sfence.sel $0x180000  }
0xb8: {  	[bflag:$0x0] =	sbarrier.arrive $0xFFFF  }
0xb9: {  	p0 =	sne.s32 s0, $0x0;
	_ =	strace $0x90000047  }
0xba: {  	s0 =	sadd.s32 @!p0 $0x100000, s1;
	[bflag:$0x2] =	sbarrier.arrive $0xFFFF  }
0xbb: {  	[sflag:s0] =	ssyncadd.tile.s32 @!p0 $0x1;
	_ =	shalt  }
.Lfunc_end2:
_tile_overlayer_lowered:
.L_overlay_start_2:
0xbc: {  	(tag) =	ssettag $0x2  }
0xbd: {  	s0 =	rddreg [dreg:$0x0];
	s2 =	stileid.u32  }
0xbe: {  	s1 =	rddreg [dreg:$0x1];
	p0 =	sne.s32 s2, $0x0  }
0xbf: {  	s3 =	rddreg [dreg:$0x2];
	[bflag:$0x3] =	sbarrier.arrive $0xFFFF;
	s2 =	simm.s32 @!p0 $0x1C01  }
0xc0: {  	[timem:s3], [sflag:s2] =	dma.local @!p0 [hbm:s0], s1  }
0xc1: {  	s0 =	simm.s32 @!p0 $0x1  }
0xc2: {  	_ =	swait.ge @!p0 [sflag:s0], s1  }
0xc3: {  	s1 =	ssub.s32 @!p0 $0x0, s1;
	[sflag:s0] =	ssyncset.done @!p0 $0x0  }
0xc4: {  	[sflag:s0] =	ssyncadd.s32 @!p0 s1  }
0xc5: {  	[bflag:$0x3] =	sbarrier.arrive $0xFFFF  }
0xc6: {  	_ =	shalt  }

</sc_bundles>
